<compile_context>
chip_gen: v7x
topology: tpu7x:2x2x1
jax: 0.10.2.dev20260603
libtpu: 0.0.44.dev20260713+nightly
codegen_flags: <defaults>
</compile_context>

<pallas_src>
import jax
import jax.numpy as jnp
from jax import lax
from jax.experimental import pallas as pl
from jax.experimental.pallas import tpu as pltpu
from jax.experimental.pallas import tpu_sc as plsc

D_MODEL = 1024
N_ROWS = 8192
N_WORKERS = 32
ROWS_PER_WORKER = N_ROWS // N_WORKERS
CHUNK = 16
N_CHUNKS = ROWS_PER_WORKER // CHUNK
NXB = 4
NPB = 3
LEAD = 2
VECS_PER_ROW = D_MODEL // 16

_mesh = plsc.VectorSubcoreMesh(core_axis_name="c", subcore_axis_name="s")

_scratch = (
    [pltpu.VMEM((ROWS_PER_WORKER,), jnp.int32)]
    + [pltpu.VMEM((CHUNK, D_MODEL), jnp.float32) for _ in range(NXB + NPB)]
    + [pltpu.SemaphoreType.DMA for _ in range(2 * NXB + NPB)]
)


@pl.kernel(
    mesh=_mesh,
    out_type=jax.ShapeDtypeStruct((N_ROWS, D_MODEL), jnp.float32),
    scratch_types=_scratch,
)
def _lookup_add(x_hbm, ids_hbm, pe_hbm, out_hbm, idx_all, *bufs):
    x_b = list(bufs[:NXB])
    pe_b = list(bufs[NXB:NXB + NPB])
    sems = bufs[NXB + NPB:]
    sx = list(sems[:NXB])
    so = list(sems[NXB:2 * NXB])
    sp = list(sems[2 * NXB:])

    wid = lax.axis_index("s") * 2 + lax.axis_index("c")
    base = wid * ROWS_PER_WORKER

    def start_xload(ch):
        row0 = base + ch * CHUNK
        return pltpu.async_copy(
            x_hbm.at[pl.ds(row0, CHUNK), :], x_b[ch % NXB], sx[ch % NXB])

    def start_gather(ch):
        return pltpu.async_copy(
            pe_hbm.at[idx_all.at[pl.ds(ch * CHUNK, CHUNK)]],
            pe_b[ch % NPB], sp[ch % NPB])

    def start_load(ch):
        return start_xload(ch), start_gather(ch)

    first_x = [start_xload(ch) for ch in range(LEAD)]
    pltpu.sync_copy(ids_hbm.at[pl.ds(base, ROWS_PER_WORKER)], idx_all)

    loads = {}
    writes = {}
    for ch in range(LEAD):
        loads[ch] = (first_x[ch], start_gather(ch))

    for ch in range(N_CHUNKS):
        hx, hp = loads.pop(ch)
        hx.wait()
        hp.wait()

        xb, pb = x_b[ch % NXB], pe_b[ch % NPB]

        @plsc.parallel_loop(0, CHUNK * VECS_PER_ROW, unroll=8)
        def _add(t):
            r = t // VECS_PER_ROW
            j = t % VECS_PER_ROW
            sl = pl.ds(j * 16, 16)
            plsc.addupdate(xb.at[r, sl], pb[r, sl])

        row0 = base + ch * CHUNK
        writes[ch] = pltpu.async_copy(
            xb, out_hbm.at[pl.ds(row0, CHUNK), :], so[ch % NXB])
        nxt = ch + LEAD
        if nxt < N_CHUNKS:
            if nxt >= NXB:
                writes.pop(nxt - NXB).wait()
            loads[nxt] = start_load(nxt)

    for ch in sorted(writes):
        writes.pop(ch).wait()


def kernel(x, position_ids, pe_weight):
    B, L, D = x.shape
    xf = x.reshape(B * L, D)
    ids = position_ids.reshape(B * L).astype(jnp.int32)
    out = _lookup_add(xf, ids, pe_weight)
    return out.reshape(B, L, D)

# --- scband reference (transcript-rebuilt; emitter-appended) ---
"""Pipeline reference for scband-learnable-positional-embedding-88948772700980 (READ-ONLY COPY).

The authoritative reference and input builder live on the scoring server;
editing this copy changes nothing except your own understanding.
"""

import jax, jax.numpy as jnp
import numpy as np

D_MODEL = 1024
MAX_LEN = 2048
INIT_STD = 0.0001
B = 4
L = 2048


def setup_inputs(seed: int = 0) -> dict:
    key = jax.random.key(seed)
    k_x, k_ids, k_pe = jax.random.split(key, 3)
    x = jax.random.normal(k_x, (B, L, D_MODEL), dtype=jnp.float32)
    position_ids = jax.random.randint(k_ids, (B, L), 0, MAX_LEN, dtype=jnp.int64 if jax.config.read('jax_enable_x64') else jnp.int32)
    pe_weight = jax.random.normal(k_pe, (MAX_LEN, D_MODEL), dtype=jnp.float32) * INIT_STD
    return {"x": x, "position_ids": position_ids, "pe_weight": pe_weight}


def reference(x, position_ids, pe_weight):
    # Faithful translation: pos_embeddings = pe(position_ids); return x + pos_embeddings
    pos_embeddings = jnp.take(pe_weight, position_ids, axis=0)  # [B, L, d_model]
    return x + pos_embeddings

if __name__ == "__main__":
    import jax
    _d = setup_inputs()
    print(jax.jit(kernel)(*tuple(_d.values())))

</pallas_src>

<mosaic_0001>
#map = affine_map<(d0, d1) -> (0, 0)>
#map1 = affine_map<(d0, d1) -> (0)>
module attributes {stable_mosaic.version = 14 : i64} {
  func.func @_lookup_add(%arg0: i32, %arg1: i32, %arg2: memref<8192x1024xf32, #tpu.memory_space<hbm>>, %arg3: memref<8192xi32, #tpu.memory_space<hbm>>, %arg4: memref<2048x1024xf32, #tpu.memory_space<hbm>>, %arg5: memref<8192x1024xf32, #tpu.memory_space<hbm>>, %arg6: memref<256xi32, #tpu.memory_space<vmem>>, %arg7: memref<16x1024xf32, #tpu.memory_space<vmem>>, %arg8: memref<16x1024xf32, #tpu.memory_space<vmem>>, %arg9: memref<16x1024xf32, #tpu.memory_space<vmem>>, %arg10: memref<16x1024xf32, #tpu.memory_space<vmem>>, %arg11: memref<16x1024xf32, #tpu.memory_space<vmem>>, %arg12: memref<16x1024xf32, #tpu.memory_space<vmem>>, %arg13: memref<16x1024xf32, #tpu.memory_space<vmem>>, %arg14: memref<!tpu.dma_semaphore, #tpu.memory_space<semaphore_mem>>, %arg15: memref<!tpu.dma_semaphore, #tpu.memory_space<semaphore_mem>>, %arg16: memref<!tpu.dma_semaphore, #tpu.memory_space<semaphore_mem>>, %arg17: memref<!tpu.dma_semaphore, #tpu.memory_space<semaphore_mem>>, %arg18: memref<!tpu.dma_semaphore, #tpu.memory_space<semaphore_mem>>, %arg19: memref<!tpu.dma_semaphore, #tpu.memory_space<semaphore_mem>>, %arg20: memref<!tpu.dma_semaphore, #tpu.memory_space<semaphore_mem>>, %arg21: memref<!tpu.dma_semaphore, #tpu.memory_space<semaphore_mem>>, %arg22: memref<!tpu.dma_semaphore, #tpu.memory_space<semaphore_mem>>, %arg23: memref<!tpu.dma_semaphore, #tpu.memory_space<semaphore_mem>>, %arg24: memref<!tpu.dma_semaphore, #tpu.memory_space<semaphore_mem>>) attributes {dimension_semantics = [#tpu.dimension_semantics<core_parallel>, #tpu.dimension_semantics<subcore_parallel>], iteration_bounds = array<i64: 2, 16>, scalar_prefetch = 0 : i64, scratch_operands = 19 : i64, tpu.core_type = #tpu.core_type<sc_vector_subcore>, window_params = [{transform_indices = #map}, {transform_indices = #map1}, {transform_indices = #map}, {transform_indices = #map}]} {
    %mul3A = arith.constant 2 : i32
    %mul3A_0 = arith.muli %arg1, %mul3A : i32
    %add3A = arith.addi %mul3A_0, %arg0 : i32
    %mul3A_1 = arith.constant 256 : i32
    %mul3A_2 = arith.muli %add3A, %mul3A_1 : i32
    %add3A_3 = arith.constant 0 : i32
    %add3A_4 = arith.addi %mul3A_2, %add3A_3 : i32
    %dma_start3A = arith.constant 0 : i32
    %dma_start3A_5 = tpu.memref_slice %arg2[%add3A_4, %dma_start3A] : memref<8192x1024xf32, #tpu.memory_space<hbm>> -> memref<16x1024xf32, #tpu.memory_space<hbm>>
    %dma_start3A_6 = arith.constant 0 : i32
    %dma_start3A_7 = tpu.memref_slice %arg2[%add3A_4, %dma_start3A_6] : memref<8192x1024xf32, #tpu.memory_space<hbm>> -> memref<16x1024xf32, #tpu.memory_space<hbm>>
    tpu.enqueue_dma source(%dma_start3A_7 : memref<16x1024xf32, #tpu.memory_space<hbm>>) target(%arg7 : memref<16x1024xf32, #tpu.memory_space<vmem>>) target_semaphore(%arg14 : memref<!tpu.dma_semaphore, #tpu.memory_space<semaphore_mem>>)
    %add3A_8 = arith.constant 16 : i32
    %add3A_9 = arith.addi %mul3A_2, %add3A_8 : i32
    %dma_start3A_10 = arith.constant 0 : i32
    %dma_start3A_11 = tpu.memref_slice %arg2[%add3A_9, %dma_start3A_10] : memref<8192x1024xf32, #tpu.memory_space<hbm>> -> memref<16x1024xf32, #tpu.memory_space<hbm>>
    %dma_start3A_12 = arith.constant 0 : i32
    %dma_start3A_13 = tpu.memref_slice %arg2[%add3A_9, %dma_start3A_12] : memref<8192x1024xf32, #tpu.memory_space<hbm>> -> memref<16x1024xf32, #tpu.memory_space<hbm>>
    tpu.enqueue_dma source(%dma_start3A_13 : memref<16x1024xf32, #tpu.memory_space<hbm>>) target(%arg8 : memref<16x1024xf32, #tpu.memory_space<vmem>>) target_semaphore(%arg15 : memref<!tpu.dma_semaphore, #tpu.memory_space<semaphore_mem>>)
    "tpu.region"() ({
      %run_scoped3A = tpu.sem_alloc : memref<!tpu.dma_semaphore, #tpu.memory_space<semaphore_mem>>
      %dma_start3A_528 = tpu.memref_slice %arg3[%mul3A_2] : memref<8192xi32, #tpu.memory_space<hbm>> -> memref<256xi32, #tpu.memory_space<hbm>>
      %dma_start3A_529 = tpu.memref_slice %arg3[%mul3A_2] : memref<8192xi32, #tpu.memory_space<hbm>> -> memref<256xi32, #tpu.memory_space<hbm>>
      tpu.enqueue_dma source(%dma_start3A_529 : memref<256xi32, #tpu.memory_space<hbm>>) target(%arg6 : memref<256xi32, #tpu.memory_space<vmem>>) target_semaphore(%run_scoped3A : memref<!tpu.dma_semaphore, #tpu.memory_space<semaphore_mem>>)
      %dma_wait3A_530 = tpu.memref_slice %arg3[%mul3A_2] : memref<8192xi32, #tpu.memory_space<hbm>> -> memref<256xi32, #tpu.memory_space<hbm>>
      %dma_wait3A_531 = tpu.memref_slice %arg3[%mul3A_2] : memref<8192xi32, #tpu.memory_space<hbm>> -> memref<256xi32, #tpu.memory_space<hbm>>
      tpu.wait_dma2 semaphore(%run_scoped3A : memref<!tpu.dma_semaphore, #tpu.memory_space<semaphore_mem>>) src(%dma_wait3A_531 : memref<256xi32, #tpu.memory_space<hbm>>) dst(%arg6 : memref<256xi32, #tpu.memory_space<vmem>>)
      tpu.yield
    }) : () -> ()
    %dma_start3A_14 = arith.constant 0 : i32
    %dma_start3A_15 = tpu.memref_slice %arg6[%dma_start3A_14] : memref<256xi32, #tpu.memory_space<vmem>> -> memref<16xi32, #tpu.memory_space<vmem>>
    %dma_start3A_16 = arith.constant 0 : i32
    %dma_start3A_17 = arith.constant 0 : i32
    %dma_start3A_18 = tpu.memref_slice %arg4[%dma_start3A_16, %dma_start3A_17] : memref<2048x1024xf32, #tpu.memory_space<hbm>> -> memref<2048x1024xf32, #tpu.memory_space<hbm>>
    tpu.enqueue_indirect_dma source(%dma_start3A_18 : memref<2048x1024xf32, #tpu.memory_space<hbm>>) target(%arg11 : memref<16x1024xf32, #tpu.memory_space<vmem>>) offsets(%dma_start3A_15 : memref<16xi32, #tpu.memory_space<vmem>>) semaphore(%arg22 : memref<!tpu.dma_semaphore, #tpu.memory_space<semaphore_mem>>)
    %dma_start3A_19 = arith.constant 16 : i32
    %dma_start3A_20 = tpu.memref_slice %arg6[%dma_start3A_19] : memref<256xi32, #tpu.memory_space<vmem>> -> memref<16xi32, #tpu.memory_space<vmem>>
    %dma_start3A_21 = arith.constant 0 : i32
    %dma_start3A_22 = arith.constant 0 : i32
    %dma_start3A_23 = tpu.memref_slice %arg4[%dma_start3A_21, %dma_start3A_22] : memref<2048x1024xf32, #tpu.memory_space<hbm>> -> memref<2048x1024xf32, #tpu.memory_space<hbm>>
    tpu.enqueue_indirect_dma source(%dma_start3A_23 : memref<2048x1024xf32, #tpu.memory_space<hbm>>) target(%arg12 : memref<16x1024xf32, #tpu.memory_space<vmem>>) offsets(%dma_start3A_20 : memref<16xi32, #tpu.memory_space<vmem>>) semaphore(%arg23 : memref<!tpu.dma_semaphore, #tpu.memory_space<semaphore_mem>>)
    %dma_wait3A = arith.constant 0 : i32
    %dma_wait3A_24 = tpu.memref_slice %arg2[%add3A_4, %dma_wait3A] : memref<8192x1024xf32, #tpu.memory_space<hbm>> -> memref<16x1024xf32, #tpu.memory_space<hbm>>
    %dma_wait3A_25 = arith.constant 0 : i32
    %dma_wait3A_26 = tpu.memref_slice %arg2[%add3A_4, %dma_wait3A_25] : memref<8192x1024xf32, #tpu.memory_space<hbm>> -> memref<16x1024xf32, #tpu.memory_space<hbm>>
    tpu.wait_dma2 semaphore(%arg14 : memref<!tpu.dma_semaphore, #tpu.memory_space<semaphore_mem>>) src(%dma_wait3A_26 : memref<16x1024xf32, #tpu.memory_space<hbm>>) dst(%arg7 : memref<16x1024xf32, #tpu.memory_space<vmem>>)
    %dma_wait3A_27 = arith.constant 0 : i32
    %dma_wait3A_28 = tpu.memref_slice %arg6[%dma_wait3A_27] : memref<256xi32, #tpu.memory_space<vmem>> -> memref<16xi32, #tpu.memory_space<vmem>>
    %dma_wait3A_29 = arith.constant 0 : i32
    %dma_wait3A_30 = arith.constant 0 : i32
    %dma_wait3A_31 = tpu.memref_slice %arg4[%dma_wait3A_29, %dma_wait3A_30] : memref<2048x1024xf32, #tpu.memory_space<hbm>> -> memref<2048x1024xf32, #tpu.memory_space<hbm>>
    tpu.wait_indirect_dma semaphore(%arg22 : memref<!tpu.dma_semaphore, #tpu.memory_space<semaphore_mem>>) src(%dma_wait3A_31 : memref<2048x1024xf32, #tpu.memory_space<hbm>>) dst(%arg11 : memref<16x1024xf32, #tpu.memory_space<vmem>>)
    %parallel_loop3A = arith.constant 0 : i32
    %parallel_loop3A_32 = arith.constant 1024 : i32
    %parallel_loop3A_33 = arith.constant 1 : i32
    scf.for %parallel_loop3A_528 = %parallel_loop3A to %parallel_loop3A_32 step %parallel_loop3A_33  : i32 {
      %parallel_loop3A_529 = arith.constant 64 : i32
      %parallel_loop3A_530 = arith.divsi %parallel_loop3A_528, %parallel_loop3A_529 : i32
      %parallel_loop3A_531 = arith.constant 0 : i32
      %parallel_loop3A_532 = arith.cmpi sgt, %parallel_loop3A_528, %parallel_loop3A_531 : i32
      %parallel_loop3A_533 = arith.extui %parallel_loop3A_532 : i1 to i32
      %parallel_loop3A_534 = arith.constant 0 : i32
      %parallel_loop3A_535 = arith.cmpi slt, %parallel_loop3A_528, %parallel_loop3A_534 : i32
      %parallel_loop3A_536 = arith.extui %parallel_loop3A_535 : i1 to i32
      %parallel_loop3A_537 = arith.subi %parallel_loop3A_533, %parallel_loop3A_536 : i32
      %parallel_loop3A_538 = arith.constant 0 : i32
      %parallel_loop3A_539 = arith.cmpi sgt, %parallel_loop3A_529, %parallel_loop3A_538 : i32
      %parallel_loop3A_540 = arith.extui %parallel_loop3A_539 : i1 to i32
      %parallel_loop3A_541 = arith.constant 0 : i32
      %parallel_loop3A_542 = arith.cmpi slt, %parallel_loop3A_529, %parallel_loop3A_541 : i32
      %parallel_loop3A_543 = arith.extui %parallel_loop3A_542 : i1 to i32
      %parallel_loop3A_544 = arith.subi %parallel_loop3A_540, %parallel_loop3A_543 : i32
      %parallel_loop3A_545 = arith.cmpi ne, %parallel_loop3A_537, %parallel_loop3A_544 : i32
      %parallel_loop3A_546 = arith.remsi %parallel_loop3A_528, %parallel_loop3A_529 : i32
      %parallel_loop3A_547 = arith.constant 0 : i32
      %parallel_loop3A_548 = arith.cmpi ne, %parallel_loop3A_546, %parallel_loop3A_547 : i32
      %parallel_loop3A_549 = arith.andi %parallel_loop3A_545, %parallel_loop3A_548 : i1
      %parallel_loop3A_550 = arith.constant 1 : i32
      %parallel_loop3A_551 = arith.subi %parallel_loop3A_530, %parallel_loop3A_550 : i32
      %parallel_loop3A_552 = arith.select %parallel_loop3A_549, %parallel_loop3A_551, %parallel_loop3A_530 : i32
      %parallel_loop3A_553 = arith.constant 64 : i32
      %parallel_loop3A_554 = arith.constant 0 : i32
      %parallel_loop3A_555 = arith.cmpi eq, %parallel_loop3A_553, %parallel_loop3A_554 : i32
      %parallel_loop3A_556 = arith.constant 1 : i32
      %parallel_loop3A_557 = arith.select %parallel_loop3A_555, %parallel_loop3A_556, %parallel_loop3A_553 : i32
      %parallel_loop3A_558 = arith.remsi %parallel_loop3A_528, %parallel_loop3A_557 : i32
      %parallel_loop3A_559 = arith.constant 0 : i32
      %parallel_loop3A_560 = arith.cmpi ne, %parallel_loop3A_558, %parallel_loop3A_559 : i32
      %parallel_loop3A_561 = arith.constant 0 : i32
      %parallel_loop3A_562 = arith.cmpi slt, %parallel_loop3A_558, %parallel_loop3A_561 : i32
      %parallel_loop3A_563 = arith.constant 0 : i32
      %parallel_loop3A_564 = arith.cmpi slt, %parallel_loop3A_557, %parallel_loop3A_563 : i32
      %parallel_loop3A_565 = arith.xori %parallel_loop3A_562, %parallel_loop3A_564 : i1
      %parallel_loop3A_566 = arith.andi %parallel_loop3A_565, %parallel_loop3A_560 : i1
      %parallel_loop3A_567 = arith.addi %parallel_loop3A_558, %parallel_loop3A_557 : i32
      %parallel_loop3A_568 = arith.select %parallel_loop3A_566, %parallel_loop3A_567, %parallel_loop3A_558 : i32
      %parallel_loop3A_569 = arith.constant 16 : i32
      %parallel_loop3A_570 = arith.muli %parallel_loop3A_568, %parallel_loop3A_569 : i32
      %parallel_loop3A_571 = arith.index_cast %parallel_loop3A_552 : i32 to index
      %parallel_loop3A_572 = arith.index_cast %parallel_loop3A_570 : i32 to index
      %parallel_loop3A_573 = tpu.vector_load %arg11[%parallel_loop3A_571, %parallel_loop3A_572] {strides = array<i32>} : memref<16x1024xf32, #tpu.memory_space<vmem>>, vector<1x16xf32>,
      %parallel_loop3A_574 = vector.shape_cast %parallel_loop3A_573 : vector<1x16xf32> to vector<16xf32>
      %parallel_loop3A_575 = arith.index_cast %parallel_loop3A_552 : i32 to index
      %parallel_loop3A_576 = arith.index_cast %parallel_loop3A_570 : i32 to index
      %parallel_loop3A_577 = tpu.vector_load %arg7[%parallel_loop3A_575, %parallel_loop3A_576] {strides = array<i32>} : memref<16x1024xf32, #tpu.memory_space<vmem>>, vector<1x16xf32>,
      %parallel_loop3A_578 = vector.shape_cast %parallel_loop3A_577 : vector<1x16xf32> to vector<16xf32>
      %parallel_loop3A_579 = vector.shape_cast %parallel_loop3A_574 : vector<16xf32> to vector<1x16xf32>
      tpu.vector_store %arg7[%parallel_loop3A_575, %parallel_loop3A_576], %parallel_loop3A_579 {add = true, strides = array<i32>} : memref<16x1024xf32, #tpu.memory_space<vmem>>, vector<1x16xf32>,
    } {sc.loop_unroll_factor = 8 : i64, sc.parallel_access}
    %add3A_34 = arith.constant 0 : i32
    %add3A_35 = arith.addi %mul3A_2, %add3A_34 : i32
    %dma_start3A_36 = arith.constant 0 : i32
    %dma_start3A_37 = tpu.memref_slice %arg5[%add3A_35, %dma_start3A_36] : memref<8192x1024xf32, #tpu.memory_space<hbm>> -> memref<16x1024xf32, #tpu.memory_space<hbm>>
    %dma_start3A_38 = arith.constant 0 : i32
    %dma_start3A_39 = tpu.memref_slice %arg5[%add3A_35, %dma_start3A_38] : memref<8192x1024xf32, #tpu.memory_space<hbm>> -> memref<16x1024xf32, #tpu.memory_space<hbm>>
    tpu.enqueue_dma source(%arg7 : memref<16x1024xf32, #tpu.memory_space<vmem>>) target(%dma_start3A_39 : memref<16x1024xf32, #tpu.memory_space<hbm>>) target_semaphore(%arg18 : memref<!tpu.dma_semaphore, #tpu.memory_space<semaphore_mem>>)
    %add3A_40 = arith.constant 32 : i32
    %add3A_41 = arith.addi %mul3A_2, %add3A_40 : i32
    %dma_start3A_42 = arith.constant 0 : i32
    %dma_start3A_43 = tpu.memref_slice %arg2[%add3A_41, %dma_start3A_42] : memref<8192x1024xf32, #tpu.memory_space<hbm>> -> memref<16x1024xf32, #tpu.memory_space<hbm>>
    %dma_start3A_44 = arith.constant 0 : i32
    %dma_start3A_45 = tpu.memref_slice %arg2[%add3A_41, %dma_start3A_44] : memref<8192x1024xf32, #tpu.memory_space<hbm>> -> memref<16x1024xf32, #tpu.memory_space<hbm>>
    tpu.enqueue_dma source(%dma_start3A_45 : memref<16x1024xf32, #tpu.memory_space<hbm>>) target(%arg9 : memref<16x1024xf32, #tpu.memory_space<vmem>>) target_semaphore(%arg16 : memref<!tpu.dma_semaphore, #tpu.memory_space<semaphore_mem>>)
    %dma_start3A_46 = arith.constant 32 : i32
    %dma_start3A_47 = tpu.memref_slice %arg6[%dma_start3A_46] : memref<256xi32, #tpu.memory_space<vmem>> -> memref<16xi32, #tpu.memory_space<vmem>>
    %dma_start3A_48 = arith.constant 0 : i32
    %dma_start3A_49 = arith.constant 0 : i32
    %dma_start3A_50 = tpu.memref_slice %arg4[%dma_start3A_48, %dma_start3A_49] : memref<2048x1024xf32, #tpu.memory_space<hbm>> -> memref<2048x1024xf32, #tpu.memory_space<hbm>>
    tpu.enqueue_indirect_dma source(%dma_start3A_50 : memref<2048x1024xf32, #tpu.memory_space<hbm>>) target(%arg13 : memref<16x1024xf32, #tpu.memory_space<vmem>>) offsets(%dma_start3A_47 : memref<16xi32, #tpu.memory_space<vmem>>) semaphore(%arg24 : memref<!tpu.dma_semaphore, #tpu.memory_space<semaphore_mem>>)
    %dma_wait3A_51 = arith.constant 0 : i32
    %dma_wait3A_52 = tpu.memref_slice %arg2[%add3A_9, %dma_wait3A_51] : memref<8192x1024xf32, #tpu.memory_space<hbm>> -> memref<16x1024xf32, #tpu.memory_space<hbm>>
    %dma_wait3A_53 = arith.constant 0 : i32
    %dma_wait3A_54 = tpu.memref_slice %arg2[%add3A_9, %dma_wait3A_53] : memref<8192x1024xf32, #tpu.memory_space<hbm>> -> memref<16x1024xf32, #tpu.memory_space<hbm>>
    tpu.wait_dma2 semaphore(%arg15 : memref<!tpu.dma_semaphore, #tpu.memory_space<semaphore_mem>>) src(%dma_wait3A_54 : memref<16x1024xf32, #tpu.memory_space<hbm>>) dst(%arg8 : memref<16x1024xf32, #tpu.memory_space<vmem>>)
    %dma_wait3A_55 = arith.constant 16 : i32
    %dma_wait3A_56 = tpu.memref_slice %arg6[%dma_wait3A_55] : memref<256xi32, #tpu.memory_space<vmem>> -> memref<16xi32, #tpu.memory_space<vmem>>
    %dma_wait3A_57 = arith.constant 0 : i32
    %dma_wait3A_58 = arith.constant 0 : i32
    %dma_wait3A_59 = tpu.memref_slice %arg4[%dma_wait3A_57, %dma_wait3A_58] : memref<2048x1024xf32, #tpu.memory_space<hbm>> -> memref<2048x1024xf32, #tpu.memory_space<hbm>>
    tpu.wait_indirect_dma semaphore(%arg23 : memref<!tpu.dma_semaphore, #tpu.memory_space<semaphore_mem>>) src(%dma_wait3A_59 : memref<2048x1024xf32, #tpu.memory_space<hbm>>) dst(%arg12 : memref<16x1024xf32, #tpu.memory_space<vmem>>)
    %parallel_loop3A_60 = arith.constant 0 : i32
    %parallel_loop3A_61 = arith.constant 1024 : i32
    %parallel_loop3A_62 = arith.constant 1 : i32
    scf.for %parallel_loop3A_528 = %parallel_loop3A_60 to %parallel_loop3A_61 step %parallel_loop3A_62  : i32 {
      %parallel_loop3A_529 = arith.constant 64 : i32
      %parallel_loop3A_530 = arith.divsi %parallel_loop3A_528, %parallel_loop3A_529 : i32
      %parallel_loop3A_531 = arith.constant 0 : i32
      %parallel_loop3A_532 = arith.cmpi sgt, %parallel_loop3A_528, %parallel_loop3A_531 : i32
      %parallel_loop3A_533 = arith.extui %parallel_loop3A_532 : i1 to i32
      %parallel_loop3A_534 = arith.constant 0 : i32
      %parallel_loop3A_535 = arith.cmpi slt, %parallel_loop3A_528, %parallel_loop3A_534 : i32
      %parallel_loop3A_536 = arith.extui %parallel_loop3A_535 : i1 to i32
      %parallel_loop3A_537 = arith.subi %parallel_loop3A_533, %parallel_loop3A_536 : i32
      %parallel_loop3A_538 = arith.constant 0 : i32
      %parallel_loop3A_539 = arith.cmpi sgt, %parallel_loop3A_529, %parallel_loop3A_538 : i32
      %parallel_loop3A_540 = arith.extui %parallel_loop3A_539 : i1 to i32
      %parallel_loop3A_541 = arith.constant 0 : i32
      %parallel_loop3A_542 = arith.cmpi slt, %parallel_loop3A_529, %parallel_loop3A_541 : i32
      %parallel_loop3A_543 = arith.extui %parallel_loop3A_542 : i1 to i32
      %parallel_loop3A_544 = arith.subi %parallel_loop3A_540, %parallel_loop3A_543 : i32
      %parallel_loop3A_545 = arith.cmpi ne, %parallel_loop3A_537, %parallel_loop3A_544 : i32
      %parallel_loop3A_546 = arith.remsi %parallel_loop3A_528, %parallel_loop3A_529 : i32
      %parallel_loop3A_547 = arith.constant 0 : i32
      %parallel_loop3A_548 = arith.cmpi ne, %parallel_loop3A_546, %parallel_loop3A_547 : i32
      %parallel_loop3A_549 = arith.andi %parallel_loop3A_545, %parallel_loop3A_548 : i1
      %parallel_loop3A_550 = arith.constant 1 : i32
      %parallel_loop3A_551 = arith.subi %parallel_loop3A_530, %parallel_loop3A_550 : i32
      %parallel_loop3A_552 = arith.select %parallel_loop3A_549, %parallel_loop3A_551, %parallel_loop3A_530 : i32
      %parallel_loop3A_553 = arith.constant 64 : i32
      %parallel_loop3A_554 = arith.constant 0 : i32
      %parallel_loop3A_555 = arith.cmpi eq, %parallel_loop3A_553, %parallel_loop3A_554 : i32
      %parallel_loop3A_556 = arith.constant 1 : i32
      %parallel_loop3A_557 = arith.select %parallel_loop3A_555, %parallel_loop3A_556, %parallel_loop3A_553 : i32
      %parallel_loop3A_558 = arith.remsi %parallel_loop3A_528, %parallel_loop3A_557 : i32
      %parallel_loop3A_559 = arith.constant 0 : i32
      %parallel_loop3A_560 = arith.cmpi ne, %parallel_loop3A_558, %parallel_loop3A_559 : i32
      %parallel_loop3A_561 = arith.constant 0 : i32
      %parallel_loop3A_562 = arith.cmpi slt, %parallel_loop3A_558, %parallel_loop3A_561 : i32
      %parallel_loop3A_563 = arith.constant 0 : i32
      %parallel_loop3A_564 = arith.cmpi slt, %parallel_loop3A_557, %parallel_loop3A_563 : i32
      %parallel_loop3A_565 = arith.xori %parallel_loop3A_562, %parallel_loop3A_564 : i1
      %parallel_loop3A_566 = arith.andi %parallel_loop3A_565, %parallel_loop3A_560 : i1
      %parallel_loop3A_567 = arith.addi %parallel_loop3A_558, %parallel_loop3A_557 : i32
      %parallel_loop3A_568 = arith.select %parallel_loop3A_566, %parallel_loop3A_567, %parallel_loop3A_558 : i32
      %parallel_loop3A_569 = arith.constant 16 : i32
      %parallel_loop3A_570 = arith.muli %parallel_loop3A_568, %parallel_loop3A_569 : i32
      %parallel_loop3A_571 = arith.index_cast %parallel_loop3A_552 : i32 to index
      %parallel_loop3A_572 = arith.index_cast %parallel_loop3A_570 : i32 to index
      %parallel_loop3A_573 = tpu.vector_load %arg12[%parallel_loop3A_571, %parallel_loop3A_572] {strides = array<i32>} : memref<16x1024xf32, #tpu.memory_space<vmem>>, vector<1x16xf32>,
      %parallel_loop3A_574 = vector.shape_cast %parallel_loop3A_573 : vector<1x16xf32> to vector<16xf32>
      %parallel_loop3A_575 = arith.index_cast %parallel_loop3A_552 : i32 to index
      %parallel_loop3A_576 = arith.index_cast %parallel_loop3A_570 : i32 to index
      %parallel_loop3A_577 = tpu.vector_load %arg8[%parallel_loop3A_575, %parallel_loop3A_576] {strides = array<i32>} : memref<16x1024xf32, #tpu.memory_space<vmem>>, vector<1x16xf32>,
      %parallel_loop3A_578 = vector.shape_cast %parallel_loop3A_577 : vector<1x16xf32> to vector<16xf32>
      %parallel_loop3A_579 = vector.shape_cast %parallel_loop3A_574 : vector<16xf32> to vector<1x16xf32>
      tpu.vector_store %arg8[%parallel_loop3A_575, %parallel_loop3A_576], %parallel_loop3A_579 {add = true, strides = array<i32>} : memref<16x1024xf32, #tpu.memory_space<vmem>>, vector<1x16xf32>,
    } {sc.loop_unroll_factor = 8 : i64, sc.parallel_access}
    %add3A_63 = arith.constant 16 : i32
    %add3A_64 = arith.addi %mul3A_2, %add3A_63 : i32
    %dma_start3A_65 = arith.constant 0 : i32
    %dma_start3A_66 = tpu.memref_slice %arg5[%add3A_64, %dma_start3A_65] : memref<8192x1024xf32, #tpu.memory_space<hbm>> -> memref<16x1024xf32, #tpu.memory_space<hbm>>
    %dma_start3A_67 = arith.constant 0 : i32
    %dma_start3A_68 = tpu.memref_slice %arg5[%add3A_64, %dma_start3A_67] : memref<8192x1024xf32, #tpu.memory_space<hbm>> -> memref<16x1024xf32, #tpu.memory_space<hbm>>
    tpu.enqueue_dma source(%arg8 : memref<16x1024xf32, #tpu.memory_space<vmem>>) target(%dma_start3A_68 : memref<16x1024xf32, #tpu.memory_space<hbm>>) target_semaphore(%arg19 : memref<!tpu.dma_semaphore, #tpu.memory_space<semaphore_mem>>)
    %add3A_69 = arith.constant 48 : i32
    %add3A_70 = arith.addi %mul3A_2, %add3A_69 : i32
    %dma_start3A_71 = arith.constant 0 : i32
    %dma_start3A_72 = tpu.memref_slice %arg2[%add3A_70, %dma_start3A_71] : memref<8192x1024xf32, #tpu.memory_space<hbm>> -> memref<16x1024xf32, #tpu.memory_space<hbm>>
    %dma_start3A_73 = arith.constant 0 : i32
    %dma_start3A_74 = tpu.memref_slice %arg2[%add3A_70, %dma_start3A_73] : memref<8192x1024xf32, #tpu.memory_space<hbm>> -> memref<16x1024xf32, #tpu.memory_space<hbm>>
    tpu.enqueue_dma source(%dma_start3A_74 : memref<16x1024xf32, #tpu.memory_space<hbm>>) target(%arg10 : memref<16x1024xf32, #tpu.memory_space<vmem>>) target_semaphore(%arg17 : memref<!tpu.dma_semaphore, #tpu.memory_space<semaphore_mem>>)
    %dma_start3A_75 = arith.constant 48 : i32
    %dma_start3A_76 = tpu.memref_slice %arg6[%dma_start3A_75] : memref<256xi32, #tpu.memory_space<vmem>> -> memref<16xi32, #tpu.memory_space<vmem>>
    %dma_start3A_77 = arith.constant 0 : i32
    %dma_start3A_78 = arith.constant 0 : i32
    %dma_start3A_79 = tpu.memref_slice %arg4[%dma_start3A_77, %dma_start3A_78] : memref<2048x1024xf32, #tpu.memory_space<hbm>> -> memref<2048x1024xf32, #tpu.memory_space<hbm>>
    tpu.enqueue_indirect_dma source(%dma_start3A_79 : memref<2048x1024xf32, #tpu.memory_space<hbm>>) target(%arg11 : memref<16x1024xf32, #tpu.memory_space<vmem>>) offsets(%dma_start3A_76 : memref<16xi32, #tpu.memory_space<vmem>>) semaphore(%arg22 : memref<!tpu.dma_semaphore, #tpu.memory_space<semaphore_mem>>)
    %dma_wait3A_80 = arith.constant 0 : i32
    %dma_wait3A_81 = tpu.memref_slice %arg2[%add3A_41, %dma_wait3A_80] : memref<8192x1024xf32, #tpu.memory_space<hbm>> -> memref<16x1024xf32, #tpu.memory_space<hbm>>
    %dma_wait3A_82 = arith.constant 0 : i32
    %dma_wait3A_83 = tpu.memref_slice %arg2[%add3A_41, %dma_wait3A_82] : memref<8192x1024xf32, #tpu.memory_space<hbm>> -> memref<16x1024xf32, #tpu.memory_space<hbm>>
    tpu.wait_dma2 semaphore(%arg16 : memref<!tpu.dma_semaphore, #tpu.memory_space<semaphore_mem>>) src(%dma_wait3A_83 : memref<16x1024xf32, #tpu.memory_space<hbm>>) dst(%arg9 : memref<16x1024xf32, #tpu.memory_space<vmem>>)
    %dma_wait3A_84 = arith.constant 32 : i32
    %dma_wait3A_85 = tpu.memref_slice %arg6[%dma_wait3A_84] : memref<256xi32, #tpu.memory_space<vmem>> -> memref<16xi32, #tpu.memory_space<vmem>>
    %dma_wait3A_86 = arith.constant 0 : i32
    %dma_wait3A_87 = arith.constant 0 : i32
    %dma_wait3A_88 = tpu.memref_slice %arg4[%dma_wait3A_86, %dma_wait3A_87] : memref<2048x1024xf32, #tpu.memory_space<hbm>> -> memref<2048x1024xf32, #tpu.memory_space<hbm>>
    tpu.wait_indirect_dma semaphore(%arg24 : memref<!tpu.dma_semaphore, #tpu.memory_space<semaphore_mem>>) src(%dma_wait3A_88 : memref<2048x1024xf32, #tpu.memory_space<hbm>>) dst(%arg13 : memref<16x1024xf32, #tpu.memory_space<vmem>>)
    %parallel_loop3A_89 = arith.constant 0 : i32
    %parallel_loop3A_90 = arith.constant 1024 : i32
    %parallel_loop3A_91 = arith.constant 1 : i32
    scf.for %parallel_loop3A_528 = %parallel_loop3A_89 to %parallel_loop3A_90 step %parallel_loop3A_91  : i32 {
      %parallel_loop3A_529 = arith.constant 64 : i32
      %parallel_loop3A_530 = arith.divsi %parallel_loop3A_528, %parallel_loop3A_529 : i32
      %parallel_loop3A_531 = arith.constant 0 : i32
      %parallel_loop3A_532 = arith.cmpi sgt, %parallel_loop3A_528, %parallel_loop3A_531 : i32
      %parallel_loop3A_533 = arith.extui %parallel_loop3A_532 : i1 to i32
      %parallel_loop3A_534 = arith.constant 0 : i32
      %parallel_loop3A_535 = arith.cmpi slt, %parallel_loop3A_528, %parallel_loop3A_534 : i32
      %parallel_loop3A_536 = arith.extui %parallel_loop3A_535 : i1 to i32
      %parallel_loop3A_537 = arith.subi %parallel_loop3A_533, %parallel_loop3A_536 : i32
      %parallel_loop3A_538 = arith.constant 0 : i32
      %parallel_loop3A_539 = arith.cmpi sgt, %parallel_loop3A_529, %parallel_loop3A_538 : i32
      %parallel_loop3A_540 = arith.extui %parallel_loop3A_539 : i1 to i32
      %parallel_loop3A_541 = arith.constant 0 : i32
      %parallel_loop3A_542 = arith.cmpi slt, %parallel_loop3A_529, %parallel_loop3A_541 : i32
      %parallel_loop3A_543 = arith.extui %parallel_loop3A_542 : i1 to i32
      %parallel_loop3A_544 = arith.subi %parallel_loop3A_540, %parallel_loop3A_543 : i32
      %parallel_loop3A_545 = arith.cmpi ne, %parallel_loop3A_537, %parallel_loop3A_544 : i32
      %parallel_loop3A_546 = arith.remsi %parallel_loop3A_528, %parallel_loop3A_529 : i32
      %parallel_loop3A_547 = arith.constant 0 : i32
      %parallel_loop3A_548 = arith.cmpi ne, %parallel_loop3A_546, %parallel_loop3A_547 : i32
      %parallel_loop3A_549 = arith.andi %parallel_loop3A_545, %parallel_loop3A_548 : i1
      %parallel_loop3A_550 = arith.constant 1 : i32
      %parallel_loop3A_551 = arith.subi %parallel_loop3A_530, %parallel_loop3A_550 : i32
      %parallel_loop3A_552 = arith.select %parallel_loop3A_549, %parallel_loop3A_551, %parallel_loop3A_530 : i32
      %parallel_loop3A_553 = arith.constant 64 : i32
      %parallel_loop3A_554 = arith.constant 0 : i32
      %parallel_loop3A_555 = arith.cmpi eq, %parallel_loop3A_553, %parallel_loop3A_554 : i32
      %parallel_loop3A_556 = arith.constant 1 : i32
      %parallel_loop3A_557 = arith.select %parallel_loop3A_555, %parallel_loop3A_556, %parallel_loop3A_553 : i32
      %parallel_loop3A_558 = arith.remsi %parallel_loop3A_528, %parallel_loop3A_557 : i32
      %parallel_loop3A_559 = arith.constant 0 : i32
      %parallel_loop3A_560 = arith.cmpi ne, %parallel_loop3A_558, %parallel_loop3A_559 : i32
      %parallel_loop3A_561 = arith.constant 0 : i32
      %parallel_loop3A_562 = arith.cmpi slt, %parallel_loop3A_558, %parallel_loop3A_561 : i32
      %parallel_loop3A_563 = arith.constant 0 : i32
      %parallel_loop3A_564 = arith.cmpi slt, %parallel_loop3A_557, %parallel_loop3A_563 : i32
      %parallel_loop3A_565 = arith.xori %parallel_loop3A_562, %parallel_loop3A_564 : i1
      %parallel_loop3A_566 = arith.andi %parallel_loop3A_565, %parallel_loop3A_560 : i1
      %parallel_loop3A_567 = arith.addi %parallel_loop3A_558, %parallel_loop3A_557 : i32
      %parallel_loop3A_568 = arith.select %parallel_loop3A_566, %parallel_loop3A_567, %parallel_loop3A_558 : i32
      %parallel_loop3A_569 = arith.constant 16 : i32
      %parallel_loop3A_570 = arith.muli %parallel_loop3A_568, %parallel_loop3A_569 : i32
      %parallel_loop3A_571 = arith.index_cast %parallel_loop3A_552 : i32 to index
      %parallel_loop3A_572 = arith.index_cast %parallel_loop3A_570 : i32 to index
      %parallel_loop3A_573 = tpu.vector_load %arg13[%parallel_loop3A_571, %parallel_loop3A_572] {strides = array<i32>} : memref<16x1024xf32, #tpu.memory_space<vmem>>, vector<1x16xf32>,
      %parallel_loop3A_574 = vector.shape_cast %parallel_loop3A_573 : vector<1x16xf32> to vector<16xf32>
      %parallel_loop3A_575 = arith.index_cast %parallel_loop3A_552 : i32 to index
      %parallel_loop3A_576 = arith.index_cast %parallel_loop3A_570 : i32 to index
      %parallel_loop3A_577 = tpu.vector_load %arg9[%parallel_loop3A_575, %parallel_loop3A_576] {strides = array<i32>} : memref<16x1024xf32, #tpu.memory_space<vmem>>, vector<1x16xf32>,
      %parallel_loop3A_578 = vector.shape_cast %parallel_loop3A_577 : vector<1x16xf32> to vector<16xf32>
      %parallel_loop3A_579 = vector.shape_cast %parallel_loop3A_574 : vector<16xf32> to vector<1x16xf32>
      tpu.vector_store %arg9[%parallel_loop3A_575, %parallel_loop3A_576], %parallel_loop3A_579 {add = true, strides = array<i32>} : memref<16x1024xf32, #tpu.memory_space<vmem>>, vector<1x16xf32>,
    } {sc.loop_unroll_factor = 8 : i64, sc.parallel_access}
    %add3A_92 = arith.constant 32 : i32
    %add3A_93 = arith.addi %mul3A_2, %add3A_92 : i32
    %dma_start3A_94 = arith.constant 0 : i32
    %dma_start3A_95 = tpu.memref_slice %arg5[%add3A_93, %dma_start3A_94] : memref<8192x1024xf32, #tpu.memory_space<hbm>> -> memref<16x1024xf32, #tpu.memory_space<hbm>>
    %dma_start3A_96 = arith.constant 0 : i32
    %dma_start3A_97 = tpu.memref_slice %arg5[%add3A_93, %dma_start3A_96] : memref<8192x1024xf32, #tpu.memory_space<hbm>> -> memref<16x1024xf32, #tpu.memory_space<hbm>>
    tpu.enqueue_dma source(%arg9 : memref<16x1024xf32, #tpu.memory_space<vmem>>) target(%dma_start3A_97 : memref<16x1024xf32, #tpu.memory_space<hbm>>) target_semaphore(%arg20 : memref<!tpu.dma_semaphore, #tpu.memory_space<semaphore_mem>>)
    %dma_wait3A_98 = arith.constant 0 : i32
    %dma_wait3A_99 = tpu.memref_slice %arg5[%add3A_35, %dma_wait3A_98] : memref<8192x1024xf32, #tpu.memory_space<hbm>> -> memref<16x1024xf32, #tpu.memory_space<hbm>>
    %dma_wait3A_100 = arith.constant 0 : i32
    %dma_wait3A_101 = tpu.memref_slice %arg5[%add3A_35, %dma_wait3A_100] : memref<8192x1024xf32, #tpu.memory_space<hbm>> -> memref<16x1024xf32, #tpu.memory_space<hbm>>
    tpu.wait_dma2 semaphore(%arg18 : memref<!tpu.dma_semaphore, #tpu.memory_space<semaphore_mem>>) src(%arg7 : memref<16x1024xf32, #tpu.memory_space<vmem>>) dst(%dma_wait3A_101 : memref<16x1024xf32, #tpu.memory_space<hbm>>)
    %add3A_102 = arith.constant 64 : i32
    %add3A_103 = arith.addi %mul3A_2, %add3A_102 : i32
    %dma_start3A_104 = arith.constant 0 : i32
    %dma_start3A_105 = tpu.memref_slice %arg2[%add3A_103, %dma_start3A_104] : memref<8192x1024xf32, #tpu.memory_space<hbm>> -> memref<16x1024xf32, #tpu.memory_space<hbm>>
    %dma_start3A_106 = arith.constant 0 : i32
    %dma_start3A_107 = tpu.memref_slice %arg2[%add3A_103, %dma_start3A_106] : memref<8192x1024xf32, #tpu.memory_space<hbm>> -> memref<16x1024xf32, #tpu.memory_space<hbm>>
    tpu.enqueue_dma source(%dma_start3A_107 : memref<16x1024xf32, #tpu.memory_space<hbm>>) target(%arg7 : memref<16x1024xf32, #tpu.memory_space<vmem>>) target_semaphore(%arg14 : memref<!tpu.dma_semaphore, #tpu.memory_space<semaphore_mem>>)
    %dma_start3A_108 = arith.constant 64 : i32
    %dma_start3A_109 = tpu.memref_slice %arg6[%dma_start3A_108] : memref<256xi32, #tpu.memory_space<vmem>> -> memref<16xi32, #tpu.memory_space<vmem>>
    %dma_start3A_110 = arith.constant 0 : i32
    %dma_start3A_111 = arith.constant 0 : i32
    %dma_start3A_112 = tpu.memref_slice %arg4[%dma_start3A_110, %dma_start3A_111] : memref<2048x1024xf32, #tpu.memory_space<hbm>> -> memref<2048x1024xf32, #tpu.memory_space<hbm>>
    tpu.enqueue_indirect_dma source(%dma_start3A_112 : memref<2048x1024xf32, #tpu.memory_space<hbm>>) target(%arg12 : memref<16x1024xf32, #tpu.memory_space<vmem>>) offsets(%dma_start3A_109 : memref<16xi32, #tpu.memory_space<vmem>>) semaphore(%arg23 : memref<!tpu.dma_semaphore, #tpu.memory_space<semaphore_mem>>)
    %dma_wait3A_113 = arith.constant 0 : i32
    %dma_wait3A_114 = tpu.memref_slice %arg2[%add3A_70, %dma_wait3A_113] : memref<8192x1024xf32, #tpu.memory_space<hbm>> -> memref<16x1024xf32, #tpu.memory_space<hbm>>
    %dma_wait3A_115 = arith.constant 0 : i32
    %dma_wait3A_116 = tpu.memref_slice %arg2[%add3A_70, %dma_wait3A_115] : memref<8192x1024xf32, #tpu.memory_space<hbm>> -> memref<16x1024xf32, #tpu.memory_space<hbm>>
    tpu.wait_dma2 semaphore(%arg17 : memref<!tpu.dma_semaphore, #tpu.memory_space<semaphore_mem>>) src(%dma_wait3A_116 : memref<16x1024xf32, #tpu.memory_space<hbm>>) dst(%arg10 : memref<16x1024xf32, #tpu.memory_space<vmem>>)
    %dma_wait3A_117 = arith.constant 48 : i32
    %dma_wait3A_118 = tpu.memref_slice %arg6[%dma_wait3A_117] : memref<256xi32, #tpu.memory_space<vmem>> -> memref<16xi32, #tpu.memory_space<vmem>>
    %dma_wait3A_119 = arith.constant 0 : i32
    %dma_wait3A_120 = arith.constant 0 : i32
    %dma_wait3A_121 = tpu.memref_slice %arg4[%dma_wait3A_119, %dma_wait3A_120] : memref<2048x1024xf32, #tpu.memory_space<hbm>> -> memref<2048x1024xf32, #tpu.memory_space<hbm>>
    tpu.wait_indirect_dma semaphore(%arg22 : memref<!tpu.dma_semaphore, #tpu.memory_space<semaphore_mem>>) src(%dma_wait3A_121 : memref<2048x1024xf32, #tpu.memory_space<hbm>>) dst(%arg11 : memref<16x1024xf32, #tpu.memory_space<vmem>>)
    %parallel_loop3A_122 = arith.constant 0 : i32
    %parallel_loop3A_123 = arith.constant 1024 : i32
    %parallel_loop3A_124 = arith.constant 1 : i32
    scf.for %parallel_loop3A_528 = %parallel_loop3A_122 to %parallel_loop3A_123 step %parallel_loop3A_124  : i32 {
      %parallel_loop3A_529 = arith.constant 64 : i32
      %parallel_loop3A_530 = arith.divsi %parallel_loop3A_528, %parallel_loop3A_529 : i32
      %parallel_loop3A_531 = arith.constant 0 : i32
      %parallel_loop3A_532 = arith.cmpi sgt, %parallel_loop3A_528, %parallel_loop3A_531 : i32
      %parallel_loop3A_533 = arith.extui %parallel_loop3A_532 : i1 to i32
      %parallel_loop3A_534 = arith.constant 0 : i32
      %parallel_loop3A_535 = arith.cmpi slt, %parallel_loop3A_528, %parallel_loop3A_534 : i32
      %parallel_loop3A_536 = arith.extui %parallel_loop3A_535 : i1 to i32
      %parallel_loop3A_537 = arith.subi %parallel_loop3A_533, %parallel_loop3A_536 : i32
      %parallel_loop3A_538 = arith.constant 0 : i32
      %parallel_loop3A_539 = arith.cmpi sgt, %parallel_loop3A_529, %parallel_loop3A_538 : i32
      %parallel_loop3A_540 = arith.extui %parallel_loop3A_539 : i1 to i32
      %parallel_loop3A_541 = arith.constant 0 : i32
      %parallel_loop3A_542 = arith.cmpi slt, %parallel_loop3A_529, %parallel_loop3A_541 : i32
      %parallel_loop3A_543 = arith.extui %parallel_loop3A_542 : i1 to i32
      %parallel_loop3A_544 = arith.subi %parallel_loop3A_540, %parallel_loop3A_543 : i32
      %parallel_loop3A_545 = arith.cmpi ne, %parallel_loop3A_537, %parallel_loop3A_544 : i32
      %parallel_loop3A_546 = arith.remsi %parallel_loop3A_528, %parallel_loop3A_529 : i32
      %parallel_loop3A_547 = arith.constant 0 : i32
      %parallel_loop3A_548 = arith.cmpi ne, %parallel_loop3A_546, %parallel_loop3A_547 : i32
      %parallel_loop3A_549 = arith.andi %parallel_loop3A_545, %parallel_loop3A_548 : i1
      %parallel_loop3A_550 = arith.constant 1 : i32
      %parallel_loop3A_551 = arith.subi %parallel_loop3A_530, %parallel_loop3A_550 : i32
      %parallel_loop3A_552 = arith.select %parallel_loop3A_549, %parallel_loop3A_551, %parallel_loop3A_530 : i32
      %parallel_loop3A_553 = arith.constant 64 : i32
      %parallel_loop3A_554 = arith.constant 0 : i32
      %parallel_loop3A_555 = arith.cmpi eq, %parallel_loop3A_553, %parallel_loop3A_554 : i32
      %parallel_loop3A_556 = arith.constant 1 : i32
      %parallel_loop3A_557 = arith.select %parallel_loop3A_555, %parallel_loop3A_556, %parallel_loop3A_553 : i32
      %parallel_loop3A_558 = arith.remsi %parallel_loop3A_528, %parallel_loop3A_557 : i32
      %parallel_loop3A_559 = arith.constant 0 : i32
      %parallel_loop3A_560 = arith.cmpi ne, %parallel_loop3A_558, %parallel_loop3A_559 : i32
      %parallel_loop3A_561 = arith.constant 0 : i32
      %parallel_loop3A_562 = arith.cmpi slt, %parallel_loop3A_558, %parallel_loop3A_561 : i32
      %parallel_loop3A_563 = arith.constant 0 : i32
      %parallel_loop3A_564 = arith.cmpi slt, %parallel_loop3A_557, %parallel_loop3A_563 : i32
      %parallel_loop3A_565 = arith.xori %parallel_loop3A_562, %parallel_loop3A_564 : i1
      %parallel_loop3A_566 = arith.andi %parallel_loop3A_565, %parallel_loop3A_560 : i1
      %parallel_loop3A_567 = arith.addi %parallel_loop3A_558, %parallel_loop3A_557 : i32
      %parallel_loop3A_568 = arith.select %parallel_loop3A_566, %parallel_loop3A_567, %parallel_loop3A_558 : i32
      %parallel_loop3A_569 = arith.constant 16 : i32
      %parallel_loop3A_570 = arith.muli %parallel_loop3A_568, %parallel_loop3A_569 : i32
      %parallel_loop3A_571 = arith.index_cast %parallel_loop3A_552 : i32 to index
      %parallel_loop3A_572 = arith.index_cast %parallel_loop3A_570 : i32 to index
      %parallel_loop3A_573 = tpu.vector_load %arg11[%parallel_loop3A_571, %parallel_loop3A_572] {strides = array<i32>} : memref<16x1024xf32, #tpu.memory_space<vmem>>, vector<1x16xf32>,
      %parallel_loop3A_574 = vector.shape_cast %parallel_loop3A_573 : vector<1x16xf32> to vector<16xf32>
      %parallel_loop3A_575 = arith.index_cast %parallel_loop3A_552 : i32 to index
      %parallel_loop3A_576 = arith.index_cast %parallel_loop3A_570 : i32 to index
      %parallel_loop3A_577 = tpu.vector_load %arg10[%parallel_loop3A_575, %parallel_loop3A_576] {strides = array<i32>} : memref<16x1024xf32, #tpu.memory_space<vmem>>, vector<1x16xf32>,
      %parallel_loop3A_578 = vector.shape_cast %parallel_loop3A_577 : vector<1x16xf32> to vector<16xf32>
      %parallel_loop3A_579 = vector.shape_cast %parallel_loop3A_574 : vector<16xf32> to vector<1x16xf32>
      tpu.vector_store %arg10[%parallel_loop3A_575, %parallel_loop3A_576], %parallel_loop3A_579 {add = true, strides = array<i32>} : memref<16x1024xf32, #tpu.memory_space<vmem>>, vector<1x16xf32>,
    } {sc.loop_unroll_factor = 8 : i64, sc.parallel_access}
    %add3A_125 = arith.constant 48 : i32
    %add3A_126 = arith.addi %mul3A_2, %add3A_125 : i32
    %dma_start3A_127 = arith.constant 0 : i32
    %dma_start3A_128 = tpu.memref_slice %arg5[%add3A_126, %dma_start3A_127] : memref<8192x1024xf32, #tpu.memory_space<hbm>> -> memref<16x1024xf32, #tpu.memory_space<hbm>>
    %dma_start3A_129 = arith.constant 0 : i32
    %dma_start3A_130 = tpu.memref_slice %arg5[%add3A_126, %dma_start3A_129] : memref<8192x1024xf32, #tpu.memory_space<hbm>> -> memref<16x1024xf32, #tpu.memory_space<hbm>>
    tpu.enqueue_dma source(%arg10 : memref<16x1024xf32, #tpu.memory_space<vmem>>) target(%dma_start3A_130 : memref<16x1024xf32, #tpu.memory_space<hbm>>) target_semaphore(%arg21 : memref<!tpu.dma_semaphore, #tpu.memory_space<semaphore_mem>>)
    %dma_wait3A_131 = arith.constant 0 : i32
    %dma_wait3A_132 = tpu.memref_slice %arg5[%add3A_64, %dma_wait3A_131] : memref<8192x1024xf32, #tpu.memory_space<hbm>> -> memref<16x1024xf32, #tpu.memory_space<hbm>>
    %dma_wait3A_133 = arith.constant 0 : i32
    %dma_wait3A_134 = tpu.memref_slice %arg5[%add3A_64, %dma_wait3A_133] : memref<8192x1024xf32, #tpu.memory_space<hbm>> -> memref<16x1024xf32, #tpu.memory_space<hbm>>
    tpu.wait_dma2 semaphore(%arg19 : memref<!tpu.dma_semaphore, #tpu.memory_space<semaphore_mem>>) src(%arg8 : memref<16x1024xf32, #tpu.memory_space<vmem>>) dst(%dma_wait3A_134 : memref<16x1024xf32, #tpu.memory_space<hbm>>)
    %add3A_135 = arith.constant 80 : i32
    %add3A_136 = arith.addi %mul3A_2, %add3A_135 : i32
    %dma_start3A_137 = arith.constant 0 : i32
    %dma_start3A_138 = tpu.memref_slice %arg2[%add3A_136, %dma_start3A_137] : memref<8192x1024xf32, #tpu.memory_space<hbm>> -> memref<16x1024xf32, #tpu.memory_space<hbm>>
    %dma_start3A_139 = arith.constant 0 : i32
    %dma_start3A_140 = tpu.memref_slice %arg2[%add3A_136, %dma_start3A_139] : memref<8192x1024xf32, #tpu.memory_space<hbm>> -> memref<16x1024xf32, #tpu.memory_space<hbm>>
    tpu.enqueue_dma source(%dma_start3A_140 : memref<16x1024xf32, #tpu.memory_space<hbm>>) target(%arg8 : memref<16x1024xf32, #tpu.memory_space<vmem>>) target_semaphore(%arg15 : memref<!tpu.dma_semaphore, #tpu.memory_space<semaphore_mem>>)
    %dma_start3A_141 = arith.constant 80 : i32
    %dma_start3A_142 = tpu.memref_slice %arg6[%dma_start3A_141] : memref<256xi32, #tpu.memory_space<vmem>> -> memref<16xi32, #tpu.memory_space<vmem>>
    %dma_start3A_143 = arith.constant 0 : i32
    %dma_start3A_144 = arith.constant 0 : i32
    %dma_start3A_145 = tpu.memref_slice %arg4[%dma_start3A_143, %dma_start3A_144] : memref<2048x1024xf32, #tpu.memory_space<hbm>> -> memref<2048x1024xf32, #tpu.memory_space<hbm>>
    tpu.enqueue_indirect_dma source(%dma_start3A_145 : memref<2048x1024xf32, #tpu.memory_space<hbm>>) target(%arg13 : memref<16x1024xf32, #tpu.memory_space<vmem>>) offsets(%dma_start3A_142 : memref<16xi32, #tpu.memory_space<vmem>>) semaphore(%arg24 : memref<!tpu.dma_semaphore, #tpu.memory_space<semaphore_mem>>)
    %dma_wait3A_146 = arith.constant 0 : i32
    %dma_wait3A_147 = tpu.memref_slice %arg2[%add3A_103, %dma_wait3A_146] : memref<8192x1024xf32, #tpu.memory_space<hbm>> -> memref<16x1024xf32, #tpu.memory_space<hbm>>
    %dma_wait3A_148 = arith.constant 0 : i32
    %dma_wait3A_149 = tpu.memref_slice %arg2[%add3A_103, %dma_wait3A_148] : memref<8192x1024xf32, #tpu.memory_space<hbm>> -> memref<16x1024xf32, #tpu.memory_space<hbm>>
    tpu.wait_dma2 semaphore(%arg14 : memref<!tpu.dma_semaphore, #tpu.memory_space<semaphore_mem>>) src(%dma_wait3A_149 : memref<16x1024xf32, #tpu.memory_space<hbm>>) dst(%arg7 : memref<16x1024xf32, #tpu.memory_space<vmem>>)
    %dma_wait3A_150 = arith.constant 64 : i32
    %dma_wait3A_151 = tpu.memref_slice %arg6[%dma_wait3A_150] : memref<256xi32, #tpu.memory_space<vmem>> -> memref<16xi32, #tpu.memory_space<vmem>>
    %dma_wait3A_152 = arith.constant 0 : i32
    %dma_wait3A_153 = arith.constant 0 : i32
    %dma_wait3A_154 = tpu.memref_slice %arg4[%dma_wait3A_152, %dma_wait3A_153] : memref<2048x1024xf32, #tpu.memory_space<hbm>> -> memref<2048x1024xf32, #tpu.memory_space<hbm>>
    tpu.wait_indirect_dma semaphore(%arg23 : memref<!tpu.dma_semaphore, #tpu.memory_space<semaphore_mem>>) src(%dma_wait3A_154 : memref<2048x1024xf32, #tpu.memory_space<hbm>>) dst(%arg12 : memref<16x1024xf32, #tpu.memory_space<vmem>>)
    %parallel_loop3A_155 = arith.constant 0 : i32
    %parallel_loop3A_156 = arith.constant 1024 : i32
    %parallel_loop3A_157 = arith.constant 1 : i32
    scf.for %parallel_loop3A_528 = %parallel_loop3A_155 to %parallel_loop3A_156 step %parallel_loop3A_157  : i32 {
      %parallel_loop3A_529 = arith.constant 64 : i32
      %parallel_loop3A_530 = arith.divsi %parallel_loop3A_528, %parallel_loop3A_529 : i32
      %parallel_loop3A_531 = arith.constant 0 : i32
      %parallel_loop3A_532 = arith.cmpi sgt, %parallel_loop3A_528, %parallel_loop3A_531 : i32
      %parallel_loop3A_533 = arith.extui %parallel_loop3A_532 : i1 to i32
      %parallel_loop3A_534 = arith.constant 0 : i32
      %parallel_loop3A_535 = arith.cmpi slt, %parallel_loop3A_528, %parallel_loop3A_534 : i32
      %parallel_loop3A_536 = arith.extui %parallel_loop3A_535 : i1 to i32
      %parallel_loop3A_537 = arith.subi %parallel_loop3A_533, %parallel_loop3A_536 : i32
      %parallel_loop3A_538 = arith.constant 0 : i32
      %parallel_loop3A_539 = arith.cmpi sgt, %parallel_loop3A_529, %parallel_loop3A_538 : i32
      %parallel_loop3A_540 = arith.extui %parallel_loop3A_539 : i1 to i32
      %parallel_loop3A_541 = arith.constant 0 : i32
      %parallel_loop3A_542 = arith.cmpi slt, %parallel_loop3A_529, %parallel_loop3A_541 : i32
      %parallel_loop3A_543 = arith.extui %parallel_loop3A_542 : i1 to i32
      %parallel_loop3A_544 = arith.subi %parallel_loop3A_540, %parallel_loop3A_543 : i32
      %parallel_loop3A_545 = arith.cmpi ne, %parallel_loop3A_537, %parallel_loop3A_544 : i32
      %parallel_loop3A_546 = arith.remsi %parallel_loop3A_528, %parallel_loop3A_529 : i32
      %parallel_loop3A_547 = arith.constant 0 : i32
      %parallel_loop3A_548 = arith.cmpi ne, %parallel_loop3A_546, %parallel_loop3A_547 : i32
      %parallel_loop3A_549 = arith.andi %parallel_loop3A_545, %parallel_loop3A_548 : i1
      %parallel_loop3A_550 = arith.constant 1 : i32
      %parallel_loop3A_551 = arith.subi %parallel_loop3A_530, %parallel_loop3A_550 : i32
      %parallel_loop3A_552 = arith.select %parallel_loop3A_549, %parallel_loop3A_551, %parallel_loop3A_530 : i32
      %parallel_loop3A_553 = arith.constant 64 : i32
      %parallel_loop3A_554 = arith.constant 0 : i32
      %parallel_loop3A_555 = arith.cmpi eq, %parallel_loop3A_553, %parallel_loop3A_554 : i32
      %parallel_loop3A_556 = arith.constant 1 : i32
      %parallel_loop3A_557 = arith.select %parallel_loop3A_555, %parallel_loop3A_556, %parallel_loop3A_553 : i32
      %parallel_loop3A_558 = arith.remsi %parallel_loop3A_528, %parallel_loop3A_557 : i32
      %parallel_loop3A_559 = arith.constant 0 : i32
      %parallel_loop3A_560 = arith.cmpi ne, %parallel_loop3A_558, %parallel_loop3A_559 : i32
      %parallel_loop3A_561 = arith.constant 0 : i32
      %parallel_loop3A_562 = arith.cmpi slt, %parallel_loop3A_558, %parallel_loop3A_561 : i32
      %parallel_loop3A_563 = arith.constant 0 : i32
      %parallel_loop3A_564 = arith.cmpi slt, %parallel_loop3A_557, %parallel_loop3A_563 : i32
      %parallel_loop3A_565 = arith.xori %parallel_loop3A_562, %parallel_loop3A_564 : i1
      %parallel_loop3A_566 = arith.andi %parallel_loop3A_565, %parallel_loop3A_560 : i1
      %parallel_loop3A_567 = arith.addi %parallel_loop3A_558, %parallel_loop3A_557 : i32
      %parallel_loop3A_568 = arith.select %parallel_loop3A_566, %parallel_loop3A_567, %parallel_loop3A_558 : i32
      %parallel_loop3A_569 = arith.constant 16 : i32
      %parallel_loop3A_570 = arith.muli %parallel_loop3A_568, %parallel_loop3A_569 : i32
      %parallel_loop3A_571 = arith.index_cast %parallel_loop3A_552 : i32 to index
      %parallel_loop3A_572 = arith.index_cast %parallel_loop3A_570 : i32 to index
      %parallel_loop3A_573 = tpu.vector_load %arg12[%parallel_loop3A_571, %parallel_loop3A_572] {strides = array<i32>} : memref<16x1024xf32, #tpu.memory_space<vmem>>, vector<1x16xf32>,
      %parallel_loop3A_574 = vector.shape_cast %parallel_loop3A_573 : vector<1x16xf32> to vector<16xf32>
      %parallel_loop3A_575 = arith.index_cast %parallel_loop3A_552 : i32 to index
      %parallel_loop3A_576 = arith.index_cast %parallel_loop3A_570 : i32 to index
      %parallel_loop3A_577 = tpu.vector_load %arg7[%parallel_loop3A_575, %parallel_loop3A_576] {strides = array<i32>} : memref<16x1024xf32, #tpu.memory_space<vmem>>, vector<1x16xf32>,
      %parallel_loop3A_578 = vector.shape_cast %parallel_loop3A_577 : vector<1x16xf32> to vector<16xf32>
      %parallel_loop3A_579 = vector.shape_cast %parallel_loop3A_574 : vector<16xf32> to vector<1x16xf32>
      tpu.vector_store %arg7[%parallel_loop3A_575, %parallel_loop3A_576], %parallel_loop3A_579 {add = true, strides = array<i32>} : memref<16x1024xf32, #tpu.memory_space<vmem>>, vector<1x16xf32>,
    } {sc.loop_unroll_factor = 8 : i64, sc.parallel_access}
    %add3A_158 = arith.constant 64 : i32
    %add3A_159 = arith.addi %mul3A_2, %add3A_158 : i32
    %dma_start3A_160 = arith.constant 0 : i32
    %dma_start3A_161 = tpu.memref_slice %arg5[%add3A_159, %dma_start3A_160] : memref<8192x1024xf32, #tpu.memory_space<hbm>> -> memref<16x1024xf32, #tpu.memory_space<hbm>>
    %dma_start3A_162 = arith.constant 0 : i32
    %dma_start3A_163 = tpu.memref_slice %arg5[%add3A_159, %dma_start3A_162] : memref<8192x1024xf32, #tpu.memory_space<hbm>> -> memref<16x1024xf32, #tpu.memory_space<hbm>>
    tpu.enqueue_dma source(%arg7 : memref<16x1024xf32, #tpu.memory_space<vmem>>) target(%dma_start3A_163 : memref<16x1024xf32, #tpu.memory_space<hbm>>) target_semaphore(%arg18 : memref<!tpu.dma_semaphore, #tpu.memory_space<semaphore_mem>>)
    %dma_wait3A_164 = arith.constant 0 : i32
    %dma_wait3A_165 = tpu.memref_slice %arg5[%add3A_93, %dma_wait3A_164] : memref<8192x1024xf32, #tpu.memory_space<hbm>> -> memref<16x1024xf32, #tpu.memory_space<hbm>>
    %dma_wait3A_166 = arith.constant 0 : i32
    %dma_wait3A_167 = tpu.memref_slice %arg5[%add3A_93, %dma_wait3A_166] : memref<8192x1024xf32, #tpu.memory_space<hbm>> -> memref<16x1024xf32, #tpu.memory_space<hbm>>
    tpu.wait_dma2 semaphore(%arg20 : memref<!tpu.dma_semaphore, #tpu.memory_space<semaphore_mem>>) src(%arg9 : memref<16x1024xf32, #tpu.memory_space<vmem>>) dst(%dma_wait3A_167 : memref<16x1024xf32, #tpu.memory_space<hbm>>)
    %add3A_168 = arith.constant 96 : i32
    %add3A_169 = arith.addi %mul3A_2, %add3A_168 : i32
    %dma_start3A_170 = arith.constant 0 : i32
    %dma_start3A_171 = tpu.memref_slice %arg2[%add3A_169, %dma_start3A_170] : memref<8192x1024xf32, #tpu.memory_space<hbm>> -> memref<16x1024xf32, #tpu.memory_space<hbm>>
    %dma_start3A_172 = arith.constant 0 : i32
    %dma_start3A_173 = tpu.memref_slice %arg2[%add3A_169, %dma_start3A_172] : memref<8192x1024xf32, #tpu.memory_space<hbm>> -> memref<16x1024xf32, #tpu.memory_space<hbm>>
    tpu.enqueue_dma source(%dma_start3A_173 : memref<16x1024xf32, #tpu.memory_space<hbm>>) target(%arg9 : memref<16x1024xf32, #tpu.memory_space<vmem>>) target_semaphore(%arg16 : memref<!tpu.dma_semaphore, #tpu.memory_space<semaphore_mem>>)
    %dma_start3A_174 = arith.constant 96 : i32
    %dma_start3A_175 = tpu.memref_slice %arg6[%dma_start3A_174] : memref<256xi32, #tpu.memory_space<vmem>> -> memref<16xi32, #tpu.memory_space<vmem>>
    %dma_start3A_176 = arith.constant 0 : i32
    %dma_start3A_177 = arith.constant 0 : i32
    %dma_start3A_178 = tpu.memref_slice %arg4[%dma_start3A_176, %dma_start3A_177] : memref<2048x1024xf32, #tpu.memory_space<hbm>> -> memref<2048x1024xf32, #tpu.memory_space<hbm>>
    tpu.enqueue_indirect_dma source(%dma_start3A_178 : memref<2048x1024xf32, #tpu.memory_space<hbm>>) target(%arg11 : memref<16x1024xf32, #tpu.memory_space<vmem>>) offsets(%dma_start3A_175 : memref<16xi32, #tpu.memory_space<vmem>>) semaphore(%arg22 : memref<!tpu.dma_semaphore, #tpu.memory_space<semaphore_mem>>)
    %dma_wait3A_179 = arith.constant 0 : i32
    %dma_wait3A_180 = tpu.memref_slice %arg2[%add3A_136, %dma_wait3A_179] : memref<8192x1024xf32, #tpu.memory_space<hbm>> -> memref<16x1024xf32, #tpu.memory_space<hbm>>
    %dma_wait3A_181 = arith.constant 0 : i32
    %dma_wait3A_182 = tpu.memref_slice %arg2[%add3A_136, %dma_wait3A_181] : memref<8192x1024xf32, #tpu.memory_space<hbm>> -> memref<16x1024xf32, #tpu.memory_space<hbm>>
    tpu.wait_dma2 semaphore(%arg15 : memref<!tpu.dma_semaphore, #tpu.memory_space<semaphore_mem>>) src(%dma_wait3A_182 : memref<16x1024xf32, #tpu.memory_space<hbm>>) dst(%arg8 : memref<16x1024xf32, #tpu.memory_space<vmem>>)
    %dma_wait3A_183 = arith.constant 80 : i32
    %dma_wait3A_184 = tpu.memref_slice %arg6[%dma_wait3A_183] : memref<256xi32, #tpu.memory_space<vmem>> -> memref<16xi32, #tpu.memory_space<vmem>>
    %dma_wait3A_185 = arith.constant 0 : i32
    %dma_wait3A_186 = arith.constant 0 : i32
    %dma_wait3A_187 = tpu.memref_slice %arg4[%dma_wait3A_185, %dma_wait3A_186] : memref<2048x1024xf32, #tpu.memory_space<hbm>> -> memref<2048x1024xf32, #tpu.memory_space<hbm>>
    tpu.wait_indirect_dma semaphore(%arg24 : memref<!tpu.dma_semaphore, #tpu.memory_space<semaphore_mem>>) src(%dma_wait3A_187 : memref<2048x1024xf32, #tpu.memory_space<hbm>>) dst(%arg13 : memref<16x1024xf32, #tpu.memory_space<vmem>>)
    %parallel_loop3A_188 = arith.constant 0 : i32
    %parallel_loop3A_189 = arith.constant 1024 : i32
    %parallel_loop3A_190 = arith.constant 1 : i32
    scf.for %parallel_loop3A_528 = %parallel_loop3A_188 to %parallel_loop3A_189 step %parallel_loop3A_190  : i32 {
      %parallel_loop3A_529 = arith.constant 64 : i32
      %parallel_loop3A_530 = arith.divsi %parallel_loop3A_528, %parallel_loop3A_529 : i32
      %parallel_loop3A_531 = arith.constant 0 : i32
      %parallel_loop3A_532 = arith.cmpi sgt, %parallel_loop3A_528, %parallel_loop3A_531 : i32
      %parallel_loop3A_533 = arith.extui %parallel_loop3A_532 : i1 to i32
      %parallel_loop3A_534 = arith.constant 0 : i32
      %parallel_loop3A_535 = arith.cmpi slt, %parallel_loop3A_528, %parallel_loop3A_534 : i32
      %parallel_loop3A_536 = arith.extui %parallel_loop3A_535 : i1 to i32
      %parallel_loop3A_537 = arith.subi %parallel_loop3A_533, %parallel_loop3A_536 : i32
      %parallel_loop3A_538 = arith.constant 0 : i32
      %parallel_loop3A_539 = arith.cmpi sgt, %parallel_loop3A_529, %parallel_loop3A_538 : i32
      %parallel_loop3A_540 = arith.extui %parallel_loop3A_539 : i1 to i32
      %parallel_loop3A_541 = arith.constant 0 : i32
      %parallel_loop3A_542 = arith.cmpi slt, %parallel_loop3A_529, %parallel_loop3A_541 : i32
      %parallel_loop3A_543 = arith.extui %parallel_loop3A_542 : i1 to i32
      %parallel_loop3A_544 = arith.subi %parallel_loop3A_540, %parallel_loop3A_543 : i32
      %parallel_loop3A_545 = arith.cmpi ne, %parallel_loop3A_537, %parallel_loop3A_544 : i32
      %parallel_loop3A_546 = arith.remsi %parallel_loop3A_528, %parallel_loop3A_529 : i32
      %parallel_loop3A_547 = arith.constant 0 : i32
      %parallel_loop3A_548 = arith.cmpi ne, %parallel_loop3A_546, %parallel_loop3A_547 : i32
      %parallel_loop3A_549 = arith.andi %parallel_loop3A_545, %parallel_loop3A_548 : i1
      %parallel_loop3A_550 = arith.constant 1 : i32
      %parallel_loop3A_551 = arith.subi %parallel_loop3A_530, %parallel_loop3A_550 : i32
      %parallel_loop3A_552 = arith.select %parallel_loop3A_549, %parallel_loop3A_551, %parallel_loop3A_530 : i32
      %parallel_loop3A_553 = arith.constant 64 : i32
      %parallel_loop3A_554 = arith.constant 0 : i32
      %parallel_loop3A_555 = arith.cmpi eq, %parallel_loop3A_553, %parallel_loop3A_554 : i32
      %parallel_loop3A_556 = arith.constant 1 : i32
      %parallel_loop3A_557 = arith.select %parallel_loop3A_555, %parallel_loop3A_556, %parallel_loop3A_553 : i32
      %parallel_loop3A_558 = arith.remsi %parallel_loop3A_528, %parallel_loop3A_557 : i32
      %parallel_loop3A_559 = arith.constant 0 : i32
      %parallel_loop3A_560 = arith.cmpi ne, %parallel_loop3A_558, %parallel_loop3A_559 : i32
      %parallel_loop3A_561 = arith.constant 0 : i32
      %parallel_loop3A_562 = arith.cmpi slt, %parallel_loop3A_558, %parallel_loop3A_561 : i32
      %parallel_loop3A_563 = arith.constant 0 : i32
      %parallel_loop3A_564 = arith.cmpi slt, %parallel_loop3A_557, %parallel_loop3A_563 : i32
      %parallel_loop3A_565 = arith.xori %parallel_loop3A_562, %parallel_loop3A_564 : i1
      %parallel_loop3A_566 = arith.andi %parallel_loop3A_565, %parallel_loop3A_560 : i1
      %parallel_loop3A_567 = arith.addi %parallel_loop3A_558, %parallel_loop3A_557 : i32
      %parallel_loop3A_568 = arith.select %parallel_loop3A_566, %parallel_loop3A_567, %parallel_loop3A_558 : i32
      %parallel_loop3A_569 = arith.constant 16 : i32
      %parallel_loop3A_570 = arith.muli %parallel_loop3A_568, %parallel_loop3A_569 : i32
      %parallel_loop3A_571 = arith.index_cast %parallel_loop3A_552 : i32 to index
      %parallel_loop3A_572 = arith.index_cast %parallel_loop3A_570 : i32 to index
      %parallel_loop3A_573 = tpu.vector_load %arg13[%parallel_loop3A_571, %parallel_loop3A_572] {strides = array<i32>} : memref<16x1024xf32, #tpu.memory_space<vmem>>, vector<1x16xf32>,
      %parallel_loop3A_574 = vector.shape_cast %parallel_loop3A_573 : vector<1x16xf32> to vector<16xf32>
      %parallel_loop3A_575 = arith.index_cast %parallel_loop3A_552 : i32 to index
      %parallel_loop3A_576 = arith.index_cast %parallel_loop3A_570 : i32 to index
      %parallel_loop3A_577 = tpu.vector_load %arg8[%parallel_loop3A_575, %parallel_loop3A_576] {strides = array<i32>} : memref<16x1024xf32, #tpu.memory_space<vmem>>, vector<1x16xf32>,
      %parallel_loop3A_578 = vector.shape_cast %parallel_loop3A_577 : vector<1x16xf32> to vector<16xf32>
      %parallel_loop3A_579 = vector.shape_cast %parallel_loop3A_574 : vector<16xf32> to vector<1x16xf32>
      tpu.vector_store %arg8[%parallel_loop3A_575, %parallel_loop3A_576], %parallel_loop3A_579 {add = true, strides = array<i32>} : memref<16x1024xf32, #tpu.memory_space<vmem>>, vector<1x16xf32>,
    } {sc.loop_unroll_factor = 8 : i64, sc.parallel_access}
    %add3A_191 = arith.constant 80 : i32
    %add3A_192 = arith.addi %mul3A_2, %add3A_191 : i32
    %dma_start3A_193 = arith.constant 0 : i32
    %dma_start3A_194 = tpu.memref_slice %arg5[%add3A_192, %dma_start3A_193] : memref<8192x1024xf32, #tpu.memory_space<hbm>> -> memref<16x1024xf32, #tpu.memory_space<hbm>>
    %dma_start3A_195 = arith.constant 0 : i32
    %dma_start3A_196 = tpu.memref_slice %arg5[%add3A_192, %dma_start3A_195] : memref<8192x1024xf32, #tpu.memory_space<hbm>> -> memref<16x1024xf32, #tpu.memory_space<hbm>>
    tpu.enqueue_dma source(%arg8 : memref<16x1024xf32, #tpu.memory_space<vmem>>) target(%dma_start3A_196 : memref<16x1024xf32, #tpu.memory_space<hbm>>) target_semaphore(%arg19 : memref<!tpu.dma_semaphore, #tpu.memory_space<semaphore_mem>>)
    %dma_wait3A_197 = arith.constant 0 : i32
    %dma_wait3A_198 = tpu.memref_slice %arg5[%add3A_126, %dma_wait3A_197] : memref<8192x1024xf32, #tpu.memory_space<hbm>> -> memref<16x1024xf32, #tpu.memory_space<hbm>>
    %dma_wait3A_199 = arith.constant 0 : i32
    %dma_wait3A_200 = tpu.memref_slice %arg5[%add3A_126, %dma_wait3A_199] : memref<8192x1024xf32, #tpu.memory_space<hbm>> -> memref<16x1024xf32, #tpu.memory_space<hbm>>
    tpu.wait_dma2 semaphore(%arg21 : memref<!tpu.dma_semaphore, #tpu.memory_space<semaphore_mem>>) src(%arg10 : memref<16x1024xf32, #tpu.memory_space<vmem>>) dst(%dma_wait3A_200 : memref<16x1024xf32, #tpu.memory_space<hbm>>)
    %add3A_201 = arith.constant 112 : i32
    %add3A_202 = arith.addi %mul3A_2, %add3A_201 : i32
    %dma_start3A_203 = arith.constant 0 : i32
    %dma_start3A_204 = tpu.memref_slice %arg2[%add3A_202, %dma_start3A_203] : memref<8192x1024xf32, #tpu.memory_space<hbm>> -> memref<16x1024xf32, #tpu.memory_space<hbm>>
    %dma_start3A_205 = arith.constant 0 : i32
    %dma_start3A_206 = tpu.memref_slice %arg2[%add3A_202, %dma_start3A_205] : memref<8192x1024xf32, #tpu.memory_space<hbm>> -> memref<16x1024xf32, #tpu.memory_space<hbm>>
    tpu.enqueue_dma source(%dma_start3A_206 : memref<16x1024xf32, #tpu.memory_space<hbm>>) target(%arg10 : memref<16x1024xf32, #tpu.memory_space<vmem>>) target_semaphore(%arg17 : memref<!tpu.dma_semaphore, #tpu.memory_space<semaphore_mem>>)
    %dma_start3A_207 = arith.constant 112 : i32
    %dma_start3A_208 = tpu.memref_slice %arg6[%dma_start3A_207] : memref<256xi32, #tpu.memory_space<vmem>> -> memref<16xi32, #tpu.memory_space<vmem>>
    %dma_start3A_209 = arith.constant 0 : i32
    %dma_start3A_210 = arith.constant 0 : i32
    %dma_start3A_211 = tpu.memref_slice %arg4[%dma_start3A_209, %dma_start3A_210] : memref<2048x1024xf32, #tpu.memory_space<hbm>> -> memref<2048x1024xf32, #tpu.memory_space<hbm>>
    tpu.enqueue_indirect_dma source(%dma_start3A_211 : memref<2048x1024xf32, #tpu.memory_space<hbm>>) target(%arg12 : memref<16x1024xf32, #tpu.memory_space<vmem>>) offsets(%dma_start3A_208 : memref<16xi32, #tpu.memory_space<vmem>>) semaphore(%arg23 : memref<!tpu.dma_semaphore, #tpu.memory_space<semaphore_mem>>)
    %dma_wait3A_212 = arith.constant 0 : i32
    %dma_wait3A_213 = tpu.memref_slice %arg2[%add3A_169, %dma_wait3A_212] : memref<8192x1024xf32, #tpu.memory_space<hbm>> -> memref<16x1024xf32, #tpu.memory_space<hbm>>
    %dma_wait3A_214 = arith.constant 0 : i32
    %dma_wait3A_215 = tpu.memref_slice %arg2[%add3A_169, %dma_wait3A_214] : memref<8192x1024xf32, #tpu.memory_space<hbm>> -> memref<16x1024xf32, #tpu.memory_space<hbm>>
    tpu.wait_dma2 semaphore(%arg16 : memref<!tpu.dma_semaphore, #tpu.memory_space<semaphore_mem>>) src(%dma_wait3A_215 : memref<16x1024xf32, #tpu.memory_space<hbm>>) dst(%arg9 : memref<16x1024xf32, #tpu.memory_space<vmem>>)
    %dma_wait3A_216 = arith.constant 96 : i32
    %dma_wait3A_217 = tpu.memref_slice %arg6[%dma_wait3A_216] : memref<256xi32, #tpu.memory_space<vmem>> -> memref<16xi32, #tpu.memory_space<vmem>>
    %dma_wait3A_218 = arith.constant 0 : i32
    %dma_wait3A_219 = arith.constant 0 : i32
    %dma_wait3A_220 = tpu.memref_slice %arg4[%dma_wait3A_218, %dma_wait3A_219] : memref<2048x1024xf32, #tpu.memory_space<hbm>> -> memref<2048x1024xf32, #tpu.memory_space<hbm>>
    tpu.wait_indirect_dma semaphore(%arg22 : memref<!tpu.dma_semaphore, #tpu.memory_space<semaphore_mem>>) src(%dma_wait3A_220 : memref<2048x1024xf32, #tpu.memory_space<hbm>>) dst(%arg11 : memref<16x1024xf32, #tpu.memory_space<vmem>>)
    %parallel_loop3A_221 = arith.constant 0 : i32
    %parallel_loop3A_222 = arith.constant 1024 : i32
    %parallel_loop3A_223 = arith.constant 1 : i32
    scf.for %parallel_loop3A_528 = %parallel_loop3A_221 to %parallel_loop3A_222 step %parallel_loop3A_223  : i32 {
      %parallel_loop3A_529 = arith.constant 64 : i32
      %parallel_loop3A_530 = arith.divsi %parallel_loop3A_528, %parallel_loop3A_529 : i32
      %parallel_loop3A_531 = arith.constant 0 : i32
      %parallel_loop3A_532 = arith.cmpi sgt, %parallel_loop3A_528, %parallel_loop3A_531 : i32
      %parallel_loop3A_533 = arith.extui %parallel_loop3A_532 : i1 to i32
      %parallel_loop3A_534 = arith.constant 0 : i32
      %parallel_loop3A_535 = arith.cmpi slt, %parallel_loop3A_528, %parallel_loop3A_534 : i32
      %parallel_loop3A_536 = arith.extui %parallel_loop3A_535 : i1 to i32
      %parallel_loop3A_537 = arith.subi %parallel_loop3A_533, %parallel_loop3A_536 : i32
      %parallel_loop3A_538 = arith.constant 0 : i32
      %parallel_loop3A_539 = arith.cmpi sgt, %parallel_loop3A_529, %parallel_loop3A_538 : i32
      %parallel_loop3A_540 = arith.extui %parallel_loop3A_539 : i1 to i32
      %parallel_loop3A_541 = arith.constant 0 : i32
      %parallel_loop3A_542 = arith.cmpi slt, %parallel_loop3A_529, %parallel_loop3A_541 : i32
      %parallel_loop3A_543 = arith.extui %parallel_loop3A_542 : i1 to i32
      %parallel_loop3A_544 = arith.subi %parallel_loop3A_540, %parallel_loop3A_543 : i32
      %parallel_loop3A_545 = arith.cmpi ne, %parallel_loop3A_537, %parallel_loop3A_544 : i32
      %parallel_loop3A_546 = arith.remsi %parallel_loop3A_528, %parallel_loop3A_529 : i32
      %parallel_loop3A_547 = arith.constant 0 : i32
      %parallel_loop3A_548 = arith.cmpi ne, %parallel_loop3A_546, %parallel_loop3A_547 : i32
      %parallel_loop3A_549 = arith.andi %parallel_loop3A_545, %parallel_loop3A_548 : i1
      %parallel_loop3A_550 = arith.constant 1 : i32
      %parallel_loop3A_551 = arith.subi %parallel_loop3A_530, %parallel_loop3A_550 : i32
      %parallel_loop3A_552 = arith.select %parallel_loop3A_549, %parallel_loop3A_551, %parallel_loop3A_530 : i32
      %parallel_loop3A_553 = arith.constant 64 : i32
      %parallel_loop3A_554 = arith.constant 0 : i32
      %parallel_loop3A_555 = arith.cmpi eq, %parallel_loop3A_553, %parallel_loop3A_554 : i32
      %parallel_loop3A_556 = arith.constant 1 : i32
      %parallel_loop3A_557 = arith.select %parallel_loop3A_555, %parallel_loop3A_556, %parallel_loop3A_553 : i32
      %parallel_loop3A_558 = arith.remsi %parallel_loop3A_528, %parallel_loop3A_557 : i32
      %parallel_loop3A_559 = arith.constant 0 : i32
      %parallel_loop3A_560 = arith.cmpi ne, %parallel_loop3A_558, %parallel_loop3A_559 : i32
      %parallel_loop3A_561 = arith.constant 0 : i32
      %parallel_loop3A_562 = arith.cmpi slt, %parallel_loop3A_558, %parallel_loop3A_561 : i32
      %parallel_loop3A_563 = arith.constant 0 : i32
      %parallel_loop3A_564 = arith.cmpi slt, %parallel_loop3A_557, %parallel_loop3A_563 : i32
      %parallel_loop3A_565 = arith.xori %parallel_loop3A_562, %parallel_loop3A_564 : i1
      %parallel_loop3A_566 = arith.andi %parallel_loop3A_565, %parallel_loop3A_560 : i1
      %parallel_loop3A_567 = arith.addi %parallel_loop3A_558, %parallel_loop3A_557 : i32
      %parallel_loop3A_568 = arith.select %parallel_loop3A_566, %parallel_loop3A_567, %parallel_loop3A_558 : i32
      %parallel_loop3A_569 = arith.constant 16 : i32
      %parallel_loop3A_570 = arith.muli %parallel_loop3A_568, %parallel_loop3A_569 : i32
      %parallel_loop3A_571 = arith.index_cast %parallel_loop3A_552 : i32 to index
      %parallel_loop3A_572 = arith.index_cast %parallel_loop3A_570 : i32 to index
      %parallel_loop3A_573 = tpu.vector_load %arg11[%parallel_loop3A_571, %parallel_loop3A_572] {strides = array<i32>} : memref<16x1024xf32, #tpu.memory_space<vmem>>, vector<1x16xf32>,
      %parallel_loop3A_574 = vector.shape_cast %parallel_loop3A_573 : vector<1x16xf32> to vector<16xf32>
      %parallel_loop3A_575 = arith.index_cast %parallel_loop3A_552 : i32 to index
      %parallel_loop3A_576 = arith.index_cast %parallel_loop3A_570 : i32 to index
      %parallel_loop3A_577 = tpu.vector_load %arg9[%parallel_loop3A_575, %parallel_loop3A_576] {strides = array<i32>} : memref<16x1024xf32, #tpu.memory_space<vmem>>, vector<1x16xf32>,
      %parallel_loop3A_578 = vector.shape_cast %parallel_loop3A_577 : vector<1x16xf32> to vector<16xf32>
      %parallel_loop3A_579 = vector.shape_cast %parallel_loop3A_574 : vector<16xf32> to vector<1x16xf32>
      tpu.vector_store %arg9[%parallel_loop3A_575, %parallel_loop3A_576], %parallel_loop3A_579 {add = true, strides = array<i32>} : memref<16x1024xf32, #tpu.memory_space<vmem>>, vector<1x16xf32>,
    } {sc.loop_unroll_factor = 8 : i64, sc.parallel_access}
    %add3A_224 = arith.constant 96 : i32
    %add3A_225 = arith.addi %mul3A_2, %add3A_224 : i32
    %dma_start3A_226 = arith.constant 0 : i32
    %dma_start3A_227 = tpu.memref_slice %arg5[%add3A_225, %dma_start3A_226] : memref<8192x1024xf32, #tpu.memory_space<hbm>> -> memref<16x1024xf32, #tpu.memory_space<hbm>>
    %dma_start3A_228 = arith.constant 0 : i32
    %dma_start3A_229 = tpu.memref_slice %arg5[%add3A_225, %dma_start3A_228] : memref<8192x1024xf32, #tpu.memory_space<hbm>> -> memref<16x1024xf32, #tpu.memory_space<hbm>>
    tpu.enqueue_dma source(%arg9 : memref<16x1024xf32, #tpu.memory_space<vmem>>) target(%dma_start3A_229 : memref<16x1024xf32, #tpu.memory_space<hbm>>) target_semaphore(%arg20 : memref<!tpu.dma_semaphore, #tpu.memory_space<semaphore_mem>>)
    %dma_wait3A_230 = arith.constant 0 : i32
    %dma_wait3A_231 = tpu.memref_slice %arg5[%add3A_159, %dma_wait3A_230] : memref<8192x1024xf32, #tpu.memory_space<hbm>> -> memref<16x1024xf32, #tpu.memory_space<hbm>>
    %dma_wait3A_232 = arith.constant 0 : i32
    %dma_wait3A_233 = tpu.memref_slice %arg5[%add3A_159, %dma_wait3A_232] : memref<8192x1024xf32, #tpu.memory_space<hbm>> -> memref<16x1024xf32, #tpu.memory_space<hbm>>
    tpu.wait_dma2 semaphore(%arg18 : memref<!tpu.dma_semaphore, #tpu.memory_space<semaphore_mem>>) src(%arg7 : memref<16x1024xf32, #tpu.memory_space<vmem>>) dst(%dma_wait3A_233 : memref<16x1024xf32, #tpu.memory_space<hbm>>)
    %add3A_234 = arith.constant 128 : i32
    %add3A_235 = arith.addi %mul3A_2, %add3A_234 : i32
    %dma_start3A_236 = arith.constant 0 : i32
    %dma_start3A_237 = tpu.memref_slice %arg2[%add3A_235, %dma_start3A_236] : memref<8192x1024xf32, #tpu.memory_space<hbm>> -> memref<16x1024xf32, #tpu.memory_space<hbm>>
    %dma_start3A_238 = arith.constant 0 : i32
    %dma_start3A_239 = tpu.memref_slice %arg2[%add3A_235, %dma_start3A_238] : memref<8192x1024xf32, #tpu.memory_space<hbm>> -> memref<16x1024xf32, #tpu.memory_space<hbm>>
    tpu.enqueue_dma source(%dma_start3A_239 : memref<16x1024xf32, #tpu.memory_space<hbm>>) target(%arg7 : memref<16x1024xf32, #tpu.memory_space<vmem>>) target_semaphore(%arg14 : memref<!tpu.dma_semaphore, #tpu.memory_space<semaphore_mem>>)
    %dma_start3A_240 = arith.constant 128 : i32
    %dma_start3A_241 = tpu.memref_slice %arg6[%dma_start3A_240] : memref<256xi32, #tpu.memory_space<vmem>> -> memref<16xi32, #tpu.memory_space<vmem>>
    %dma_start3A_242 = arith.constant 0 : i32
    %dma_start3A_243 = arith.constant 0 : i32
    %dma_start3A_244 = tpu.memref_slice %arg4[%dma_start3A_242, %dma_start3A_243] : memref<2048x1024xf32, #tpu.memory_space<hbm>> -> memref<2048x1024xf32, #tpu.memory_space<hbm>>
    tpu.enqueue_indirect_dma source(%dma_start3A_244 : memref<2048x1024xf32, #tpu.memory_space<hbm>>) target(%arg13 : memref<16x1024xf32, #tpu.memory_space<vmem>>) offsets(%dma_start3A_241 : memref<16xi32, #tpu.memory_space<vmem>>) semaphore(%arg24 : memref<!tpu.dma_semaphore, #tpu.memory_space<semaphore_mem>>)
    %dma_wait3A_245 = arith.constant 0 : i32
    %dma_wait3A_246 = tpu.memref_slice %arg2[%add3A_202, %dma_wait3A_245] : memref<8192x1024xf32, #tpu.memory_space<hbm>> -> memref<16x1024xf32, #tpu.memory_space<hbm>>
    %dma_wait3A_247 = arith.constant 0 : i32
    %dma_wait3A_248 = tpu.memref_slice %arg2[%add3A_202, %dma_wait3A_247] : memref<8192x1024xf32, #tpu.memory_space<hbm>> -> memref<16x1024xf32, #tpu.memory_space<hbm>>
    tpu.wait_dma2 semaphore(%arg17 : memref<!tpu.dma_semaphore, #tpu.memory_space<semaphore_mem>>) src(%dma_wait3A_248 : memref<16x1024xf32, #tpu.memory_space<hbm>>) dst(%arg10 : memref<16x1024xf32, #tpu.memory_space<vmem>>)
    %dma_wait3A_249 = arith.constant 112 : i32
    %dma_wait3A_250 = tpu.memref_slice %arg6[%dma_wait3A_249] : memref<256xi32, #tpu.memory_space<vmem>> -> memref<16xi32, #tpu.memory_space<vmem>>
    %dma_wait3A_251 = arith.constant 0 : i32
    %dma_wait3A_252 = arith.constant 0 : i32
    %dma_wait3A_253 = tpu.memref_slice %arg4[%dma_wait3A_251, %dma_wait3A_252] : memref<2048x1024xf32, #tpu.memory_space<hbm>> -> memref<2048x1024xf32, #tpu.memory_space<hbm>>
    tpu.wait_indirect_dma semaphore(%arg23 : memref<!tpu.dma_semaphore, #tpu.memory_space<semaphore_mem>>) src(%dma_wait3A_253 : memref<2048x1024xf32, #tpu.memory_space<hbm>>) dst(%arg12 : memref<16x1024xf32, #tpu.memory_space<vmem>>)
    %parallel_loop3A_254 = arith.constant 0 : i32
    %parallel_loop3A_255 = arith.constant 1024 : i32
    %parallel_loop3A_256 = arith.constant 1 : i32
    scf.for %parallel_loop3A_528 = %parallel_loop3A_254 to %parallel_loop3A_255 step %parallel_loop3A_256  : i32 {
      %parallel_loop3A_529 = arith.constant 64 : i32
      %parallel_loop3A_530 = arith.divsi %parallel_loop3A_528, %parallel_loop3A_529 : i32
      %parallel_loop3A_531 = arith.constant 0 : i32
      %parallel_loop3A_532 = arith.cmpi sgt, %parallel_loop3A_528, %parallel_loop3A_531 : i32
      %parallel_loop3A_533 = arith.extui %parallel_loop3A_532 : i1 to i32
      %parallel_loop3A_534 = arith.constant 0 : i32
      %parallel_loop3A_535 = arith.cmpi slt, %parallel_loop3A_528, %parallel_loop3A_534 : i32
      %parallel_loop3A_536 = arith.extui %parallel_loop3A_535 : i1 to i32
      %parallel_loop3A_537 = arith.subi %parallel_loop3A_533, %parallel_loop3A_536 : i32
      %parallel_loop3A_538 = arith.constant 0 : i32
      %parallel_loop3A_539 = arith.cmpi sgt, %parallel_loop3A_529, %parallel_loop3A_538 : i32
      %parallel_loop3A_540 = arith.extui %parallel_loop3A_539 : i1 to i32
      %parallel_loop3A_541 = arith.constant 0 : i32
      %parallel_loop3A_542 = arith.cmpi slt, %parallel_loop3A_529, %parallel_loop3A_541 : i32
      %parallel_loop3A_543 = arith.extui %parallel_loop3A_542 : i1 to i32
      %parallel_loop3A_544 = arith.subi %parallel_loop3A_540, %parallel_loop3A_543 : i32
      %parallel_loop3A_545 = arith.cmpi ne, %parallel_loop3A_537, %parallel_loop3A_544 : i32
      %parallel_loop3A_546 = arith.remsi %parallel_loop3A_528, %parallel_loop3A_529 : i32
      %parallel_loop3A_547 = arith.constant 0 : i32
      %parallel_loop3A_548 = arith.cmpi ne, %parallel_loop3A_546, %parallel_loop3A_547 : i32
      %parallel_loop3A_549 = arith.andi %parallel_loop3A_545, %parallel_loop3A_548 : i1
      %parallel_loop3A_550 = arith.constant 1 : i32
      %parallel_loop3A_551 = arith.subi %parallel_loop3A_530, %parallel_loop3A_550 : i32
      %parallel_loop3A_552 = arith.select %parallel_loop3A_549, %parallel_loop3A_551, %parallel_loop3A_530 : i32
      %parallel_loop3A_553 = arith.constant 64 : i32
      %parallel_loop3A_554 = arith.constant 0 : i32
      %parallel_loop3A_555 = arith.cmpi eq, %parallel_loop3A_553, %parallel_loop3A_554 : i32
      %parallel_loop3A_556 = arith.constant 1 : i32
      %parallel_loop3A_557 = arith.select %parallel_loop3A_555, %parallel_loop3A_556, %parallel_loop3A_553 : i32
      %parallel_loop3A_558 = arith.remsi %parallel_loop3A_528, %parallel_loop3A_557 : i32
      %parallel_loop3A_559 = arith.constant 0 : i32
      %parallel_loop3A_560 = arith.cmpi ne, %parallel_loop3A_558, %parallel_loop3A_559 : i32
      %parallel_loop3A_561 = arith.constant 0 : i32
      %parallel_loop3A_562 = arith.cmpi slt, %parallel_loop3A_558, %parallel_loop3A_561 : i32
      %parallel_loop3A_563 = arith.constant 0 : i32
      %parallel_loop3A_564 = arith.cmpi slt, %parallel_loop3A_557, %parallel_loop3A_563 : i32
      %parallel_loop3A_565 = arith.xori %parallel_loop3A_562, %parallel_loop3A_564 : i1
      %parallel_loop3A_566 = arith.andi %parallel_loop3A_565, %parallel_loop3A_560 : i1
      %parallel_loop3A_567 = arith.addi %parallel_loop3A_558, %parallel_loop3A_557 : i32
      %parallel_loop3A_568 = arith.select %parallel_loop3A_566, %parallel_loop3A_567, %parallel_loop3A_558 : i32
      %parallel_loop3A_569 = arith.constant 16 : i32
      %parallel_loop3A_570 = arith.muli %parallel_loop3A_568, %parallel_loop3A_569 : i32
      %parallel_loop3A_571 = arith.index_cast %parallel_loop3A_552 : i32 to index
      %parallel_loop3A_572 = arith.index_cast %parallel_loop3A_570 : i32 to index
      %parallel_loop3A_573 = tpu.vector_load %arg12[%parallel_loop3A_571, %parallel_loop3A_572] {strides = array<i32>} : memref<16x1024xf32, #tpu.memory_space<vmem>>, vector<1x16xf32>,
      %parallel_loop3A_574 = vector.shape_cast %parallel_loop3A_573 : vector<1x16xf32> to vector<16xf32>
      %parallel_loop3A_575 = arith.index_cast %parallel_loop3A_552 : i32 to index
      %parallel_loop3A_576 = arith.index_cast %parallel_loop3A_570 : i32 to index
      %parallel_loop3A_577 = tpu.vector_load %arg10[%parallel_loop3A_575, %parallel_loop3A_576] {strides = array<i32>} : memref<16x1024xf32, #tpu.memory_space<vmem>>, vector<1x16xf32>,
      %parallel_loop3A_578 = vector.shape_cast %parallel_loop3A_577 : vector<1x16xf32> to vector<16xf32>
      %parallel_loop3A_579 = vector.shape_cast %parallel_loop3A_574 : vector<16xf32> to vector<1x16xf32>
      tpu.vector_store %arg10[%parallel_loop3A_575, %parallel_loop3A_576], %parallel_loop3A_579 {add = true, strides = array<i32>} : memref<16x1024xf32, #tpu.memory_space<vmem>>, vector<1x16xf32>,
    } {sc.loop_unroll_factor = 8 : i64, sc.parallel_access}
    %add3A_257 = arith.constant 112 : i32
    %add3A_258 = arith.addi %mul3A_2, %add3A_257 : i32
    %dma_start3A_259 = arith.constant 0 : i32
    %dma_start3A_260 = tpu.memref_slice %arg5[%add3A_258, %dma_start3A_259] : memref<8192x1024xf32, #tpu.memory_space<hbm>> -> memref<16x1024xf32, #tpu.memory_space<hbm>>
    %dma_start3A_261 = arith.constant 0 : i32
    %dma_start3A_262 = tpu.memref_slice %arg5[%add3A_258, %dma_start3A_261] : memref<8192x1024xf32, #tpu.memory_space<hbm>> -> memref<16x1024xf32, #tpu.memory_space<hbm>>
    tpu.enqueue_dma source(%arg10 : memref<16x1024xf32, #tpu.memory_space<vmem>>) target(%dma_start3A_262 : memref<16x1024xf32, #tpu.memory_space<hbm>>) target_semaphore(%arg21 : memref<!tpu.dma_semaphore, #tpu.memory_space<semaphore_mem>>)
    %dma_wait3A_263 = arith.constant 0 : i32
    %dma_wait3A_264 = tpu.memref_slice %arg5[%add3A_192, %dma_wait3A_263] : memref<8192x1024xf32, #tpu.memory_space<hbm>> -> memref<16x1024xf32, #tpu.memory_space<hbm>>
    %dma_wait3A_265 = arith.constant 0 : i32
    %dma_wait3A_266 = tpu.memref_slice %arg5[%add3A_192, %dma_wait3A_265] : memref<8192x1024xf32, #tpu.memory_space<hbm>> -> memref<16x1024xf32, #tpu.memory_space<hbm>>
    tpu.wait_dma2 semaphore(%arg19 : memref<!tpu.dma_semaphore, #tpu.memory_space<semaphore_mem>>) src(%arg8 : memref<16x1024xf32, #tpu.memory_space<vmem>>) dst(%dma_wait3A_266 : memref<16x1024xf32, #tpu.memory_space<hbm>>)
    %add3A_267 = arith.constant 144 : i32
    %add3A_268 = arith.addi %mul3A_2, %add3A_267 : i32
    %dma_start3A_269 = arith.constant 0 : i32
    %dma_start3A_270 = tpu.memref_slice %arg2[%add3A_268, %dma_start3A_269] : memref<8192x1024xf32, #tpu.memory_space<hbm>> -> memref<16x1024xf32, #tpu.memory_space<hbm>>
    %dma_start3A_271 = arith.constant 0 : i32
    %dma_start3A_272 = tpu.memref_slice %arg2[%add3A_268, %dma_start3A_271] : memref<8192x1024xf32, #tpu.memory_space<hbm>> -> memref<16x1024xf32, #tpu.memory_space<hbm>>
    tpu.enqueue_dma source(%dma_start3A_272 : memref<16x1024xf32, #tpu.memory_space<hbm>>) target(%arg8 : memref<16x1024xf32, #tpu.memory_space<vmem>>) target_semaphore(%arg15 : memref<!tpu.dma_semaphore, #tpu.memory_space<semaphore_mem>>)
    %dma_start3A_273 = arith.constant 144 : i32
    %dma_start3A_274 = tpu.memref_slice %arg6[%dma_start3A_273] : memref<256xi32, #tpu.memory_space<vmem>> -> memref<16xi32, #tpu.memory_space<vmem>>
    %dma_start3A_275 = arith.constant 0 : i32
    %dma_start3A_276 = arith.constant 0 : i32
    %dma_start3A_277 = tpu.memref_slice %arg4[%dma_start3A_275, %dma_start3A_276] : memref<2048x1024xf32, #tpu.memory_space<hbm>> -> memref<2048x1024xf32, #tpu.memory_space<hbm>>
    tpu.enqueue_indirect_dma source(%dma_start3A_277 : memref<2048x1024xf32, #tpu.memory_space<hbm>>) target(%arg11 : memref<16x1024xf32, #tpu.memory_space<vmem>>) offsets(%dma_start3A_274 : memref<16xi32, #tpu.memory_space<vmem>>) semaphore(%arg22 : memref<!tpu.dma_semaphore, #tpu.memory_space<semaphore_mem>>)
    %dma_wait3A_278 = arith.constant 0 : i32
    %dma_wait3A_279 = tpu.memref_slice %arg2[%add3A_235, %dma_wait3A_278] : memref<8192x1024xf32, #tpu.memory_space<hbm>> -> memref<16x1024xf32, #tpu.memory_space<hbm>>
    %dma_wait3A_280 = arith.constant 0 : i32
    %dma_wait3A_281 = tpu.memref_slice %arg2[%add3A_235, %dma_wait3A_280] : memref<8192x1024xf32, #tpu.memory_space<hbm>> -> memref<16x1024xf32, #tpu.memory_space<hbm>>
    tpu.wait_dma2 semaphore(%arg14 : memref<!tpu.dma_semaphore, #tpu.memory_space<semaphore_mem>>) src(%dma_wait3A_281 : memref<16x1024xf32, #tpu.memory_space<hbm>>) dst(%arg7 : memref<16x1024xf32, #tpu.memory_space<vmem>>)
    %dma_wait3A_282 = arith.constant 128 : i32
    %dma_wait3A_283 = tpu.memref_slice %arg6[%dma_wait3A_282] : memref<256xi32, #tpu.memory_space<vmem>> -> memref<16xi32, #tpu.memory_space<vmem>>
    %dma_wait3A_284 = arith.constant 0 : i32
    %dma_wait3A_285 = arith.constant 0 : i32
    %dma_wait3A_286 = tpu.memref_slice %arg4[%dma_wait3A_284, %dma_wait3A_285] : memref<2048x1024xf32, #tpu.memory_space<hbm>> -> memref<2048x1024xf32, #tpu.memory_space<hbm>>
    tpu.wait_indirect_dma semaphore(%arg24 : memref<!tpu.dma_semaphore, #tpu.memory_space<semaphore_mem>>) src(%dma_wait3A_286 : memref<2048x1024xf32, #tpu.memory_space<hbm>>) dst(%arg13 : memref<16x1024xf32, #tpu.memory_space<vmem>>)
    %parallel_loop3A_287 = arith.constant 0 : i32
    %parallel_loop3A_288 = arith.constant 1024 : i32
    %parallel_loop3A_289 = arith.constant 1 : i32
    scf.for %parallel_loop3A_528 = %parallel_loop3A_287 to %parallel_loop3A_288 step %parallel_loop3A_289  : i32 {
      %parallel_loop3A_529 = arith.constant 64 : i32
      %parallel_loop3A_530 = arith.divsi %parallel_loop3A_528, %parallel_loop3A_529 : i32
      %parallel_loop3A_531 = arith.constant 0 : i32
      %parallel_loop3A_532 = arith.cmpi sgt, %parallel_loop3A_528, %parallel_loop3A_531 : i32
      %parallel_loop3A_533 = arith.extui %parallel_loop3A_532 : i1 to i32
      %parallel_loop3A_534 = arith.constant 0 : i32
      %parallel_loop3A_535 = arith.cmpi slt, %parallel_loop3A_528, %parallel_loop3A_534 : i32
      %parallel_loop3A_536 = arith.extui %parallel_loop3A_535 : i1 to i32
      %parallel_loop3A_537 = arith.subi %parallel_loop3A_533, %parallel_loop3A_536 : i32
      %parallel_loop3A_538 = arith.constant 0 : i32
      %parallel_loop3A_539 = arith.cmpi sgt, %parallel_loop3A_529, %parallel_loop3A_538 : i32
      %parallel_loop3A_540 = arith.extui %parallel_loop3A_539 : i1 to i32
      %parallel_loop3A_541 = arith.constant 0 : i32
      %parallel_loop3A_542 = arith.cmpi slt, %parallel_loop3A_529, %parallel_loop3A_541 : i32
      %parallel_loop3A_543 = arith.extui %parallel_loop3A_542 : i1 to i32
      %parallel_loop3A_544 = arith.subi %parallel_loop3A_540, %parallel_loop3A_543 : i32
      %parallel_loop3A_545 = arith.cmpi ne, %parallel_loop3A_537, %parallel_loop3A_544 : i32
      %parallel_loop3A_546 = arith.remsi %parallel_loop3A_528, %parallel_loop3A_529 : i32
      %parallel_loop3A_547 = arith.constant 0 : i32
      %parallel_loop3A_548 = arith.cmpi ne, %parallel_loop3A_546, %parallel_loop3A_547 : i32
      %parallel_loop3A_549 = arith.andi %parallel_loop3A_545, %parallel_loop3A_548 : i1
      %parallel_loop3A_550 = arith.constant 1 : i32
      %parallel_loop3A_551 = arith.subi %parallel_loop3A_530, %parallel_loop3A_550 : i32
      %parallel_loop3A_552 = arith.select %parallel_loop3A_549, %parallel_loop3A_551, %parallel_loop3A_530 : i32
      %parallel_loop3A_553 = arith.constant 64 : i32
      %parallel_loop3A_554 = arith.constant 0 : i32
      %parallel_loop3A_555 = arith.cmpi eq, %parallel_loop3A_553, %parallel_loop3A_554 : i32
      %parallel_loop3A_556 = arith.constant 1 : i32
      %parallel_loop3A_557 = arith.select %parallel_loop3A_555, %parallel_loop3A_556, %parallel_loop3A_553 : i32
      %parallel_loop3A_558 = arith.remsi %parallel_loop3A_528, %parallel_loop3A_557 : i32
      %parallel_loop3A_559 = arith.constant 0 : i32
      %parallel_loop3A_560 = arith.cmpi ne, %parallel_loop3A_558, %parallel_loop3A_559 : i32
      %parallel_loop3A_561 = arith.constant 0 : i32
      %parallel_loop3A_562 = arith.cmpi slt, %parallel_loop3A_558, %parallel_loop3A_561 : i32
      %parallel_loop3A_563 = arith.constant 0 : i32
      %parallel_loop3A_564 = arith.cmpi slt, %parallel_loop3A_557, %parallel_loop3A_563 : i32
      %parallel_loop3A_565 = arith.xori %parallel_loop3A_562, %parallel_loop3A_564 : i1
      %parallel_loop3A_566 = arith.andi %parallel_loop3A_565, %parallel_loop3A_560 : i1
      %parallel_loop3A_567 = arith.addi %parallel_loop3A_558, %parallel_loop3A_557 : i32
      %parallel_loop3A_568 = arith.select %parallel_loop3A_566, %parallel_loop3A_567, %parallel_loop3A_558 : i32
      %parallel_loop3A_569 = arith.constant 16 : i32
      %parallel_loop3A_570 = arith.muli %parallel_loop3A_568, %parallel_loop3A_569 : i32
      %parallel_loop3A_571 = arith.index_cast %parallel_loop3A_552 : i32 to index
      %parallel_loop3A_572 = arith.index_cast %parallel_loop3A_570 : i32 to index
      %parallel_loop3A_573 = tpu.vector_load %arg13[%parallel_loop3A_571, %parallel_loop3A_572] {strides = array<i32>} : memref<16x1024xf32, #tpu.memory_space<vmem>>, vector<1x16xf32>,
      %parallel_loop3A_574 = vector.shape_cast %parallel_loop3A_573 : vector<1x16xf32> to vector<16xf32>
      %parallel_loop3A_575 = arith.index_cast %parallel_loop3A_552 : i32 to index
      %parallel_loop3A_576 = arith.index_cast %parallel_loop3A_570 : i32 to index
      %parallel_loop3A_577 = tpu.vector_load %arg7[%parallel_loop3A_575, %parallel_loop3A_576] {strides = array<i32>} : memref<16x1024xf32, #tpu.memory_space<vmem>>, vector<1x16xf32>,
      %parallel_loop3A_578 = vector.shape_cast %parallel_loop3A_577 : vector<1x16xf32> to vector<16xf32>
      %parallel_loop3A_579 = vector.shape_cast %parallel_loop3A_574 : vector<16xf32> to vector<1x16xf32>
      tpu.vector_store %arg7[%parallel_loop3A_575, %parallel_loop3A_576], %parallel_loop3A_579 {add = true, strides = array<i32>} : memref<16x1024xf32, #tpu.memory_space<vmem>>, vector<1x16xf32>,
    } {sc.loop_unroll_factor = 8 : i64, sc.parallel_access}
    %add3A_290 = arith.constant 128 : i32
    %add3A_291 = arith.addi %mul3A_2, %add3A_290 : i32
    %dma_start3A_292 = arith.constant 0 : i32
    %dma_start3A_293 = tpu.memref_slice %arg5[%add3A_291, %dma_start3A_292] : memref<8192x1024xf32, #tpu.memory_space<hbm>> -> memref<16x1024xf32, #tpu.memory_space<hbm>>
    %dma_start3A_294 = arith.constant 0 : i32
    %dma_start3A_295 = tpu.memref_slice %arg5[%add3A_291, %dma_start3A_294] : memref<8192x1024xf32, #tpu.memory_space<hbm>> -> memref<16x1024xf32, #tpu.memory_space<hbm>>
    tpu.enqueue_dma source(%arg7 : memref<16x1024xf32, #tpu.memory_space<vmem>>) target(%dma_start3A_295 : memref<16x1024xf32, #tpu.memory_space<hbm>>) target_semaphore(%arg18 : memref<!tpu.dma_semaphore, #tpu.memory_space<semaphore_mem>>)
    %dma_wait3A_296 = arith.constant 0 : i32
    %dma_wait3A_297 = tpu.memref_slice %arg5[%add3A_225, %dma_wait3A_296] : memref<8192x1024xf32, #tpu.memory_space<hbm>> -> memref<16x1024xf32, #tpu.memory_space<hbm>>
    %dma_wait3A_298 = arith.constant 0 : i32
    %dma_wait3A_299 = tpu.memref_slice %arg5[%add3A_225, %dma_wait3A_298] : memref<8192x1024xf32, #tpu.memory_space<hbm>> -> memref<16x1024xf32, #tpu.memory_space<hbm>>
    tpu.wait_dma2 semaphore(%arg20 : memref<!tpu.dma_semaphore, #tpu.memory_space<semaphore_mem>>) src(%arg9 : memref<16x1024xf32, #tpu.memory_space<vmem>>) dst(%dma_wait3A_299 : memref<16x1024xf32, #tpu.memory_space<hbm>>)
    %add3A_300 = arith.constant 160 : i32
    %add3A_301 = arith.addi %mul3A_2, %add3A_300 : i32
    %dma_start3A_302 = arith.constant 0 : i32
    %dma_start3A_303 = tpu.memref_slice %arg2[%add3A_301, %dma_start3A_302] : memref<8192x1024xf32, #tpu.memory_space<hbm>> -> memref<16x1024xf32, #tpu.memory_space<hbm>>
    %dma_start3A_304 = arith.constant 0 : i32
    %dma_start3A_305 = tpu.memref_slice %arg2[%add3A_301, %dma_start3A_304] : memref<8192x1024xf32, #tpu.memory_space<hbm>> -> memref<16x1024xf32, #tpu.memory_space<hbm>>
    tpu.enqueue_dma source(%dma_start3A_305 : memref<16x1024xf32, #tpu.memory_space<hbm>>) target(%arg9 : memref<16x1024xf32, #tpu.memory_space<vmem>>) target_semaphore(%arg16 : memref<!tpu.dma_semaphore, #tpu.memory_space<semaphore_mem>>)
    %dma_start3A_306 = arith.constant 160 : i32
    %dma_start3A_307 = tpu.memref_slice %arg6[%dma_start3A_306] : memref<256xi32, #tpu.memory_space<vmem>> -> memref<16xi32, #tpu.memory_space<vmem>>
    %dma_start3A_308 = arith.constant 0 : i32
    %dma_start3A_309 = arith.constant 0 : i32
    %dma_start3A_310 = tpu.memref_slice %arg4[%dma_start3A_308, %dma_start3A_309] : memref<2048x1024xf32, #tpu.memory_space<hbm>> -> memref<2048x1024xf32, #tpu.memory_space<hbm>>
    tpu.enqueue_indirect_dma source(%dma_start3A_310 : memref<2048x1024xf32, #tpu.memory_space<hbm>>) target(%arg12 : memref<16x1024xf32, #tpu.memory_space<vmem>>) offsets(%dma_start3A_307 : memref<16xi32, #tpu.memory_space<vmem>>) semaphore(%arg23 : memref<!tpu.dma_semaphore, #tpu.memory_space<semaphore_mem>>)
    %dma_wait3A_311 = arith.constant 0 : i32
    %dma_wait3A_312 = tpu.memref_slice %arg2[%add3A_268, %dma_wait3A_311] : memref<8192x1024xf32, #tpu.memory_space<hbm>> -> memref<16x1024xf32, #tpu.memory_space<hbm>>
    %dma_wait3A_313 = arith.constant 0 : i32
    %dma_wait3A_314 = tpu.memref_slice %arg2[%add3A_268, %dma_wait3A_313] : memref<8192x1024xf32, #tpu.memory_space<hbm>> -> memref<16x1024xf32, #tpu.memory_space<hbm>>
    tpu.wait_dma2 semaphore(%arg15 : memref<!tpu.dma_semaphore, #tpu.memory_space<semaphore_mem>>) src(%dma_wait3A_314 : memref<16x1024xf32, #tpu.memory_space<hbm>>) dst(%arg8 : memref<16x1024xf32, #tpu.memory_space<vmem>>)
    %dma_wait3A_315 = arith.constant 144 : i32
    %dma_wait3A_316 = tpu.memref_slice %arg6[%dma_wait3A_315] : memref<256xi32, #tpu.memory_space<vmem>> -> memref<16xi32, #tpu.memory_space<vmem>>
    %dma_wait3A_317 = arith.constant 0 : i32
    %dma_wait3A_318 = arith.constant 0 : i32
    %dma_wait3A_319 = tpu.memref_slice %arg4[%dma_wait3A_317, %dma_wait3A_318] : memref<2048x1024xf32, #tpu.memory_space<hbm>> -> memref<2048x1024xf32, #tpu.memory_space<hbm>>
    tpu.wait_indirect_dma semaphore(%arg22 : memref<!tpu.dma_semaphore, #tpu.memory_space<semaphore_mem>>) src(%dma_wait3A_319 : memref<2048x1024xf32, #tpu.memory_space<hbm>>) dst(%arg11 : memref<16x1024xf32, #tpu.memory_space<vmem>>)
    %parallel_loop3A_320 = arith.constant 0 : i32
    %parallel_loop3A_321 = arith.constant 1024 : i32
    %parallel_loop3A_322 = arith.constant 1 : i32
    scf.for %parallel_loop3A_528 = %parallel_loop3A_320 to %parallel_loop3A_321 step %parallel_loop3A_322  : i32 {
      %parallel_loop3A_529 = arith.constant 64 : i32
      %parallel_loop3A_530 = arith.divsi %parallel_loop3A_528, %parallel_loop3A_529 : i32
      %parallel_loop3A_531 = arith.constant 0 : i32
      %parallel_loop3A_532 = arith.cmpi sgt, %parallel_loop3A_528, %parallel_loop3A_531 : i32
      %parallel_loop3A_533 = arith.extui %parallel_loop3A_532 : i1 to i32
      %parallel_loop3A_534 = arith.constant 0 : i32
      %parallel_loop3A_535 = arith.cmpi slt, %parallel_loop3A_528, %parallel_loop3A_534 : i32
      %parallel_loop3A_536 = arith.extui %parallel_loop3A_535 : i1 to i32
      %parallel_loop3A_537 = arith.subi %parallel_loop3A_533, %parallel_loop3A_536 : i32
      %parallel_loop3A_538 = arith.constant 0 : i32
      %parallel_loop3A_539 = arith.cmpi sgt, %parallel_loop3A_529, %parallel_loop3A_538 : i32
      %parallel_loop3A_540 = arith.extui %parallel_loop3A_539 : i1 to i32
      %parallel_loop3A_541 = arith.constant 0 : i32
      %parallel_loop3A_542 = arith.cmpi slt, %parallel_loop3A_529, %parallel_loop3A_541 : i32
      %parallel_loop3A_543 = arith.extui %parallel_loop3A_542 : i1 to i32
      %parallel_loop3A_544 = arith.subi %parallel_loop3A_540, %parallel_loop3A_543 : i32
      %parallel_loop3A_545 = arith.cmpi ne, %parallel_loop3A_537, %parallel_loop3A_544 : i32
      %parallel_loop3A_546 = arith.remsi %parallel_loop3A_528, %parallel_loop3A_529 : i32
      %parallel_loop3A_547 = arith.constant 0 : i32
      %parallel_loop3A_548 = arith.cmpi ne, %parallel_loop3A_546, %parallel_loop3A_547 : i32
      %parallel_loop3A_549 = arith.andi %parallel_loop3A_545, %parallel_loop3A_548 : i1
      %parallel_loop3A_550 = arith.constant 1 : i32
      %parallel_loop3A_551 = arith.subi %parallel_loop3A_530, %parallel_loop3A_550 : i32
      %parallel_loop3A_552 = arith.select %parallel_loop3A_549, %parallel_loop3A_551, %parallel_loop3A_530 : i32
      %parallel_loop3A_553 = arith.constant 64 : i32
      %parallel_loop3A_554 = arith.constant 0 : i32
      %parallel_loop3A_555 = arith.cmpi eq, %parallel_loop3A_553, %parallel_loop3A_554 : i32
      %parallel_loop3A_556 = arith.constant 1 : i32
      %parallel_loop3A_557 = arith.select %parallel_loop3A_555, %parallel_loop3A_556, %parallel_loop3A_553 : i32
      %parallel_loop3A_558 = arith.remsi %parallel_loop3A_528, %parallel_loop3A_557 : i32
      %parallel_loop3A_559 = arith.constant 0 : i32
      %parallel_loop3A_560 = arith.cmpi ne, %parallel_loop3A_558, %parallel_loop3A_559 : i32
      %parallel_loop3A_561 = arith.constant 0 : i32
      %parallel_loop3A_562 = arith.cmpi slt, %parallel_loop3A_558, %parallel_loop3A_561 : i32
      %parallel_loop3A_563 = arith.constant 0 : i32
      %parallel_loop3A_564 = arith.cmpi slt, %parallel_loop3A_557, %parallel_loop3A_563 : i32
      %parallel_loop3A_565 = arith.xori %parallel_loop3A_562, %parallel_loop3A_564 : i1
      %parallel_loop3A_566 = arith.andi %parallel_loop3A_565, %parallel_loop3A_560 : i1
      %parallel_loop3A_567 = arith.addi %parallel_loop3A_558, %parallel_loop3A_557 : i32
      %parallel_loop3A_568 = arith.select %parallel_loop3A_566, %parallel_loop3A_567, %parallel_loop3A_558 : i32
      %parallel_loop3A_569 = arith.constant 16 : i32
      %parallel_loop3A_570 = arith.muli %parallel_loop3A_568, %parallel_loop3A_569 : i32
      %parallel_loop3A_571 = arith.index_cast %parallel_loop3A_552 : i32 to index
      %parallel_loop3A_572 = arith.index_cast %parallel_loop3A_570 : i32 to index
      %parallel_loop3A_573 = tpu.vector_load %arg11[%parallel_loop3A_571, %parallel_loop3A_572] {strides = array<i32>} : memref<16x1024xf32, #tpu.memory_space<vmem>>, vector<1x16xf32>,
      %parallel_loop3A_574 = vector.shape_cast %parallel_loop3A_573 : vector<1x16xf32> to vector<16xf32>
      %parallel_loop3A_575 = arith.index_cast %parallel_loop3A_552 : i32 to index
      %parallel_loop3A_576 = arith.index_cast %parallel_loop3A_570 : i32 to index
      %parallel_loop3A_577 = tpu.vector_load %arg8[%parallel_loop3A_575, %parallel_loop3A_576] {strides = array<i32>} : memref<16x1024xf32, #tpu.memory_space<vmem>>, vector<1x16xf32>,
      %parallel_loop3A_578 = vector.shape_cast %parallel_loop3A_577 : vector<1x16xf32> to vector<16xf32>
      %parallel_loop3A_579 = vector.shape_cast %parallel_loop3A_574 : vector<16xf32> to vector<1x16xf32>
      tpu.vector_store %arg8[%parallel_loop3A_575, %parallel_loop3A_576], %parallel_loop3A_579 {add = true, strides = array<i32>} : memref<16x1024xf32, #tpu.memory_space<vmem>>, vector<1x16xf32>,
    } {sc.loop_unroll_factor = 8 : i64, sc.parallel_access}
    %add3A_323 = arith.constant 144 : i32
    %add3A_324 = arith.addi %mul3A_2, %add3A_323 : i32
    %dma_start3A_325 = arith.constant 0 : i32
    %dma_start3A_326 = tpu.memref_slice %arg5[%add3A_324, %dma_start3A_325] : memref<8192x1024xf32, #tpu.memory_space<hbm>> -> memref<16x1024xf32, #tpu.memory_space<hbm>>
    %dma_start3A_327 = arith.constant 0 : i32
    %dma_start3A_328 = tpu.memref_slice %arg5[%add3A_324, %dma_start3A_327] : memref<8192x1024xf32, #tpu.memory_space<hbm>> -> memref<16x1024xf32, #tpu.memory_space<hbm>>
    tpu.enqueue_dma source(%arg8 : memref<16x1024xf32, #tpu.memory_space<vmem>>) target(%dma_start3A_328 : memref<16x1024xf32, #tpu.memory_space<hbm>>) target_semaphore(%arg19 : memref<!tpu.dma_semaphore, #tpu.memory_space<semaphore_mem>>)
    %dma_wait3A_329 = arith.constant 0 : i32
    %dma_wait3A_330 = tpu.memref_slice %arg5[%add3A_258, %dma_wait3A_329] : memref<8192x1024xf32, #tpu.memory_space<hbm>> -> memref<16x1024xf32, #tpu.memory_space<hbm>>
    %dma_wait3A_331 = arith.constant 0 : i32
    %dma_wait3A_332 = tpu.memref_slice %arg5[%add3A_258, %dma_wait3A_331] : memref<8192x1024xf32, #tpu.memory_space<hbm>> -> memref<16x1024xf32, #tpu.memory_space<hbm>>
    tpu.wait_dma2 semaphore(%arg21 : memref<!tpu.dma_semaphore, #tpu.memory_space<semaphore_mem>>) src(%arg10 : memref<16x1024xf32, #tpu.memory_space<vmem>>) dst(%dma_wait3A_332 : memref<16x1024xf32, #tpu.memory_space<hbm>>)
    %add3A_333 = arith.constant 176 : i32
    %add3A_334 = arith.addi %mul3A_2, %add3A_333 : i32
    %dma_start3A_335 = arith.constant 0 : i32
    %dma_start3A_336 = tpu.memref_slice %arg2[%add3A_334, %dma_start3A_335] : memref<8192x1024xf32, #tpu.memory_space<hbm>> -> memref<16x1024xf32, #tpu.memory_space<hbm>>
    %dma_start3A_337 = arith.constant 0 : i32
    %dma_start3A_338 = tpu.memref_slice %arg2[%add3A_334, %dma_start3A_337] : memref<8192x1024xf32, #tpu.memory_space<hbm>> -> memref<16x1024xf32, #tpu.memory_space<hbm>>
    tpu.enqueue_dma source(%dma_start3A_338 : memref<16x1024xf32, #tpu.memory_space<hbm>>) target(%arg10 : memref<16x1024xf32, #tpu.memory_space<vmem>>) target_semaphore(%arg17 : memref<!tpu.dma_semaphore, #tpu.memory_space<semaphore_mem>>)
    %dma_start3A_339 = arith.constant 176 : i32
    %dma_start3A_340 = tpu.memref_slice %arg6[%dma_start3A_339] : memref<256xi32, #tpu.memory_space<vmem>> -> memref<16xi32, #tpu.memory_space<vmem>>
    %dma_start3A_341 = arith.constant 0 : i32
    %dma_start3A_342 = arith.constant 0 : i32
    %dma_start3A_343 = tpu.memref_slice %arg4[%dma_start3A_341, %dma_start3A_342] : memref<2048x1024xf32, #tpu.memory_space<hbm>> -> memref<2048x1024xf32, #tpu.memory_space<hbm>>
    tpu.enqueue_indirect_dma source(%dma_start3A_343 : memref<2048x1024xf32, #tpu.memory_space<hbm>>) target(%arg13 : memref<16x1024xf32, #tpu.memory_space<vmem>>) offsets(%dma_start3A_340 : memref<16xi32, #tpu.memory_space<vmem>>) semaphore(%arg24 : memref<!tpu.dma_semaphore, #tpu.memory_space<semaphore_mem>>)
    %dma_wait3A_344 = arith.constant 0 : i32
    %dma_wait3A_345 = tpu.memref_slice %arg2[%add3A_301, %dma_wait3A_344] : memref<8192x1024xf32, #tpu.memory_space<hbm>> -> memref<16x1024xf32, #tpu.memory_space<hbm>>
    %dma_wait3A_346 = arith.constant 0 : i32
    %dma_wait3A_347 = tpu.memref_slice %arg2[%add3A_301, %dma_wait3A_346] : memref<8192x1024xf32, #tpu.memory_space<hbm>> -> memref<16x1024xf32, #tpu.memory_space<hbm>>
    tpu.wait_dma2 semaphore(%arg16 : memref<!tpu.dma_semaphore, #tpu.memory_space<semaphore_mem>>) src(%dma_wait3A_347 : memref<16x1024xf32, #tpu.memory_space<hbm>>) dst(%arg9 : memref<16x1024xf32, #tpu.memory_space<vmem>>)
    %dma_wait3A_348 = arith.constant 160 : i32
    %dma_wait3A_349 = tpu.memref_slice %arg6[%dma_wait3A_348] : memref<256xi32, #tpu.memory_space<vmem>> -> memref<16xi32, #tpu.memory_space<vmem>>
    %dma_wait3A_350 = arith.constant 0 : i32
    %dma_wait3A_351 = arith.constant 0 : i32
    %dma_wait3A_352 = tpu.memref_slice %arg4[%dma_wait3A_350, %dma_wait3A_351] : memref<2048x1024xf32, #tpu.memory_space<hbm>> -> memref<2048x1024xf32, #tpu.memory_space<hbm>>
    tpu.wait_indirect_dma semaphore(%arg23 : memref<!tpu.dma_semaphore, #tpu.memory_space<semaphore_mem>>) src(%dma_wait3A_352 : memref<2048x1024xf32, #tpu.memory_space<hbm>>) dst(%arg12 : memref<16x1024xf32, #tpu.memory_space<vmem>>)
    %parallel_loop3A_353 = arith.constant 0 : i32
    %parallel_loop3A_354 = arith.constant 1024 : i32
    %parallel_loop3A_355 = arith.constant 1 : i32
    scf.for %parallel_loop3A_528 = %parallel_loop3A_353 to %parallel_loop3A_354 step %parallel_loop3A_355  : i32 {
      %parallel_loop3A_529 = arith.constant 64 : i32
      %parallel_loop3A_530 = arith.divsi %parallel_loop3A_528, %parallel_loop3A_529 : i32
      %parallel_loop3A_531 = arith.constant 0 : i32
      %parallel_loop3A_532 = arith.cmpi sgt, %parallel_loop3A_528, %parallel_loop3A_531 : i32
      %parallel_loop3A_533 = arith.extui %parallel_loop3A_532 : i1 to i32
      %parallel_loop3A_534 = arith.constant 0 : i32
      %parallel_loop3A_535 = arith.cmpi slt, %parallel_loop3A_528, %parallel_loop3A_534 : i32
      %parallel_loop3A_536 = arith.extui %parallel_loop3A_535 : i1 to i32
      %parallel_loop3A_537 = arith.subi %parallel_loop3A_533, %parallel_loop3A_536 : i32
      %parallel_loop3A_538 = arith.constant 0 : i32
      %parallel_loop3A_539 = arith.cmpi sgt, %parallel_loop3A_529, %parallel_loop3A_538 : i32
      %parallel_loop3A_540 = arith.extui %parallel_loop3A_539 : i1 to i32
      %parallel_loop3A_541 = arith.constant 0 : i32
      %parallel_loop3A_542 = arith.cmpi slt, %parallel_loop3A_529, %parallel_loop3A_541 : i32
      %parallel_loop3A_543 = arith.extui %parallel_loop3A_542 : i1 to i32
      %parallel_loop3A_544 = arith.subi %parallel_loop3A_540, %parallel_loop3A_543 : i32
      %parallel_loop3A_545 = arith.cmpi ne, %parallel_loop3A_537, %parallel_loop3A_544 : i32
      %parallel_loop3A_546 = arith.remsi %parallel_loop3A_528, %parallel_loop3A_529 : i32
      %parallel_loop3A_547 = arith.constant 0 : i32
      %parallel_loop3A_548 = arith.cmpi ne, %parallel_loop3A_546, %parallel_loop3A_547 : i32
      %parallel_loop3A_549 = arith.andi %parallel_loop3A_545, %parallel_loop3A_548 : i1
      %parallel_loop3A_550 = arith.constant 1 : i32
      %parallel_loop3A_551 = arith.subi %parallel_loop3A_530, %parallel_loop3A_550 : i32
      %parallel_loop3A_552 = arith.select %parallel_loop3A_549, %parallel_loop3A_551, %parallel_loop3A_530 : i32
      %parallel_loop3A_553 = arith.constant 64 : i32
      %parallel_loop3A_554 = arith.constant 0 : i32
      %parallel_loop3A_555 = arith.cmpi eq, %parallel_loop3A_553, %parallel_loop3A_554 : i32
      %parallel_loop3A_556 = arith.constant 1 : i32
      %parallel_loop3A_557 = arith.select %parallel_loop3A_555, %parallel_loop3A_556, %parallel_loop3A_553 : i32
      %parallel_loop3A_558 = arith.remsi %parallel_loop3A_528, %parallel_loop3A_557 : i32
      %parallel_loop3A_559 = arith.constant 0 : i32
      %parallel_loop3A_560 = arith.cmpi ne, %parallel_loop3A_558, %parallel_loop3A_559 : i32
      %parallel_loop3A_561 = arith.constant 0 : i32
      %parallel_loop3A_562 = arith.cmpi slt, %parallel_loop3A_558, %parallel_loop3A_561 : i32
      %parallel_loop3A_563 = arith.constant 0 : i32
      %parallel_loop3A_564 = arith.cmpi slt, %parallel_loop3A_557, %parallel_loop3A_563 : i32
      %parallel_loop3A_565 = arith.xori %parallel_loop3A_562, %parallel_loop3A_564 : i1
      %parallel_loop3A_566 = arith.andi %parallel_loop3A_565, %parallel_loop3A_560 : i1
      %parallel_loop3A_567 = arith.addi %parallel_loop3A_558, %parallel_loop3A_557 : i32
      %parallel_loop3A_568 = arith.select %parallel_loop3A_566, %parallel_loop3A_567, %parallel_loop3A_558 : i32
      %parallel_loop3A_569 = arith.constant 16 : i32
      %parallel_loop3A_570 = arith.muli %parallel_loop3A_568, %parallel_loop3A_569 : i32
      %parallel_loop3A_571 = arith.index_cast %parallel_loop3A_552 : i32 to index
      %parallel_loop3A_572 = arith.index_cast %parallel_loop3A_570 : i32 to index
      %parallel_loop3A_573 = tpu.vector_load %arg12[%parallel_loop3A_571, %parallel_loop3A_572] {strides = array<i32>} : memref<16x1024xf32, #tpu.memory_space<vmem>>, vector<1x16xf32>,
      %parallel_loop3A_574 = vector.shape_cast %parallel_loop3A_573 : vector<1x16xf32> to vector<16xf32>
      %parallel_loop3A_575 = arith.index_cast %parallel_loop3A_552 : i32 to index
      %parallel_loop3A_576 = arith.index_cast %parallel_loop3A_570 : i32 to index
      %parallel_loop3A_577 = tpu.vector_load %arg9[%parallel_loop3A_575, %parallel_loop3A_576] {strides = array<i32>} : memref<16x1024xf32, #tpu.memory_space<vmem>>, vector<1x16xf32>,
      %parallel_loop3A_578 = vector.shape_cast %parallel_loop3A_577 : vector<1x16xf32> to vector<16xf32>
      %parallel_loop3A_579 = vector.shape_cast %parallel_loop3A_574 : vector<16xf32> to vector<1x16xf32>
      tpu.vector_store %arg9[%parallel_loop3A_575, %parallel_loop3A_576], %parallel_loop3A_579 {add = true, strides = array<i32>} : memref<16x1024xf32, #tpu.memory_space<vmem>>, vector<1x16xf32>,
    } {sc.loop_unroll_factor = 8 : i64, sc.parallel_access}
    %add3A_356 = arith.constant 160 : i32
    %add3A_357 = arith.addi %mul3A_2, %add3A_356 : i32
    %dma_start3A_358 = arith.constant 0 : i32
    %dma_start3A_359 = tpu.memref_slice %arg5[%add3A_357, %dma_start3A_358] : memref<8192x1024xf32, #tpu.memory_space<hbm>> -> memref<16x1024xf32, #tpu.memory_space<hbm>>
    %dma_start3A_360 = arith.constant 0 : i32
    %dma_start3A_361 = tpu.memref_slice %arg5[%add3A_357, %dma_start3A_360] : memref<8192x1024xf32, #tpu.memory_space<hbm>> -> memref<16x1024xf32, #tpu.memory_space<hbm>>
    tpu.enqueue_dma source(%arg9 : memref<16x1024xf32, #tpu.memory_space<vmem>>) target(%dma_start3A_361 : memref<16x1024xf32, #tpu.memory_space<hbm>>) target_semaphore(%arg20 : memref<!tpu.dma_semaphore, #tpu.memory_space<semaphore_mem>>)
    %dma_wait3A_362 = arith.constant 0 : i32
    %dma_wait3A_363 = tpu.memref_slice %arg5[%add3A_291, %dma_wait3A_362] : memref<8192x1024xf32, #tpu.memory_space<hbm>> -> memref<16x1024xf32, #tpu.memory_space<hbm>>
    %dma_wait3A_364 = arith.constant 0 : i32
    %dma_wait3A_365 = tpu.memref_slice %arg5[%add3A_291, %dma_wait3A_364] : memref<8192x1024xf32, #tpu.memory_space<hbm>> -> memref<16x1024xf32, #tpu.memory_space<hbm>>
    tpu.wait_dma2 semaphore(%arg18 : memref<!tpu.dma_semaphore, #tpu.memory_space<semaphore_mem>>) src(%arg7 : memref<16x1024xf32, #tpu.memory_space<vmem>>) dst(%dma_wait3A_365 : memref<16x1024xf32, #tpu.memory_space<hbm>>)
    %add3A_366 = arith.constant 192 : i32
    %add3A_367 = arith.addi %mul3A_2, %add3A_366 : i32
    %dma_start3A_368 = arith.constant 0 : i32
    %dma_start3A_369 = tpu.memref_slice %arg2[%add3A_367, %dma_start3A_368] : memref<8192x1024xf32, #tpu.memory_space<hbm>> -> memref<16x1024xf32, #tpu.memory_space<hbm>>
    %dma_start3A_370 = arith.constant 0 : i32
    %dma_start3A_371 = tpu.memref_slice %arg2[%add3A_367, %dma_start3A_370] : memref<8192x1024xf32, #tpu.memory_space<hbm>> -> memref<16x1024xf32, #tpu.memory_space<hbm>>
    tpu.enqueue_dma source(%dma_start3A_371 : memref<16x1024xf32, #tpu.memory_space<hbm>>) target(%arg7 : memref<16x1024xf32, #tpu.memory_space<vmem>>) target_semaphore(%arg14 : memref<!tpu.dma_semaphore, #tpu.memory_space<semaphore_mem>>)
    %dma_start3A_372 = arith.constant 192 : i32
    %dma_start3A_373 = tpu.memref_slice %arg6[%dma_start3A_372] : memref<256xi32, #tpu.memory_space<vmem>> -> memref<16xi32, #tpu.memory_space<vmem>>
    %dma_start3A_374 = arith.constant 0 : i32
    %dma_start3A_375 = arith.constant 0 : i32
    %dma_start3A_376 = tpu.memref_slice %arg4[%dma_start3A_374, %dma_start3A_375] : memref<2048x1024xf32, #tpu.memory_space<hbm>> -> memref<2048x1024xf32, #tpu.memory_space<hbm>>
    tpu.enqueue_indirect_dma source(%dma_start3A_376 : memref<2048x1024xf32, #tpu.memory_space<hbm>>) target(%arg11 : memref<16x1024xf32, #tpu.memory_space<vmem>>) offsets(%dma_start3A_373 : memref<16xi32, #tpu.memory_space<vmem>>) semaphore(%arg22 : memref<!tpu.dma_semaphore, #tpu.memory_space<semaphore_mem>>)
    %dma_wait3A_377 = arith.constant 0 : i32
    %dma_wait3A_378 = tpu.memref_slice %arg2[%add3A_334, %dma_wait3A_377] : memref<8192x1024xf32, #tpu.memory_space<hbm>> -> memref<16x1024xf32, #tpu.memory_space<hbm>>
    %dma_wait3A_379 = arith.constant 0 : i32
    %dma_wait3A_380 = tpu.memref_slice %arg2[%add3A_334, %dma_wait3A_379] : memref<8192x1024xf32, #tpu.memory_space<hbm>> -> memref<16x1024xf32, #tpu.memory_space<hbm>>
    tpu.wait_dma2 semaphore(%arg17 : memref<!tpu.dma_semaphore, #tpu.memory_space<semaphore_mem>>) src(%dma_wait3A_380 : memref<16x1024xf32, #tpu.memory_space<hbm>>) dst(%arg10 : memref<16x1024xf32, #tpu.memory_space<vmem>>)
    %dma_wait3A_381 = arith.constant 176 : i32
    %dma_wait3A_382 = tpu.memref_slice %arg6[%dma_wait3A_381] : memref<256xi32, #tpu.memory_space<vmem>> -> memref<16xi32, #tpu.memory_space<vmem>>
    %dma_wait3A_383 = arith.constant 0 : i32
    %dma_wait3A_384 = arith.constant 0 : i32
    %dma_wait3A_385 = tpu.memref_slice %arg4[%dma_wait3A_383, %dma_wait3A_384] : memref<2048x1024xf32, #tpu.memory_space<hbm>> -> memref<2048x1024xf32, #tpu.memory_space<hbm>>
    tpu.wait_indirect_dma semaphore(%arg24 : memref<!tpu.dma_semaphore, #tpu.memory_space<semaphore_mem>>) src(%dma_wait3A_385 : memref<2048x1024xf32, #tpu.memory_space<hbm>>) dst(%arg13 : memref<16x1024xf32, #tpu.memory_space<vmem>>)
    %parallel_loop3A_386 = arith.constant 0 : i32
    %parallel_loop3A_387 = arith.constant 1024 : i32
    %parallel_loop3A_388 = arith.constant 1 : i32
    scf.for %parallel_loop3A_528 = %parallel_loop3A_386 to %parallel_loop3A_387 step %parallel_loop3A_388  : i32 {
      %parallel_loop3A_529 = arith.constant 64 : i32
      %parallel_loop3A_530 = arith.divsi %parallel_loop3A_528, %parallel_loop3A_529 : i32
      %parallel_loop3A_531 = arith.constant 0 : i32
      %parallel_loop3A_532 = arith.cmpi sgt, %parallel_loop3A_528, %parallel_loop3A_531 : i32
      %parallel_loop3A_533 = arith.extui %parallel_loop3A_532 : i1 to i32
      %parallel_loop3A_534 = arith.constant 0 : i32
      %parallel_loop3A_535 = arith.cmpi slt, %parallel_loop3A_528, %parallel_loop3A_534 : i32
      %parallel_loop3A_536 = arith.extui %parallel_loop3A_535 : i1 to i32
      %parallel_loop3A_537 = arith.subi %parallel_loop3A_533, %parallel_loop3A_536 : i32
      %parallel_loop3A_538 = arith.constant 0 : i32
      %parallel_loop3A_539 = arith.cmpi sgt, %parallel_loop3A_529, %parallel_loop3A_538 : i32
      %parallel_loop3A_540 = arith.extui %parallel_loop3A_539 : i1 to i32
      %parallel_loop3A_541 = arith.constant 0 : i32
      %parallel_loop3A_542 = arith.cmpi slt, %parallel_loop3A_529, %parallel_loop3A_541 : i32
      %parallel_loop3A_543 = arith.extui %parallel_loop3A_542 : i1 to i32
      %parallel_loop3A_544 = arith.subi %parallel_loop3A_540, %parallel_loop3A_543 : i32
      %parallel_loop3A_545 = arith.cmpi ne, %parallel_loop3A_537, %parallel_loop3A_544 : i32
      %parallel_loop3A_546 = arith.remsi %parallel_loop3A_528, %parallel_loop3A_529 : i32
      %parallel_loop3A_547 = arith.constant 0 : i32
      %parallel_loop3A_548 = arith.cmpi ne, %parallel_loop3A_546, %parallel_loop3A_547 : i32
      %parallel_loop3A_549 = arith.andi %parallel_loop3A_545, %parallel_loop3A_548 : i1
      %parallel_loop3A_550 = arith.constant 1 : i32
      %parallel_loop3A_551 = arith.subi %parallel_loop3A_530, %parallel_loop3A_550 : i32
      %parallel_loop3A_552 = arith.select %parallel_loop3A_549, %parallel_loop3A_551, %parallel_loop3A_530 : i32
      %parallel_loop3A_553 = arith.constant 64 : i32
      %parallel_loop3A_554 = arith.constant 0 : i32
      %parallel_loop3A_555 = arith.cmpi eq, %parallel_loop3A_553, %parallel_loop3A_554 : i32
      %parallel_loop3A_556 = arith.constant 1 : i32
      %parallel_loop3A_557 = arith.select %parallel_loop3A_555, %parallel_loop3A_556, %parallel_loop3A_553 : i32
      %parallel_loop3A_558 = arith.remsi %parallel_loop3A_528, %parallel_loop3A_557 : i32
      %parallel_loop3A_559 = arith.constant 0 : i32
      %parallel_loop3A_560 = arith.cmpi ne, %parallel_loop3A_558, %parallel_loop3A_559 : i32
      %parallel_loop3A_561 = arith.constant 0 : i32
      %parallel_loop3A_562 = arith.cmpi slt, %parallel_loop3A_558, %parallel_loop3A_561 : i32
      %parallel_loop3A_563 = arith.constant 0 : i32
      %parallel_loop3A_564 = arith.cmpi slt, %parallel_loop3A_557, %parallel_loop3A_563 : i32
      %parallel_loop3A_565 = arith.xori %parallel_loop3A_562, %parallel_loop3A_564 : i1
      %parallel_loop3A_566 = arith.andi %parallel_loop3A_565, %parallel_loop3A_560 : i1
      %parallel_loop3A_567 = arith.addi %parallel_loop3A_558, %parallel_loop3A_557 : i32
      %parallel_loop3A_568 = arith.select %parallel_loop3A_566, %parallel_loop3A_567, %parallel_loop3A_558 : i32
      %parallel_loop3A_569 = arith.constant 16 : i32
      %parallel_loop3A_570 = arith.muli %parallel_loop3A_568, %parallel_loop3A_569 : i32
      %parallel_loop3A_571 = arith.index_cast %parallel_loop3A_552 : i32 to index
      %parallel_loop3A_572 = arith.index_cast %parallel_loop3A_570 : i32 to index
      %parallel_loop3A_573 = tpu.vector_load %arg13[%parallel_loop3A_571, %parallel_loop3A_572] {strides = array<i32>} : memref<16x1024xf32, #tpu.memory_space<vmem>>, vector<1x16xf32>,
      %parallel_loop3A_574 = vector.shape_cast %parallel_loop3A_573 : vector<1x16xf32> to vector<16xf32>
      %parallel_loop3A_575 = arith.index_cast %parallel_loop3A_552 : i32 to index
      %parallel_loop3A_576 = arith.index_cast %parallel_loop3A_570 : i32 to index
      %parallel_loop3A_577 = tpu.vector_load %arg10[%parallel_loop3A_575, %parallel_loop3A_576] {strides = array<i32>} : memref<16x1024xf32, #tpu.memory_space<vmem>>, vector<1x16xf32>,
      %parallel_loop3A_578 = vector.shape_cast %parallel_loop3A_577 : vector<1x16xf32> to vector<16xf32>
      %parallel_loop3A_579 = vector.shape_cast %parallel_loop3A_574 : vector<16xf32> to vector<1x16xf32>
      tpu.vector_store %arg10[%parallel_loop3A_575, %parallel_loop3A_576], %parallel_loop3A_579 {add = true, strides = array<i32>} : memref<16x1024xf32, #tpu.memory_space<vmem>>, vector<1x16xf32>,
    } {sc.loop_unroll_factor = 8 : i64, sc.parallel_access}
    %add3A_389 = arith.constant 176 : i32
    %add3A_390 = arith.addi %mul3A_2, %add3A_389 : i32
    %dma_start3A_391 = arith.constant 0 : i32
    %dma_start3A_392 = tpu.memref_slice %arg5[%add3A_390, %dma_start3A_391] : memref<8192x1024xf32, #tpu.memory_space<hbm>> -> memref<16x1024xf32, #tpu.memory_space<hbm>>
    %dma_start3A_393 = arith.constant 0 : i32
    %dma_start3A_394 = tpu.memref_slice %arg5[%add3A_390, %dma_start3A_393] : memref<8192x1024xf32, #tpu.memory_space<hbm>> -> memref<16x1024xf32, #tpu.memory_space<hbm>>
    tpu.enqueue_dma source(%arg10 : memref<16x1024xf32, #tpu.memory_space<vmem>>) target(%dma_start3A_394 : memref<16x1024xf32, #tpu.memory_space<hbm>>) target_semaphore(%arg21 : memref<!tpu.dma_semaphore, #tpu.memory_space<semaphore_mem>>)
    %dma_wait3A_395 = arith.constant 0 : i32
    %dma_wait3A_396 = tpu.memref_slice %arg5[%add3A_324, %dma_wait3A_395] : memref<8192x1024xf32, #tpu.memory_space<hbm>> -> memref<16x1024xf32, #tpu.memory_space<hbm>>
    %dma_wait3A_397 = arith.constant 0 : i32
    %dma_wait3A_398 = tpu.memref_slice %arg5[%add3A_324, %dma_wait3A_397] : memref<8192x1024xf32, #tpu.memory_space<hbm>> -> memref<16x1024xf32, #tpu.memory_space<hbm>>
    tpu.wait_dma2 semaphore(%arg19 : memref<!tpu.dma_semaphore, #tpu.memory_space<semaphore_mem>>) src(%arg8 : memref<16x1024xf32, #tpu.memory_space<vmem>>) dst(%dma_wait3A_398 : memref<16x1024xf32, #tpu.memory_space<hbm>>)
    %add3A_399 = arith.constant 208 : i32
    %add3A_400 = arith.addi %mul3A_2, %add3A_399 : i32
    %dma_start3A_401 = arith.constant 0 : i32
    %dma_start3A_402 = tpu.memref_slice %arg2[%add3A_400, %dma_start3A_401] : memref<8192x1024xf32, #tpu.memory_space<hbm>> -> memref<16x1024xf32, #tpu.memory_space<hbm>>
    %dma_start3A_403 = arith.constant 0 : i32
    %dma_start3A_404 = tpu.memref_slice %arg2[%add3A_400, %dma_start3A_403] : memref<8192x1024xf32, #tpu.memory_space<hbm>> -> memref<16x1024xf32, #tpu.memory_space<hbm>>
    tpu.enqueue_dma source(%dma_start3A_404 : memref<16x1024xf32, #tpu.memory_space<hbm>>) target(%arg8 : memref<16x1024xf32, #tpu.memory_space<vmem>>) target_semaphore(%arg15 : memref<!tpu.dma_semaphore, #tpu.memory_space<semaphore_mem>>)
    %dma_start3A_405 = arith.constant 208 : i32
    %dma_start3A_406 = tpu.memref_slice %arg6[%dma_start3A_405] : memref<256xi32, #tpu.memory_space<vmem>> -> memref<16xi32, #tpu.memory_space<vmem>>
    %dma_start3A_407 = arith.constant 0 : i32
    %dma_start3A_408 = arith.constant 0 : i32
    %dma_start3A_409 = tpu.memref_slice %arg4[%dma_start3A_407, %dma_start3A_408] : memref<2048x1024xf32, #tpu.memory_space<hbm>> -> memref<2048x1024xf32, #tpu.memory_space<hbm>>
    tpu.enqueue_indirect_dma source(%dma_start3A_409 : memref<2048x1024xf32, #tpu.memory_space<hbm>>) target(%arg12 : memref<16x1024xf32, #tpu.memory_space<vmem>>) offsets(%dma_start3A_406 : memref<16xi32, #tpu.memory_space<vmem>>) semaphore(%arg23 : memref<!tpu.dma_semaphore, #tpu.memory_space<semaphore_mem>>)
    %dma_wait3A_410 = arith.constant 0 : i32
    %dma_wait3A_411 = tpu.memref_slice %arg2[%add3A_367, %dma_wait3A_410] : memref<8192x1024xf32, #tpu.memory_space<hbm>> -> memref<16x1024xf32, #tpu.memory_space<hbm>>
    %dma_wait3A_412 = arith.constant 0 : i32
    %dma_wait3A_413 = tpu.memref_slice %arg2[%add3A_367, %dma_wait3A_412] : memref<8192x1024xf32, #tpu.memory_space<hbm>> -> memref<16x1024xf32, #tpu.memory_space<hbm>>
    tpu.wait_dma2 semaphore(%arg14 : memref<!tpu.dma_semaphore, #tpu.memory_space<semaphore_mem>>) src(%dma_wait3A_413 : memref<16x1024xf32, #tpu.memory_space<hbm>>) dst(%arg7 : memref<16x1024xf32, #tpu.memory_space<vmem>>)
    %dma_wait3A_414 = arith.constant 192 : i32
    %dma_wait3A_415 = tpu.memref_slice %arg6[%dma_wait3A_414] : memref<256xi32, #tpu.memory_space<vmem>> -> memref<16xi32, #tpu.memory_space<vmem>>
    %dma_wait3A_416 = arith.constant 0 : i32
    %dma_wait3A_417 = arith.constant 0 : i32
    %dma_wait3A_418 = tpu.memref_slice %arg4[%dma_wait3A_416, %dma_wait3A_417] : memref<2048x1024xf32, #tpu.memory_space<hbm>> -> memref<2048x1024xf32, #tpu.memory_space<hbm>>
    tpu.wait_indirect_dma semaphore(%arg22 : memref<!tpu.dma_semaphore, #tpu.memory_space<semaphore_mem>>) src(%dma_wait3A_418 : memref<2048x1024xf32, #tpu.memory_space<hbm>>) dst(%arg11 : memref<16x1024xf32, #tpu.memory_space<vmem>>)
    %parallel_loop3A_419 = arith.constant 0 : i32
    %parallel_loop3A_420 = arith.constant 1024 : i32
    %parallel_loop3A_421 = arith.constant 1 : i32
    scf.for %parallel_loop3A_528 = %parallel_loop3A_419 to %parallel_loop3A_420 step %parallel_loop3A_421  : i32 {
      %parallel_loop3A_529 = arith.constant 64 : i32
      %parallel_loop3A_530 = arith.divsi %parallel_loop3A_528, %parallel_loop3A_529 : i32
      %parallel_loop3A_531 = arith.constant 0 : i32
      %parallel_loop3A_532 = arith.cmpi sgt, %parallel_loop3A_528, %parallel_loop3A_531 : i32
      %parallel_loop3A_533 = arith.extui %parallel_loop3A_532 : i1 to i32
      %parallel_loop3A_534 = arith.constant 0 : i32
      %parallel_loop3A_535 = arith.cmpi slt, %parallel_loop3A_528, %parallel_loop3A_534 : i32
      %parallel_loop3A_536 = arith.extui %parallel_loop3A_535 : i1 to i32
      %parallel_loop3A_537 = arith.subi %parallel_loop3A_533, %parallel_loop3A_536 : i32
      %parallel_loop3A_538 = arith.constant 0 : i32
      %parallel_loop3A_539 = arith.cmpi sgt, %parallel_loop3A_529, %parallel_loop3A_538 : i32
      %parallel_loop3A_540 = arith.extui %parallel_loop3A_539 : i1 to i32
      %parallel_loop3A_541 = arith.constant 0 : i32
      %parallel_loop3A_542 = arith.cmpi slt, %parallel_loop3A_529, %parallel_loop3A_541 : i32
      %parallel_loop3A_543 = arith.extui %parallel_loop3A_542 : i1 to i32
      %parallel_loop3A_544 = arith.subi %parallel_loop3A_540, %parallel_loop3A_543 : i32
      %parallel_loop3A_545 = arith.cmpi ne, %parallel_loop3A_537, %parallel_loop3A_544 : i32
      %parallel_loop3A_546 = arith.remsi %parallel_loop3A_528, %parallel_loop3A_529 : i32
      %parallel_loop3A_547 = arith.constant 0 : i32
      %parallel_loop3A_548 = arith.cmpi ne, %parallel_loop3A_546, %parallel_loop3A_547 : i32
      %parallel_loop3A_549 = arith.andi %parallel_loop3A_545, %parallel_loop3A_548 : i1
      %parallel_loop3A_550 = arith.constant 1 : i32
      %parallel_loop3A_551 = arith.subi %parallel_loop3A_530, %parallel_loop3A_550 : i32
      %parallel_loop3A_552 = arith.select %parallel_loop3A_549, %parallel_loop3A_551, %parallel_loop3A_530 : i32
      %parallel_loop3A_553 = arith.constant 64 : i32
      %parallel_loop3A_554 = arith.constant 0 : i32
      %parallel_loop3A_555 = arith.cmpi eq, %parallel_loop3A_553, %parallel_loop3A_554 : i32
      %parallel_loop3A_556 = arith.constant 1 : i32
      %parallel_loop3A_557 = arith.select %parallel_loop3A_555, %parallel_loop3A_556, %parallel_loop3A_553 : i32
      %parallel_loop3A_558 = arith.remsi %parallel_loop3A_528, %parallel_loop3A_557 : i32
      %parallel_loop3A_559 = arith.constant 0 : i32
      %parallel_loop3A_560 = arith.cmpi ne, %parallel_loop3A_558, %parallel_loop3A_559 : i32
      %parallel_loop3A_561 = arith.constant 0 : i32
      %parallel_loop3A_562 = arith.cmpi slt, %parallel_loop3A_558, %parallel_loop3A_561 : i32
      %parallel_loop3A_563 = arith.constant 0 : i32
      %parallel_loop3A_564 = arith.cmpi slt, %parallel_loop3A_557, %parallel_loop3A_563 : i32
      %parallel_loop3A_565 = arith.xori %parallel_loop3A_562, %parallel_loop3A_564 : i1
      %parallel_loop3A_566 = arith.andi %parallel_loop3A_565, %parallel_loop3A_560 : i1
      %parallel_loop3A_567 = arith.addi %parallel_loop3A_558, %parallel_loop3A_557 : i32
      %parallel_loop3A_568 = arith.select %parallel_loop3A_566, %parallel_loop3A_567, %parallel_loop3A_558 : i32
      %parallel_loop3A_569 = arith.constant 16 : i32
      %parallel_loop3A_570 = arith.muli %parallel_loop3A_568, %parallel_loop3A_569 : i32
      %parallel_loop3A_571 = arith.index_cast %parallel_loop3A_552 : i32 to index
      %parallel_loop3A_572 = arith.index_cast %parallel_loop3A_570 : i32 to index
      %parallel_loop3A_573 = tpu.vector_load %arg11[%parallel_loop3A_571, %parallel_loop3A_572] {strides = array<i32>} : memref<16x1024xf32, #tpu.memory_space<vmem>>, vector<1x16xf32>,
      %parallel_loop3A_574 = vector.shape_cast %parallel_loop3A_573 : vector<1x16xf32> to vector<16xf32>
      %parallel_loop3A_575 = arith.index_cast %parallel_loop3A_552 : i32 to index
      %parallel_loop3A_576 = arith.index_cast %parallel_loop3A_570 : i32 to index
      %parallel_loop3A_577 = tpu.vector_load %arg7[%parallel_loop3A_575, %parallel_loop3A_576] {strides = array<i32>} : memref<16x1024xf32, #tpu.memory_space<vmem>>, vector<1x16xf32>,
      %parallel_loop3A_578 = vector.shape_cast %parallel_loop3A_577 : vector<1x16xf32> to vector<16xf32>
      %parallel_loop3A_579 = vector.shape_cast %parallel_loop3A_574 : vector<16xf32> to vector<1x16xf32>
      tpu.vector_store %arg7[%parallel_loop3A_575, %parallel_loop3A_576], %parallel_loop3A_579 {add = true, strides = array<i32>} : memref<16x1024xf32, #tpu.memory_space<vmem>>, vector<1x16xf32>,
    } {sc.loop_unroll_factor = 8 : i64, sc.parallel_access}
    %add3A_422 = arith.constant 192 : i32
    %add3A_423 = arith.addi %mul3A_2, %add3A_422 : i32
    %dma_start3A_424 = arith.constant 0 : i32
    %dma_start3A_425 = tpu.memref_slice %arg5[%add3A_423, %dma_start3A_424] : memref<8192x1024xf32, #tpu.memory_space<hbm>> -> memref<16x1024xf32, #tpu.memory_space<hbm>>
    %dma_start3A_426 = arith.constant 0 : i32
    %dma_start3A_427 = tpu.memref_slice %arg5[%add3A_423, %dma_start3A_426] : memref<8192x1024xf32, #tpu.memory_space<hbm>> -> memref<16x1024xf32, #tpu.memory_space<hbm>>
    tpu.enqueue_dma source(%arg7 : memref<16x1024xf32, #tpu.memory_space<vmem>>) target(%dma_start3A_427 : memref<16x1024xf32, #tpu.memory_space<hbm>>) target_semaphore(%arg18 : memref<!tpu.dma_semaphore, #tpu.memory_space<semaphore_mem>>)
    %dma_wait3A_428 = arith.constant 0 : i32
    %dma_wait3A_429 = tpu.memref_slice %arg5[%add3A_357, %dma_wait3A_428] : memref<8192x1024xf32, #tpu.memory_space<hbm>> -> memref<16x1024xf32, #tpu.memory_space<hbm>>
    %dma_wait3A_430 = arith.constant 0 : i32
    %dma_wait3A_431 = tpu.memref_slice %arg5[%add3A_357, %dma_wait3A_430] : memref<8192x1024xf32, #tpu.memory_space<hbm>> -> memref<16x1024xf32, #tpu.memory_space<hbm>>
    tpu.wait_dma2 semaphore(%arg20 : memref<!tpu.dma_semaphore, #tpu.memory_space<semaphore_mem>>) src(%arg9 : memref<16x1024xf32, #tpu.memory_space<vmem>>) dst(%dma_wait3A_431 : memref<16x1024xf32, #tpu.memory_space<hbm>>)
    %add3A_432 = arith.constant 224 : i32
    %add3A_433 = arith.addi %mul3A_2, %add3A_432 : i32
    %dma_start3A_434 = arith.constant 0 : i32
    %dma_start3A_435 = tpu.memref_slice %arg2[%add3A_433, %dma_start3A_434] : memref<8192x1024xf32, #tpu.memory_space<hbm>> -> memref<16x1024xf32, #tpu.memory_space<hbm>>
    %dma_start3A_436 = arith.constant 0 : i32
    %dma_start3A_437 = tpu.memref_slice %arg2[%add3A_433, %dma_start3A_436] : memref<8192x1024xf32, #tpu.memory_space<hbm>> -> memref<16x1024xf32, #tpu.memory_space<hbm>>
    tpu.enqueue_dma source(%dma_start3A_437 : memref<16x1024xf32, #tpu.memory_space<hbm>>) target(%arg9 : memref<16x1024xf32, #tpu.memory_space<vmem>>) target_semaphore(%arg16 : memref<!tpu.dma_semaphore, #tpu.memory_space<semaphore_mem>>)
    %dma_start3A_438 = arith.constant 224 : i32
    %dma_start3A_439 = tpu.memref_slice %arg6[%dma_start3A_438] : memref<256xi32, #tpu.memory_space<vmem>> -> memref<16xi32, #tpu.memory_space<vmem>>
    %dma_start3A_440 = arith.constant 0 : i32
    %dma_start3A_441 = arith.constant 0 : i32
    %dma_start3A_442 = tpu.memref_slice %arg4[%dma_start3A_440, %dma_start3A_441] : memref<2048x1024xf32, #tpu.memory_space<hbm>> -> memref<2048x1024xf32, #tpu.memory_space<hbm>>
    tpu.enqueue_indirect_dma source(%dma_start3A_442 : memref<2048x1024xf32, #tpu.memory_space<hbm>>) target(%arg13 : memref<16x1024xf32, #tpu.memory_space<vmem>>) offsets(%dma_start3A_439 : memref<16xi32, #tpu.memory_space<vmem>>) semaphore(%arg24 : memref<!tpu.dma_semaphore, #tpu.memory_space<semaphore_mem>>)
    %dma_wait3A_443 = arith.constant 0 : i32
    %dma_wait3A_444 = tpu.memref_slice %arg2[%add3A_400, %dma_wait3A_443] : memref<8192x1024xf32, #tpu.memory_space<hbm>> -> memref<16x1024xf32, #tpu.memory_space<hbm>>
    %dma_wait3A_445 = arith.constant 0 : i32
    %dma_wait3A_446 = tpu.memref_slice %arg2[%add3A_400, %dma_wait3A_445] : memref<8192x1024xf32, #tpu.memory_space<hbm>> -> memref<16x1024xf32, #tpu.memory_space<hbm>>
    tpu.wait_dma2 semaphore(%arg15 : memref<!tpu.dma_semaphore, #tpu.memory_space<semaphore_mem>>) src(%dma_wait3A_446 : memref<16x1024xf32, #tpu.memory_space<hbm>>) dst(%arg8 : memref<16x1024xf32, #tpu.memory_space<vmem>>)
    %dma_wait3A_447 = arith.constant 208 : i32
    %dma_wait3A_448 = tpu.memref_slice %arg6[%dma_wait3A_447] : memref<256xi32, #tpu.memory_space<vmem>> -> memref<16xi32, #tpu.memory_space<vmem>>
    %dma_wait3A_449 = arith.constant 0 : i32
    %dma_wait3A_450 = arith.constant 0 : i32
    %dma_wait3A_451 = tpu.memref_slice %arg4[%dma_wait3A_449, %dma_wait3A_450] : memref<2048x1024xf32, #tpu.memory_space<hbm>> -> memref<2048x1024xf32, #tpu.memory_space<hbm>>
    tpu.wait_indirect_dma semaphore(%arg23 : memref<!tpu.dma_semaphore, #tpu.memory_space<semaphore_mem>>) src(%dma_wait3A_451 : memref<2048x1024xf32, #tpu.memory_space<hbm>>) dst(%arg12 : memref<16x1024xf32, #tpu.memory_space<vmem>>)
    %parallel_loop3A_452 = arith.constant 0 : i32
    %parallel_loop3A_453 = arith.constant 1024 : i32
    %parallel_loop3A_454 = arith.constant 1 : i32
    scf.for %parallel_loop3A_528 = %parallel_loop3A_452 to %parallel_loop3A_453 step %parallel_loop3A_454  : i32 {
      %parallel_loop3A_529 = arith.constant 64 : i32
      %parallel_loop3A_530 = arith.divsi %parallel_loop3A_528, %parallel_loop3A_529 : i32
      %parallel_loop3A_531 = arith.constant 0 : i32
      %parallel_loop3A_532 = arith.cmpi sgt, %parallel_loop3A_528, %parallel_loop3A_531 : i32
      %parallel_loop3A_533 = arith.extui %parallel_loop3A_532 : i1 to i32
      %parallel_loop3A_534 = arith.constant 0 : i32
      %parallel_loop3A_535 = arith.cmpi slt, %parallel_loop3A_528, %parallel_loop3A_534 : i32
      %parallel_loop3A_536 = arith.extui %parallel_loop3A_535 : i1 to i32
      %parallel_loop3A_537 = arith.subi %parallel_loop3A_533, %parallel_loop3A_536 : i32
      %parallel_loop3A_538 = arith.constant 0 : i32
      %parallel_loop3A_539 = arith.cmpi sgt, %parallel_loop3A_529, %parallel_loop3A_538 : i32
      %parallel_loop3A_540 = arith.extui %parallel_loop3A_539 : i1 to i32
      %parallel_loop3A_541 = arith.constant 0 : i32
      %parallel_loop3A_542 = arith.cmpi slt, %parallel_loop3A_529, %parallel_loop3A_541 : i32
      %parallel_loop3A_543 = arith.extui %parallel_loop3A_542 : i1 to i32
      %parallel_loop3A_544 = arith.subi %parallel_loop3A_540, %parallel_loop3A_543 : i32
      %parallel_loop3A_545 = arith.cmpi ne, %parallel_loop3A_537, %parallel_loop3A_544 : i32
      %parallel_loop3A_546 = arith.remsi %parallel_loop3A_528, %parallel_loop3A_529 : i32
      %parallel_loop3A_547 = arith.constant 0 : i32
      %parallel_loop3A_548 = arith.cmpi ne, %parallel_loop3A_546, %parallel_loop3A_547 : i32
      %parallel_loop3A_549 = arith.andi %parallel_loop3A_545, %parallel_loop3A_548 : i1
      %parallel_loop3A_550 = arith.constant 1 : i32
      %parallel_loop3A_551 = arith.subi %parallel_loop3A_530, %parallel_loop3A_550 : i32
      %parallel_loop3A_552 = arith.select %parallel_loop3A_549, %parallel_loop3A_551, %parallel_loop3A_530 : i32
      %parallel_loop3A_553 = arith.constant 64 : i32
      %parallel_loop3A_554 = arith.constant 0 : i32
      %parallel_loop3A_555 = arith.cmpi eq, %parallel_loop3A_553, %parallel_loop3A_554 : i32
      %parallel_loop3A_556 = arith.constant 1 : i32
      %parallel_loop3A_557 = arith.select %parallel_loop3A_555, %parallel_loop3A_556, %parallel_loop3A_553 : i32
      %parallel_loop3A_558 = arith.remsi %parallel_loop3A_528, %parallel_loop3A_557 : i32
      %parallel_loop3A_559 = arith.constant 0 : i32
      %parallel_loop3A_560 = arith.cmpi ne, %parallel_loop3A_558, %parallel_loop3A_559 : i32
      %parallel_loop3A_561 = arith.constant 0 : i32
      %parallel_loop3A_562 = arith.cmpi slt, %parallel_loop3A_558, %parallel_loop3A_561 : i32
      %parallel_loop3A_563 = arith.constant 0 : i32
      %parallel_loop3A_564 = arith.cmpi slt, %parallel_loop3A_557, %parallel_loop3A_563 : i32
      %parallel_loop3A_565 = arith.xori %parallel_loop3A_562, %parallel_loop3A_564 : i1
      %parallel_loop3A_566 = arith.andi %parallel_loop3A_565, %parallel_loop3A_560 : i1
      %parallel_loop3A_567 = arith.addi %parallel_loop3A_558, %parallel_loop3A_557 : i32
      %parallel_loop3A_568 = arith.select %parallel_loop3A_566, %parallel_loop3A_567, %parallel_loop3A_558 : i32
      %parallel_loop3A_569 = arith.constant 16 : i32
      %parallel_loop3A_570 = arith.muli %parallel_loop3A_568, %parallel_loop3A_569 : i32
      %parallel_loop3A_571 = arith.index_cast %parallel_loop3A_552 : i32 to index
      %parallel_loop3A_572 = arith.index_cast %parallel_loop3A_570 : i32 to index
      %parallel_loop3A_573 = tpu.vector_load %arg12[%parallel_loop3A_571, %parallel_loop3A_572] {strides = array<i32>} : memref<16x1024xf32, #tpu.memory_space<vmem>>, vector<1x16xf32>,
      %parallel_loop3A_574 = vector.shape_cast %parallel_loop3A_573 : vector<1x16xf32> to vector<16xf32>
      %parallel_loop3A_575 = arith.index_cast %parallel_loop3A_552 : i32 to index
      %parallel_loop3A_576 = arith.index_cast %parallel_loop3A_570 : i32 to index
      %parallel_loop3A_577 = tpu.vector_load %arg8[%parallel_loop3A_575, %parallel_loop3A_576] {strides = array<i32>} : memref<16x1024xf32, #tpu.memory_space<vmem>>, vector<1x16xf32>,
      %parallel_loop3A_578 = vector.shape_cast %parallel_loop3A_577 : vector<1x16xf32> to vector<16xf32>
      %parallel_loop3A_579 = vector.shape_cast %parallel_loop3A_574 : vector<16xf32> to vector<1x16xf32>
      tpu.vector_store %arg8[%parallel_loop3A_575, %parallel_loop3A_576], %parallel_loop3A_579 {add = true, strides = array<i32>} : memref<16x1024xf32, #tpu.memory_space<vmem>>, vector<1x16xf32>,
    } {sc.loop_unroll_factor = 8 : i64, sc.parallel_access}
    %add3A_455 = arith.constant 208 : i32
    %add3A_456 = arith.addi %mul3A_2, %add3A_455 : i32
    %dma_start3A_457 = arith.constant 0 : i32
    %dma_start3A_458 = tpu.memref_slice %arg5[%add3A_456, %dma_start3A_457] : memref<8192x1024xf32, #tpu.memory_space<hbm>> -> memref<16x1024xf32, #tpu.memory_space<hbm>>
    %dma_start3A_459 = arith.constant 0 : i32
    %dma_start3A_460 = tpu.memref_slice %arg5[%add3A_456, %dma_start3A_459] : memref<8192x1024xf32, #tpu.memory_space<hbm>> -> memref<16x1024xf32, #tpu.memory_space<hbm>>
    tpu.enqueue_dma source(%arg8 : memref<16x1024xf32, #tpu.memory_space<vmem>>) target(%dma_start3A_460 : memref<16x1024xf32, #tpu.memory_space<hbm>>) target_semaphore(%arg19 : memref<!tpu.dma_semaphore, #tpu.memory_space<semaphore_mem>>)
    %dma_wait3A_461 = arith.constant 0 : i32
    %dma_wait3A_462 = tpu.memref_slice %arg5[%add3A_390, %dma_wait3A_461] : memref<8192x1024xf32, #tpu.memory_space<hbm>> -> memref<16x1024xf32, #tpu.memory_space<hbm>>
    %dma_wait3A_463 = arith.constant 0 : i32
    %dma_wait3A_464 = tpu.memref_slice %arg5[%add3A_390, %dma_wait3A_463] : memref<8192x1024xf32, #tpu.memory_space<hbm>> -> memref<16x1024xf32, #tpu.memory_space<hbm>>
    tpu.wait_dma2 semaphore(%arg21 : memref<!tpu.dma_semaphore, #tpu.memory_space<semaphore_mem>>) src(%arg10 : memref<16x1024xf32, #tpu.memory_space<vmem>>) dst(%dma_wait3A_464 : memref<16x1024xf32, #tpu.memory_space<hbm>>)
    %add3A_465 = arith.constant 240 : i32
    %add3A_466 = arith.addi %mul3A_2, %add3A_465 : i32
    %dma_start3A_467 = arith.constant 0 : i32
    %dma_start3A_468 = tpu.memref_slice %arg2[%add3A_466, %dma_start3A_467] : memref<8192x1024xf32, #tpu.memory_space<hbm>> -> memref<16x1024xf32, #tpu.memory_space<hbm>>
    %dma_start3A_469 = arith.constant 0 : i32
    %dma_start3A_470 = tpu.memref_slice %arg2[%add3A_466, %dma_start3A_469] : memref<8192x1024xf32, #tpu.memory_space<hbm>> -> memref<16x1024xf32, #tpu.memory_space<hbm>>
    tpu.enqueue_dma source(%dma_start3A_470 : memref<16x1024xf32, #tpu.memory_space<hbm>>) target(%arg10 : memref<16x1024xf32, #tpu.memory_space<vmem>>) target_semaphore(%arg17 : memref<!tpu.dma_semaphore, #tpu.memory_space<semaphore_mem>>)
    %dma_start3A_471 = arith.constant 240 : i32
    %dma_start3A_472 = tpu.memref_slice %arg6[%dma_start3A_471] : memref<256xi32, #tpu.memory_space<vmem>> -> memref<16xi32, #tpu.memory_space<vmem>>
    %dma_start3A_473 = arith.constant 0 : i32
    %dma_start3A_474 = arith.constant 0 : i32
    %dma_start3A_475 = tpu.memref_slice %arg4[%dma_start3A_473, %dma_start3A_474] : memref<2048x1024xf32, #tpu.memory_space<hbm>> -> memref<2048x1024xf32, #tpu.memory_space<hbm>>
    tpu.enqueue_indirect_dma source(%dma_start3A_475 : memref<2048x1024xf32, #tpu.memory_space<hbm>>) target(%arg11 : memref<16x1024xf32, #tpu.memory_space<vmem>>) offsets(%dma_start3A_472 : memref<16xi32, #tpu.memory_space<vmem>>) semaphore(%arg22 : memref<!tpu.dma_semaphore, #tpu.memory_space<semaphore_mem>>)
    %dma_wait3A_476 = arith.constant 0 : i32
    %dma_wait3A_477 = tpu.memref_slice %arg2[%add3A_433, %dma_wait3A_476] : memref<8192x1024xf32, #tpu.memory_space<hbm>> -> memref<16x1024xf32, #tpu.memory_space<hbm>>
    %dma_wait3A_478 = arith.constant 0 : i32
    %dma_wait3A_479 = tpu.memref_slice %arg2[%add3A_433, %dma_wait3A_478] : memref<8192x1024xf32, #tpu.memory_space<hbm>> -> memref<16x1024xf32, #tpu.memory_space<hbm>>
    tpu.wait_dma2 semaphore(%arg16 : memref<!tpu.dma_semaphore, #tpu.memory_space<semaphore_mem>>) src(%dma_wait3A_479 : memref<16x1024xf32, #tpu.memory_space<hbm>>) dst(%arg9 : memref<16x1024xf32, #tpu.memory_space<vmem>>)
    %dma_wait3A_480 = arith.constant 224 : i32
    %dma_wait3A_481 = tpu.memref_slice %arg6[%dma_wait3A_480] : memref<256xi32, #tpu.memory_space<vmem>> -> memref<16xi32, #tpu.memory_space<vmem>>
    %dma_wait3A_482 = arith.constant 0 : i32
    %dma_wait3A_483 = arith.constant 0 : i32
    %dma_wait3A_484 = tpu.memref_slice %arg4[%dma_wait3A_482, %dma_wait3A_483] : memref<2048x1024xf32, #tpu.memory_space<hbm>> -> memref<2048x1024xf32, #tpu.memory_space<hbm>>
    tpu.wait_indirect_dma semaphore(%arg24 : memref<!tpu.dma_semaphore, #tpu.memory_space<semaphore_mem>>) src(%dma_wait3A_484 : memref<2048x1024xf32, #tpu.memory_space<hbm>>) dst(%arg13 : memref<16x1024xf32, #tpu.memory_space<vmem>>)
    %parallel_loop3A_485 = arith.constant 0 : i32
    %parallel_loop3A_486 = arith.constant 1024 : i32
    %parallel_loop3A_487 = arith.constant 1 : i32
    scf.for %parallel_loop3A_528 = %parallel_loop3A_485 to %parallel_loop3A_486 step %parallel_loop3A_487  : i32 {
      %parallel_loop3A_529 = arith.constant 64 : i32
      %parallel_loop3A_530 = arith.divsi %parallel_loop3A_528, %parallel_loop3A_529 : i32
      %parallel_loop3A_531 = arith.constant 0 : i32
      %parallel_loop3A_532 = arith.cmpi sgt, %parallel_loop3A_528, %parallel_loop3A_531 : i32
      %parallel_loop3A_533 = arith.extui %parallel_loop3A_532 : i1 to i32
      %parallel_loop3A_534 = arith.constant 0 : i32
      %parallel_loop3A_535 = arith.cmpi slt, %parallel_loop3A_528, %parallel_loop3A_534 : i32
      %parallel_loop3A_536 = arith.extui %parallel_loop3A_535 : i1 to i32
      %parallel_loop3A_537 = arith.subi %parallel_loop3A_533, %parallel_loop3A_536 : i32
      %parallel_loop3A_538 = arith.constant 0 : i32
      %parallel_loop3A_539 = arith.cmpi sgt, %parallel_loop3A_529, %parallel_loop3A_538 : i32
      %parallel_loop3A_540 = arith.extui %parallel_loop3A_539 : i1 to i32
      %parallel_loop3A_541 = arith.constant 0 : i32
      %parallel_loop3A_542 = arith.cmpi slt, %parallel_loop3A_529, %parallel_loop3A_541 : i32
      %parallel_loop3A_543 = arith.extui %parallel_loop3A_542 : i1 to i32
      %parallel_loop3A_544 = arith.subi %parallel_loop3A_540, %parallel_loop3A_543 : i32
      %parallel_loop3A_545 = arith.cmpi ne, %parallel_loop3A_537, %parallel_loop3A_544 : i32
      %parallel_loop3A_546 = arith.remsi %parallel_loop3A_528, %parallel_loop3A_529 : i32
      %parallel_loop3A_547 = arith.constant 0 : i32
      %parallel_loop3A_548 = arith.cmpi ne, %parallel_loop3A_546, %parallel_loop3A_547 : i32
      %parallel_loop3A_549 = arith.andi %parallel_loop3A_545, %parallel_loop3A_548 : i1
      %parallel_loop3A_550 = arith.constant 1 : i32
      %parallel_loop3A_551 = arith.subi %parallel_loop3A_530, %parallel_loop3A_550 : i32
      %parallel_loop3A_552 = arith.select %parallel_loop3A_549, %parallel_loop3A_551, %parallel_loop3A_530 : i32
      %parallel_loop3A_553 = arith.constant 64 : i32
      %parallel_loop3A_554 = arith.constant 0 : i32
      %parallel_loop3A_555 = arith.cmpi eq, %parallel_loop3A_553, %parallel_loop3A_554 : i32
      %parallel_loop3A_556 = arith.constant 1 : i32
      %parallel_loop3A_557 = arith.select %parallel_loop3A_555, %parallel_loop3A_556, %parallel_loop3A_553 : i32
      %parallel_loop3A_558 = arith.remsi %parallel_loop3A_528, %parallel_loop3A_557 : i32
      %parallel_loop3A_559 = arith.constant 0 : i32
      %parallel_loop3A_560 = arith.cmpi ne, %parallel_loop3A_558, %parallel_loop3A_559 : i32
      %parallel_loop3A_561 = arith.constant 0 : i32
      %parallel_loop3A_562 = arith.cmpi slt, %parallel_loop3A_558, %parallel_loop3A_561 : i32
      %parallel_loop3A_563 = arith.constant 0 : i32
      %parallel_loop3A_564 = arith.cmpi slt, %parallel_loop3A_557, %parallel_loop3A_563 : i32
      %parallel_loop3A_565 = arith.xori %parallel_loop3A_562, %parallel_loop3A_564 : i1
      %parallel_loop3A_566 = arith.andi %parallel_loop3A_565, %parallel_loop3A_560 : i1
      %parallel_loop3A_567 = arith.addi %parallel_loop3A_558, %parallel_loop3A_557 : i32
      %parallel_loop3A_568 = arith.select %parallel_loop3A_566, %parallel_loop3A_567, %parallel_loop3A_558 : i32
      %parallel_loop3A_569 = arith.constant 16 : i32
      %parallel_loop3A_570 = arith.muli %parallel_loop3A_568, %parallel_loop3A_569 : i32
      %parallel_loop3A_571 = arith.index_cast %parallel_loop3A_552 : i32 to index
      %parallel_loop3A_572 = arith.index_cast %parallel_loop3A_570 : i32 to index
      %parallel_loop3A_573 = tpu.vector_load %arg13[%parallel_loop3A_571, %parallel_loop3A_572] {strides = array<i32>} : memref<16x1024xf32, #tpu.memory_space<vmem>>, vector<1x16xf32>,
      %parallel_loop3A_574 = vector.shape_cast %parallel_loop3A_573 : vector<1x16xf32> to vector<16xf32>
      %parallel_loop3A_575 = arith.index_cast %parallel_loop3A_552 : i32 to index
      %parallel_loop3A_576 = arith.index_cast %parallel_loop3A_570 : i32 to index
      %parallel_loop3A_577 = tpu.vector_load %arg9[%parallel_loop3A_575, %parallel_loop3A_576] {strides = array<i32>} : memref<16x1024xf32, #tpu.memory_space<vmem>>, vector<1x16xf32>,
      %parallel_loop3A_578 = vector.shape_cast %parallel_loop3A_577 : vector<1x16xf32> to vector<16xf32>
      %parallel_loop3A_579 = vector.shape_cast %parallel_loop3A_574 : vector<16xf32> to vector<1x16xf32>
      tpu.vector_store %arg9[%parallel_loop3A_575, %parallel_loop3A_576], %parallel_loop3A_579 {add = true, strides = array<i32>} : memref<16x1024xf32, #tpu.memory_space<vmem>>, vector<1x16xf32>,
    } {sc.loop_unroll_factor = 8 : i64, sc.parallel_access}
    %add3A_488 = arith.constant 224 : i32
    %add3A_489 = arith.addi %mul3A_2, %add3A_488 : i32
    %dma_start3A_490 = arith.constant 0 : i32
    %dma_start3A_491 = tpu.memref_slice %arg5[%add3A_489, %dma_start3A_490] : memref<8192x1024xf32, #tpu.memory_space<hbm>> -> memref<16x1024xf32, #tpu.memory_space<hbm>>
    %dma_start3A_492 = arith.constant 0 : i32
    %dma_start3A_493 = tpu.memref_slice %arg5[%add3A_489, %dma_start3A_492] : memref<8192x1024xf32, #tpu.memory_space<hbm>> -> memref<16x1024xf32, #tpu.memory_space<hbm>>
    tpu.enqueue_dma source(%arg9 : memref<16x1024xf32, #tpu.memory_space<vmem>>) target(%dma_start3A_493 : memref<16x1024xf32, #tpu.memory_space<hbm>>) target_semaphore(%arg20 : memref<!tpu.dma_semaphore, #tpu.memory_space<semaphore_mem>>)
    %dma_wait3A_494 = arith.constant 0 : i32
    %dma_wait3A_495 = tpu.memref_slice %arg2[%add3A_466, %dma_wait3A_494] : memref<8192x1024xf32, #tpu.memory_space<hbm>> -> memref<16x1024xf32, #tpu.memory_space<hbm>>
    %dma_wait3A_496 = arith.constant 0 : i32
    %dma_wait3A_497 = tpu.memref_slice %arg2[%add3A_466, %dma_wait3A_496] : memref<8192x1024xf32, #tpu.memory_space<hbm>> -> memref<16x1024xf32, #tpu.memory_space<hbm>>
    tpu.wait_dma2 semaphore(%arg17 : memref<!tpu.dma_semaphore, #tpu.memory_space<semaphore_mem>>) src(%dma_wait3A_497 : memref<16x1024xf32, #tpu.memory_space<hbm>>) dst(%arg10 : memref<16x1024xf32, #tpu.memory_space<vmem>>)
    %dma_wait3A_498 = arith.constant 240 : i32
    %dma_wait3A_499 = tpu.memref_slice %arg6[%dma_wait3A_498] : memref<256xi32, #tpu.memory_space<vmem>> -> memref<16xi32, #tpu.memory_space<vmem>>
    %dma_wait3A_500 = arith.constant 0 : i32
    %dma_wait3A_501 = arith.constant 0 : i32
    %dma_wait3A_502 = tpu.memref_slice %arg4[%dma_wait3A_500, %dma_wait3A_501] : memref<2048x1024xf32, #tpu.memory_space<hbm>> -> memref<2048x1024xf32, #tpu.memory_space<hbm>>
    tpu.wait_indirect_dma semaphore(%arg22 : memref<!tpu.dma_semaphore, #tpu.memory_space<semaphore_mem>>) src(%dma_wait3A_502 : memref<2048x1024xf32, #tpu.memory_space<hbm>>) dst(%arg11 : memref<16x1024xf32, #tpu.memory_space<vmem>>)
    %parallel_loop3A_503 = arith.constant 0 : i32
    %parallel_loop3A_504 = arith.constant 1024 : i32
    %parallel_loop3A_505 = arith.constant 1 : i32
    scf.for %parallel_loop3A_528 = %parallel_loop3A_503 to %parallel_loop3A_504 step %parallel_loop3A_505  : i32 {
      %parallel_loop3A_529 = arith.constant 64 : i32
      %parallel_loop3A_530 = arith.divsi %parallel_loop3A_528, %parallel_loop3A_529 : i32
      %parallel_loop3A_531 = arith.constant 0 : i32
      %parallel_loop3A_532 = arith.cmpi sgt, %parallel_loop3A_528, %parallel_loop3A_531 : i32
      %parallel_loop3A_533 = arith.extui %parallel_loop3A_532 : i1 to i32
      %parallel_loop3A_534 = arith.constant 0 : i32
      %parallel_loop3A_535 = arith.cmpi slt, %parallel_loop3A_528, %parallel_loop3A_534 : i32
      %parallel_loop3A_536 = arith.extui %parallel_loop3A_535 : i1 to i32
      %parallel_loop3A_537 = arith.subi %parallel_loop3A_533, %parallel_loop3A_536 : i32
      %parallel_loop3A_538 = arith.constant 0 : i32
      %parallel_loop3A_539 = arith.cmpi sgt, %parallel_loop3A_529, %parallel_loop3A_538 : i32
      %parallel_loop3A_540 = arith.extui %parallel_loop3A_539 : i1 to i32
      %parallel_loop3A_541 = arith.constant 0 : i32
      %parallel_loop3A_542 = arith.cmpi slt, %parallel_loop3A_529, %parallel_loop3A_541 : i32
      %parallel_loop3A_543 = arith.extui %parallel_loop3A_542 : i1 to i32
      %parallel_loop3A_544 = arith.subi %parallel_loop3A_540, %parallel_loop3A_543 : i32
      %parallel_loop3A_545 = arith.cmpi ne, %parallel_loop3A_537, %parallel_loop3A_544 : i32
      %parallel_loop3A_546 = arith.remsi %parallel_loop3A_528, %parallel_loop3A_529 : i32
      %parallel_loop3A_547 = arith.constant 0 : i32
      %parallel_loop3A_548 = arith.cmpi ne, %parallel_loop3A_546, %parallel_loop3A_547 : i32
      %parallel_loop3A_549 = arith.andi %parallel_loop3A_545, %parallel_loop3A_548 : i1
      %parallel_loop3A_550 = arith.constant 1 : i32
      %parallel_loop3A_551 = arith.subi %parallel_loop3A_530, %parallel_loop3A_550 : i32
      %parallel_loop3A_552 = arith.select %parallel_loop3A_549, %parallel_loop3A_551, %parallel_loop3A_530 : i32
      %parallel_loop3A_553 = arith.constant 64 : i32
      %parallel_loop3A_554 = arith.constant 0 : i32
      %parallel_loop3A_555 = arith.cmpi eq, %parallel_loop3A_553, %parallel_loop3A_554 : i32
      %parallel_loop3A_556 = arith.constant 1 : i32
      %parallel_loop3A_557 = arith.select %parallel_loop3A_555, %parallel_loop3A_556, %parallel_loop3A_553 : i32
      %parallel_loop3A_558 = arith.remsi %parallel_loop3A_528, %parallel_loop3A_557 : i32
      %parallel_loop3A_559 = arith.constant 0 : i32
      %parallel_loop3A_560 = arith.cmpi ne, %parallel_loop3A_558, %parallel_loop3A_559 : i32
      %parallel_loop3A_561 = arith.constant 0 : i32
      %parallel_loop3A_562 = arith.cmpi slt, %parallel_loop3A_558, %parallel_loop3A_561 : i32
      %parallel_loop3A_563 = arith.constant 0 : i32
      %parallel_loop3A_564 = arith.cmpi slt, %parallel_loop3A_557, %parallel_loop3A_563 : i32
      %parallel_loop3A_565 = arith.xori %parallel_loop3A_562, %parallel_loop3A_564 : i1
      %parallel_loop3A_566 = arith.andi %parallel_loop3A_565, %parallel_loop3A_560 : i1
      %parallel_loop3A_567 = arith.addi %parallel_loop3A_558, %parallel_loop3A_557 : i32
      %parallel_loop3A_568 = arith.select %parallel_loop3A_566, %parallel_loop3A_567, %parallel_loop3A_558 : i32
      %parallel_loop3A_569 = arith.constant 16 : i32
      %parallel_loop3A_570 = arith.muli %parallel_loop3A_568, %parallel_loop3A_569 : i32
      %parallel_loop3A_571 = arith.index_cast %parallel_loop3A_552 : i32 to index
      %parallel_loop3A_572 = arith.index_cast %parallel_loop3A_570 : i32 to index
      %parallel_loop3A_573 = tpu.vector_load %arg11[%parallel_loop3A_571, %parallel_loop3A_572] {strides = array<i32>} : memref<16x1024xf32, #tpu.memory_space<vmem>>, vector<1x16xf32>,
      %parallel_loop3A_574 = vector.shape_cast %parallel_loop3A_573 : vector<1x16xf32> to vector<16xf32>
      %parallel_loop3A_575 = arith.index_cast %parallel_loop3A_552 : i32 to index
      %parallel_loop3A_576 = arith.index_cast %parallel_loop3A_570 : i32 to index
      %parallel_loop3A_577 = tpu.vector_load %arg10[%parallel_loop3A_575, %parallel_loop3A_576] {strides = array<i32>} : memref<16x1024xf32, #tpu.memory_space<vmem>>, vector<1x16xf32>,
      %parallel_loop3A_578 = vector.shape_cast %parallel_loop3A_577 : vector<1x16xf32> to vector<16xf32>
      %parallel_loop3A_579 = vector.shape_cast %parallel_loop3A_574 : vector<16xf32> to vector<1x16xf32>
      tpu.vector_store %arg10[%parallel_loop3A_575, %parallel_loop3A_576], %parallel_loop3A_579 {add = true, strides = array<i32>} : memref<16x1024xf32, #tpu.memory_space<vmem>>, vector<1x16xf32>,
    } {sc.loop_unroll_factor = 8 : i64, sc.parallel_access}
    %add3A_506 = arith.constant 240 : i32
    %add3A_507 = arith.addi %mul3A_2, %add3A_506 : i32
    %dma_start3A_508 = arith.constant 0 : i32
    %dma_start3A_509 = tpu.memref_slice %arg5[%add3A_507, %dma_start3A_508] : memref<8192x1024xf32, #tpu.memory_space<hbm>> -> memref<16x1024xf32, #tpu.memory_space<hbm>>
    %dma_start3A_510 = arith.constant 0 : i32
    %dma_start3A_511 = tpu.memref_slice %arg5[%add3A_507, %dma_start3A_510] : memref<8192x1024xf32, #tpu.memory_space<hbm>> -> memref<16x1024xf32, #tpu.memory_space<hbm>>
    tpu.enqueue_dma source(%arg10 : memref<16x1024xf32, #tpu.memory_space<vmem>>) target(%dma_start3A_511 : memref<16x1024xf32, #tpu.memory_space<hbm>>) target_semaphore(%arg21 : memref<!tpu.dma_semaphore, #tpu.memory_space<semaphore_mem>>)
    %dma_wait3A_512 = arith.constant 0 : i32
    %dma_wait3A_513 = tpu.memref_slice %arg5[%add3A_423, %dma_wait3A_512] : memref<8192x1024xf32, #tpu.memory_space<hbm>> -> memref<16x1024xf32, #tpu.memory_space<hbm>>
    %dma_wait3A_514 = arith.constant 0 : i32
    %dma_wait3A_515 = tpu.memref_slice %arg5[%add3A_423, %dma_wait3A_514] : memref<8192x1024xf32, #tpu.memory_space<hbm>> -> memref<16x1024xf32, #tpu.memory_space<hbm>>
    tpu.wait_dma2 semaphore(%arg18 : memref<!tpu.dma_semaphore, #tpu.memory_space<semaphore_mem>>) src(%arg7 : memref<16x1024xf32, #tpu.memory_space<vmem>>) dst(%dma_wait3A_515 : memref<16x1024xf32, #tpu.memory_space<hbm>>)
    %dma_wait3A_516 = arith.constant 0 : i32
    %dma_wait3A_517 = tpu.memref_slice %arg5[%add3A_456, %dma_wait3A_516] : memref<8192x1024xf32, #tpu.memory_space<hbm>> -> memref<16x1024xf32, #tpu.memory_space<hbm>>
    %dma_wait3A_518 = arith.constant 0 : i32
    %dma_wait3A_519 = tpu.memref_slice %arg5[%add3A_456, %dma_wait3A_518] : memref<8192x1024xf32, #tpu.memory_space<hbm>> -> memref<16x1024xf32, #tpu.memory_space<hbm>>
    tpu.wait_dma2 semaphore(%arg19 : memref<!tpu.dma_semaphore, #tpu.memory_space<semaphore_mem>>) src(%arg8 : memref<16x1024xf32, #tpu.memory_space<vmem>>) dst(%dma_wait3A_519 : memref<16x1024xf32, #tpu.memory_space<hbm>>)
    %dma_wait3A_520 = arith.constant 0 : i32
    %dma_wait3A_521 = tpu.memref_slice %arg5[%add3A_489, %dma_wait3A_520] : memref<8192x1024xf32, #tpu.memory_space<hbm>> -> memref<16x1024xf32, #tpu.memory_space<hbm>>
    %dma_wait3A_522 = arith.constant 0 : i32
    %dma_wait3A_523 = tpu.memref_slice %arg5[%add3A_489, %dma_wait3A_522] : memref<8192x1024xf32, #tpu.memory_space<hbm>> -> memref<16x1024xf32, #tpu.memory_space<hbm>>
    tpu.wait_dma2 semaphore(%arg20 : memref<!tpu.dma_semaphore, #tpu.memory_space<semaphore_mem>>) src(%arg9 : memref<16x1024xf32, #tpu.memory_space<vmem>>) dst(%dma_wait3A_523 : memref<16x1024xf32, #tpu.memory_space<hbm>>)
    %dma_wait3A_524 = arith.constant 0 : i32
    %dma_wait3A_525 = tpu.memref_slice %arg5[%add3A_507, %dma_wait3A_524] : memref<8192x1024xf32, #tpu.memory_space<hbm>> -> memref<16x1024xf32, #tpu.memory_space<hbm>>
    %dma_wait3A_526 = arith.constant 0 : i32
    %dma_wait3A_527 = tpu.memref_slice %arg5[%add3A_507, %dma_wait3A_526] : memref<8192x1024xf32, #tpu.memory_space<hbm>> -> memref<16x1024xf32, #tpu.memory_space<hbm>>
    tpu.wait_dma2 semaphore(%arg21 : memref<!tpu.dma_semaphore, #tpu.memory_space<semaphore_mem>>) src(%arg10 : memref<16x1024xf32, #tpu.memory_space<vmem>>) dst(%dma_wait3A_527 : memref<16x1024xf32, #tpu.memory_space<hbm>>)
    return
  }
}

</mosaic_0001>

<sc_bundles>
// kernel: kernel.3.cloned.1.call-start
scs
__scs_entry_jumppad:
0x0: {  	(pc) =	sbr.rel $0x88, $3  }
0x1: {  	(tag) =	ssettag $0x0;
	lr =	simm.s32 $0x1  }
0x2: {  	[smem:$0x3F9E] =	sst lr;
	_ =	strace $0xD0000000  }
0x3: {  	_ = 	snop  }
0x4: {  	_ = 	snop  }
0x5: {  	_ = 	snop  }
0x6: {  	_ = 	snop  }
0x7: {  	_ = 	snop  }
__scs_overlays_trampoline_lowered:
0x8: {  	[smem:$0x3FAD] =	sst s0  }
0x9: {  	[smem:$0x3FAE] =	sst s1  }
0xa: {  	[smem:$0x3FAF] =	sst s2  }
0xb: {  	[smem:$0x3FB0] =	sst s3  }
0xc: {  	[smem:$0x3FB1] =	sst s4  }
0xd: {  	[smem:$0x3FB2] =	sst s5  }
0xe: {  	[smem:$0x3FB3] =	sst s6  }
0xf: {  	[smem:$0x3FB4] =	sst s7  }
0x10: {  	[smem:$0x3FB5] =	sst s8  }
0x11: {  	[smem:$0x3FB6] =	sst s9;
	s0 =	simm.s32 @!p0 $0x0  }
0x12: {  	s1 =	sld [smem:$0x3F9C];
	s0 =	simm.s32 @p0 $0x1  }
0x13: {  	[smem:$0x3FB7] =	sst s0;
	s0 =	simm.s32 @!p1 $0x0  }
0x14: {  	s2 =	sld [smem:$0x3F9B];
	s0 =	simm.s32 @p1 $0x1  }
0x15: {  	[smem:$0x3FB8] =	sst s0;
	s0 =	simm.s32 @!p2 $0x0  }
0x16: {  	s3 =	sld [smem:$0x3FDB];
	s0 =	simm.s32 @p2 $0x1  }
0x17: {  	s4 =	simm.s32 $0x1BF5;
	[smem:$0x3FBA] =	sst s0  }
0x18: {  	s0 =	sld [smem:$0x3F9D];
	_ =	swait.ge [sflag:s4], $0x0  }
0x19: {  	s7 =	sld [smem:$0x3F9E]  }
0x1a: {  	s8 =	sadd.s32 $0xFFFFE003, lr  }
0x1b: {  	s9 =	sadd.s32 $0xFFFFFEF7, lr;
	s5 =	simm.s32 $0xFFFFFFFF;
	p2 =	slt.u32 s8, $0xFFFFF086  }
0x1c: {  	p1 =	slt.u32 s9, $0xF7A;
	s5 =	simm.s32 @!p2 $0x0  }
0x1d: {  	s5 =	simm.s32 @p1 $0x1;
	p0 =	seq.s32 s7, s2  }
0x1e: {  	s7 =	smul.u32 @!p0 $0xF7A, s2;
	p2 =	seq.s32 @!p0 s5, $0x0  }
0x1f: {  	s9 =	smul.u32 $0xF7A, s1;
	s8 =	simm.s32 @!p0 $0x1BF5;
	p2 =	por !p2, p0  }
0x20: {  	[sflag:s8] =	ssyncset.s32 @!p0 $0xFFFFF086;
	s6 =	sadd.s32 @!p0 s3, s7;
	s7 =	simm.s32 @!p0 $0x108  }
0x21: {  	s3 =	sadd.s32 s3, s9;
	s6 =	sadd.s32 @!p0 $0x88, s6;
	s7 =	simm.s32 @p2 $0x1082  }
0x22: {  	[simem:s7], [sflag:s8] =	dma.local @!p0 [hbm:s6], $0xF7A  }
0x23: {  	s9 =	sor.u32 $0xD0000000, s2;
	s6 =	simm.s32 $0x108;
	_ =	swait.ge @!p0 [sflag:s8], $0x0  }
0x24: {  	s3 =	sadd.s32 $0x88, s3;
	s6 =	simm.s32 @!p1 $0x1082;
	[sflag:s4] =	ssyncset.s32 $0xFFFFF086  }
0x25: {  	[simem:s6], [sflag:s4] =	dma.local [hbm:s3], $0xF7A  }
0x26: {  	[smem:$0x3F9E] =	sst s1;
	(tag) =	ssettag s2;
	_ =	strace s9  }
0x27: {  	s1 =	sld [smem:$0x3FAE]  }
0x28: {  	s2 =	sld [smem:$0x3FAF]  }
0x29: {  	s4 =	sld [smem:$0x3FB1]  }
0x2a: {  	p0 =	seq.s32 s5, $0x0;
	s5 =	sld [smem:$0x3FB2]  }
0x2b: {  	s6 =	sld [smem:$0x3FB3]  }
0x2c: {  	s7 =	sld [smem:$0x3FB4]  }
0x2d: {  	s3 =	simm.s32 $0x108;
	s8 =	sld [smem:$0x3FB5]  }
0x2e: {  	s3 =	simm.s32 @!p0 $0x1082;
	s9 =	sld [smem:$0x3FB6]  }
0x2f: {  	lr =	sadd.s32 s0, s3;
	s0 =	sld [smem:$0x3FAD]  }
0x30: {  	s3 =	sld [smem:$0x3FB0]  }
0x31: {  	[smem:$0x3FB9] =	sst s10  }
0x32: {  	s10 =	sld [smem:$0x3FB7];
	_ =	sdelay $0x3  }
0x33: {  	p0 =	seq.s32 s10, $0x1;
	s10 =	sld [smem:$0x3FB9];
	_ =	sdelay $0x3  }
0x34: {  	[smem:$0x3FB9] =	sst s10  }
0x35: {  	s10 =	sld [smem:$0x3FB8];
	_ =	sdelay $0x3  }
0x36: {  	p1 =	seq.s32 s10, $0x1;
	s10 =	sld [smem:$0x3FB9];
	_ =	sdelay $0x3  }
0x37: {  	[smem:$0x3FB9] =	sst s10  }
0x38: {  	s10 =	sld [smem:$0x3FBA]  }
0x39: {  	_ = 	snop;
	(pc) =	sbr.ind lr, $3  }
0x3a: {  	_ = 	snop  }
0x3b: {  	_ = 	snop  }
0x3c: {  	p2 =	seq.s32 s10, $0x1;
	s10 =	sld [smem:$0x3FB9]  }
0x3d: {  	_ =	shalt  }
0x3e: {  	_ =	shalt  }
0x3f: {  	_ =	shalt  }
0x40: {  	_ =	shalt  }
0x41: {  	_ =	shalt  }
0x42: {  	_ =	shalt  }
0x43: {  	_ =	shalt  }
0x44: {  	_ =	shalt  }
0x45: {  	_ =	shalt  }
0x46: {  	_ =	shalt  }
0x47: {  	_ =	shalt  }
0x48: {  	_ =	shalt  }
0x49: {  	_ =	shalt  }
0x4a: {  	_ =	shalt  }
0x4b: {  	_ =	shalt  }
0x4c: {  	_ =	shalt  }
0x4d: {  	_ =	shalt  }
0x4e: {  	_ =	shalt  }
0x4f: {  	_ =	shalt  }
0x50: {  	_ =	shalt  }
0x51: {  	_ =	shalt  }
0x52: {  	_ =	shalt  }
0x53: {  	_ =	shalt  }
0x54: {  	_ =	shalt  }
0x55: {  	_ =	shalt  }
0x56: {  	_ =	shalt  }
0x57: {  	_ =	shalt  }
0x58: {  	_ =	shalt  }
0x59: {  	_ =	shalt  }
0x5a: {  	_ =	shalt  }
0x5b: {  	_ =	shalt  }
0x5c: {  	_ =	shalt  }
0x5d: {  	_ =	shalt  }
0x5e: {  	_ =	shalt  }
0x5f: {  	_ =	shalt  }
0x60: {  	_ =	shalt  }
0x61: {  	_ =	shalt  }
0x62: {  	_ =	shalt  }
0x63: {  	_ =	shalt  }
0x64: {  	_ =	shalt  }
0x65: {  	_ =	shalt  }
0x66: {  	_ =	shalt  }
0x67: {  	_ =	shalt  }
0x68: {  	_ =	shalt  }
0x69: {  	_ =	shalt  }
0x6a: {  	_ =	shalt  }
0x6b: {  	_ =	shalt  }
0x6c: {  	_ =	shalt  }
0x6d: {  	_ =	shalt  }
0x6e: {  	_ =	shalt  }
0x6f: {  	_ =	shalt  }
0x70: {  	_ =	shalt  }
0x71: {  	_ =	shalt  }
0x72: {  	_ =	shalt  }
0x73: {  	_ =	shalt  }
0x74: {  	_ =	shalt  }
0x75: {  	_ =	shalt  }
0x76: {  	_ =	shalt  }
0x77: {  	_ =	shalt  }
0x78: {  	_ =	shalt  }
0x79: {  	_ =	shalt  }
0x7a: {  	_ =	shalt  }
0x7b: {  	_ =	shalt  }
0x7c: {  	_ =	shalt  }
0x7d: {  	_ =	shalt  }
0x7e: {  	_ =	shalt  }
0x7f: {  	_ =	shalt  }
0x80: {  	_ =	shalt  }
0x81: {  	_ =	shalt  }
0x82: {  	_ =	shalt  }
0x83: {  	_ =	shalt  }
0x84: {  	_ =	shalt  }
0x85: {  	_ =	shalt  }
0x86: {  	_ =	shalt  }
0x87: {  	_ =	shalt  }
.Lfunc_end0:
.L_simem_size_0:
called_computation_lowered:
.L_overlay_start_0:
0x88: {  	s2 =	sld [smem:$0x3FD9]  }
0x89: {  	s3 =	sld [smem:$0x3FFE];
	_ =	sdelay $0x1  }
0x8a: {  	s1 =	srdreg.scid  }
0x8b: {  	s0 =	sand.u32 $0x1, s1  }
0x8c: {  	s17 =	sshll.u32 s0, $0xA;
	s2 =	sadd.s32 s3, s2  }
0x8d: {  	s2 =	sadd.s32 s2, s17  }
0x8e: {  	[smem:$0x3FC5] =	sst s2  }
0x8f: {  	_ = 	snop  }
0x90: {  	s2 =	sld [smem:$0x3FC9]  }
0x91: {  	s18 =	sld [smem:$0x3FC7]  }
0x92: {  	s4 =	sld [smem:$0x3FD0];
	(tm) =	ssettm $0x1  }
0x93: {  	s5 =	sld [smem:$0x3FFB];
	_ =	sdelay $0x3  }
0x94: {  	_ =	strace s5  }
0x95: {  	s5 =	sld [smem:$0x3FFC];
	_ =	sdelay $0x3  }
0x96: {  	_ =	strace s5  }
0x97: {  	s5 =	sld [smem:$0x3FFD];
	_ =	sdelay $0x3  }
0x98: {  	_ =	strace s5  }
0x99: {  	_ =	strace $0x8FFFFFFF  }
0x9a: {  	s19 =	sld [smem:$0x3FDB];
	_ =	sdelay $0x1  }
0x9b: {  	s6 =	simm.s32 $_scs_section_size  }
0x9c: {  	s7 =	simm.s32 $_size__tile_overlayer_lowered;
	s8 =	simm.s32 $_tile_overlayer_lowered  }
0x9d: {  	s22 =	simm.s32 $0x1BFF;
	s21 =	sshll.u32 s8, $0x1;
	s5 =	sadd.s32 s6, s19  }
0x9e: {  	s9 =	simm.s32 $0x0;
	s20 =	sshll.u32 s7, $0x1;
	s7 =	sadd.s32 s21, s5  }
0x9f: {  	[timem:s9], [sflag:s22] =	dma.local [hbm:s7], s20  }
0xa0: {  	_ =	swait.ge [sflag:s22], s20  }
0xa1: {  	s6 =	ssub.s32 $0x0, s20;
	[sflag:s22] =	ssyncset.done $0x0  }
0xa2: {  	[sflag:s22] =	ssyncadd.s32 s6;
	_ =	sdelay $0x1  }
0xa3: {  	s23 =	simm.s32 $0x1B8B  }
0xa4: {  	_ =	swait.ge [sflag:s23], $0x1  }
0xa5: {  	[sflag:s23] =	ssyncset.done $0x0  }
0xa6: {  	s25 =	simm.s32 $0x1B8E;
	s24 =	sld [smem:$0x3FFE];
	[sflag:s23] =	ssyncadd.s32 $0xFFFFFFFF  }
0xa7: {  	s26 =	simm.s32 $execute0_lowered;
	[smem:$0x3FD2] =	sst s25  }
0xa8: {  	s7 =	sshll.u32 s26, $0x1;
	_ =	strace $0x80000046;
	[dreg:$0x1] =	wrdreg $0xFFFFFFFF  }
0xa9: {  	s28 =	simm.s32 $_size_execute0_lowered;
	s5 =	sadd.s32 s5, s7;
	[dreg:$0x0] =	wrdreg $0x0  }
0xaa: {  	s7 =	sshll.u32 s28, $0x1;
	[dreg:$0x2] =	wrdreg s5  }
0xab: {  	[dreg:$0x3] =	wrdreg s7  }
0xac: {  	[dreg:$0x4] =	wrdreg $0xC0  }
0xad: {  	_ =	task [dreg:s9], $0x5FFFF  }
0xae: {  	[dreg:$0x1] =	wrdreg $0xFFFFFFFF  }
0xaf: {  	[dreg:$0x0] =	wrdreg $0x60  }
0xb0: {  	[dreg:$0x2] =	wrdreg s2  }
0xb1: {  	[dreg:$0x3] =	wrdreg s24  }
0xb2: {  	[dreg:$0x4] =	wrdreg s18  }
0xb3: {  	[dreg:$0x5] =	wrdreg s4  }
0xb4: {  	[dreg:$0x6] =	wrdreg $0x9  }
0xb5: {  	_ =	task.clear_ibuf [dreg:s9], $0x7FFFF;
	_ =	strace $0x90000046  }
0xb6: {  	s29 =	simm.s32 $0x9;
	_ =	strace $0x80000048  }
0xb7: {  	_ =	swait.ge [sflag:s29], $0x1  }
0xb8: {  	[sflag:s29] =	ssyncadd.s32 $0xFFFFFFFF  }
0xb9: {  	_ =	strace $0x90000048  }
0xba: {  	_ =	sfence  }
0xbb: {  	s30 =	sld [smem:$0x0];
	_ =	sdelay $0x2  }
0xbc: {  	s31 =	sshll.u32 s1, $0xD;
	s1 =	sshrl.u32 s1, $0x2  }
0xbd: {  	s3 =	sand.u32 $0x4000, s31;
	s1 =	sadd.s32 s1, s30  }
0xbe: {  	s0 =	sor.u32 s3, s0;
	s1 =	sshll.u32 s1, $0x11  }
0xbf: {  	s0 =	sor.u32 s1, s0  }
0xc0: {  	s0 =	sadd.s32 $0x8F2B, s0  }
0xc1: {  	[sflag:s0] =	ssyncadd.remote.s32 $0x1  }
0xc2: {  	_ =	sfence.sel $0xFFFF  }
0xc3: {  	[dreg:$0x0] =	wrdreg $0xFFFFFFFF;
	(pc) =	sbr.abs _section_cstart, $3  }
0xc4: {  	[dreg:$0x1] =	wrdreg $0xFFFFFFFF  }
0xc5: {  	_ =	task.clear_ibuf [dreg:s9], $0x2FFFF;
	_ =	strace $0x9FFFFFFF  }
0xc6: {  	(tm) =	ssettm $0x7FFFFFFF  }
0xc7: {  	_ =	shalt  }
tec
execute0_lowered:
.L_overlay_start_1:
0x0: {  	(tag) =	ssettag $0x1  }
0x1: {  	s0 =	rddreg [dreg:$0x0]  }
0x2: {  	s2 =	rddreg [dreg:$0x1];
	s1 =	srdreg.scid  }
0x3: {  	s3 =	rddreg [dreg:$0x3];
	s5 =	stileid.u32  }
0x4: {  	s31 =	rddreg [dreg:$0x2];
	s30 =	simm.s32 $0x1;
	s4 =	sand.u32 $0x1, s1  }
0x5: {  	s28 =	simm.s32 $0x3;
	s5 =	sshll.u32 s5, $0x9;
	s6 =	sshll.u32 s4, $0x8  }
0x6: {  	s29 =	simm.s32 $0xB;
	s1 =	simm.s32 $0x0;
	s5 =	sor.u32 s6, s5  }
0x7: {  	s4 =	ssub.s32 $0x2, s4;
	s6 =	sshrl.u32 s5, $0x3;
	s5 =	sshll.u32 s5, $0x7  }
0x8: {  	[smem:$0x7FF] =	sst s1;
	s11 =	sshrl.u32 s4, $0x1;
	s7 =	sor.u32 $0x800, s5  }
0x9: {  	s4 =	ssub.s32 s4, s11;
	s13 =	sor.u32 $0x1000, s5;
	s12 =	sadd.s32 s0, s7  }
0xa: {  	s2 =	sadd.s32 s6, s2;
	s8 =	sadd.s32 s0, s13;
	[dreg:$0x5] =	wrdreg s12  }
0xb: {  	s14 =	sor.u32 $0x1800, s5;
	s7 =	sadd.s32 s3, s7;
	[dreg:$0x6] =	wrdreg s8  }
0xc: {  	s16 =	sor.u32 $0x2000, s5;
	s15 =	sadd.s32 s0, s14;
	[dreg:$0x7] =	wrdreg s7  }
0xd: {  	s18 =	sor.u32 $0x2800, s5;
	s6 =	sadd.s32 s3, s13;
	[dreg:$0x8] =	wrdreg s15  }
0xe: {  	s20 =	sor.u32 $0x3000, s5;
	s17 =	sadd.s32 s0, s16;
	[dreg:$0x9] =	wrdreg s6  }
0xf: {  	s22 =	sor.u32 $0x3800, s5;
	s19 =	sadd.s32 s0, s18;
	[dreg:$0xa] =	wrdreg s17  }
0x10: {  	s24 =	sor.u32 $0x4000, s5;
	s21 =	sadd.s32 s0, s20;
	[dreg:$0xc] =	wrdreg s19  }
0x11: {  	s26 =	sor.u32 $0x4800, s5;
	s23 =	sadd.s32 s0, s22;
	[dreg:$0xe] =	wrdreg s21  }
0x12: {  	s10 =	sor.u32 $0x5000, s5;
	s25 =	sadd.s32 s0, s24;
	[dreg:$0x10] =	wrdreg s23  }
0x13: {  	s9 =	sadd.s32 s0, s26;
	s11 =	sadd.s32 s0, s10;
	[dreg:$0x12] =	wrdreg s25  }
0x14: {  	s7 =	sadd.s32 s3, s14;
	s6 =	sadd.s32 s3, s16;
	[dreg:$0x14] =	wrdreg s9  }
0x15: {  	[dreg:$0x17] =	wrdreg s11;
	s12 =	sor.u32 $0x5800, s5;
	s14 =	sor.u32 $0x6000, s5  }
0x16: {  	s16 =	sor.u32 $0x6800, s5;
	s19 =	sadd.s32 s0, s5;
	[dreg:$0xb] =	wrdreg s7  }
0x17: {  	s21 =	sor.u32 $0x7000, s5;
	s25 =	sadd.s32 $0x400, s2;
	[dreg:$0xd] =	wrdreg s6  }
0x18: {  	s8 =	sadd.s32 $0x200, s31;
	s7 =	sadd.s32 s3, s18;
	[dreg:$0x1f] =	wrdreg s19  }
0x19: {  	s9 =	sadd.s32 $0x300, s31;
	s6 =	sadd.s32 s3, s20;
	[dreg:$0xf] =	wrdreg s7  }
0x1a: {  	s11 =	simm.s32 $0x4100;
	s13 =	sadd.s32 s0, s12;
	[dreg:$0x11] =	wrdreg s6  }
0x1b: {  	s2 =	simm.s32 $0x8100;
	s15 =	sadd.s32 s0, s14;
	[dreg:$0x19] =	wrdreg s13  }
0x1c: {  	s17 =	sadd.s32 s0, s16;
	s18 =	sadd.s32 s3, s16;
	[dreg:$0x1b] =	wrdreg s15  }
0x1d: {  	s20 =	sadd.s32 s3, s5;
	s5 =	sor.u32 $0x7800, s5;
	[dreg:$0x1d] =	wrdreg s17  }
0x1e: {  	s23 =	sadd.s32 s3, s21;
	s19 =	simm.s32 $0x13100;
	[dreg:$0x1e] =	wrdreg s18  }
0x1f: {  	s7 =	sadd.s32 s3, s22;
	s6 =	sadd.s32 s3, s24;
	[smem:$0x7F7] =	sst s20  }
0x20: {  	s22 =	sadd.s32 s0, s21;
	s0 =	sadd.s32 s0, s5;
	[smem:$0x7FA] =	sst s23  }
0x21: {  	s24 =	sadd.s32 s3, s5;
	s17 =	simm.s32 $0x12100;
	[dreg:$0x13] =	wrdreg s7  }
0x22: {  	s18 =	simm.s32 $0x12900;
	s20 =	simm.s32 $0x13900;
	[dreg:$0x15] =	wrdreg s6  }
0x23: {  	s5 =	simm.s32 $0x6;
	s21 =	simm.s32 $0x0;
	[smem:$0x7F8] =	sst s22  }
0x24: {  	s7 =	sadd.s32 s3, s26;
	s6 =	sadd.s32 s3, s10;
	[smem:$0x7F9] =	sst s0  }
0x25: {  	[smem:$0x7FB] =	sst s24;
	s26 =	smax.u32 s4, $0x1;
	s10 =	simm.s32 $0x100  }
0x26: {  	s0 =	simm.s32 $0x9;
	s24 =	simm.s32 $0x2;
	[dreg:$0x16] =	wrdreg s7  }
0x27: {  	s4 =	simm.s32 $0x4;
	[dreg:$0x18] =	wrdreg s6;
	s7 =	sadd.s32 s3, s12  }
0x28: {  	s6 =	sadd.s32 s3, s14;
	s3 =	simm.s32 $0x5;
	[dreg:$0x1a] =	wrdreg s7  }
0x29: {  	v2 =	vlaneseq.u32;
	s12 =	simm.s32 $0x8;
	[dreg:$0x1c] =	wrdreg s6;
	s7 =	sadd.s32 $0x100, s31  }
0x2a: {  	vm0 =	vmmov $0xffff;
	v1 =	vshrl.u32 v2, $0x3;
	s6 =	simm.s32 $0x7;
	_ =	strace $0x80000047;
	[smem:$0x7FC] =	sst s25  }
0x2b: {  	v0 =	vand.u32 $0x7, v2;
	v2 =	vor.u32 $0x8, v2;
	v1 =	vmul.u32 $0x8, v1;
	[smem:$0x7FD] =	sst s26;
	s25 =	simm.s32 $0xA;
	s26 =	simm.s32 $0xC100  }
.LBB2_1:
0x2c: {  	s13 =	rddreg [dreg:$0x1f]  }
0x2d: {  	s22 =	rddreg [dreg:$0x5]  }
0x2e: {  	[tilespmem:s10], [sflag:$0x1] =	stream.linear.gather [hbm4b:s13+s1], $0x4000, $0x38;
	[tilespmem:$0x1C100] =	vst v63  }
0x2f: {  	s23 =	sld [smem:$0x7FC]  }
0x30: {  	[tilespmem:s11], [sflag:$0x2] =	stream.linear.gather [hbm4b:s22+s1], $0x4000, $0x38;
	[tilespmem:$0x1C100] =	vst v63  }
0x31: {  	s14 =	simm.s32 $0xC  }
0x32: {  	[tilespmem:s1], [sflag:$0xC] =	stream.linear.gather [hbm4b:s23+s1], $0x100, $0x38;
	[tilespmem:$0x1C100] =	vst v63  }
0x33: {  	_ =	swait.ge [sflag:s14], $0x100  }
0x34: {  	[sflag:s14] =	ssyncset.done $0x0  }
0x35: {  	[sflag:s14] =	ssyncadd.s32 $0xFFFFFF00  }
0x36: {  	v3 =	vld [tilespmem:$0x0];
	_ =	sdelay $0x4  }
0x37: {  	v4 =	vshll.u32 v3, $0x3  }
0x38: {  	v3 =	vand.u32 $0x7, v3;
	v4 =	vand.u32 $0xFFFFFFC0, v4  }
0x39: {  	v3 =	vor.u32 v3, v4  }
0x3a: {  	v4 =	vperm.xlane v3, v0;
	_ =	sdelay $0x1  }
0x3b: {  	v4 =	vadd.s32 v1, v4;
	_ =	sdelay $0x3  }
0x3c: {  	s15 =	simm.s32 $0x10100  }
0x3d: {  	[tilespmem:s15], [sflag:$0x9] =	stream.indirect_vreg.gather [hbm4b:s31+s1], $0x80, v4, vm0, $0xb8;
	[tilespmem:$0x1C100] =	vst v63  }
0x3e: {  	s16 =	simm.s32 $0x10900;
	v3 =	vperm.xlane v3, v2  }
0x3f: {  	[tilespmem:s16], [sflag:$0x9] =	stream.indirect_vreg.gather [hbm4b:s7+s1], $0x80, v4, vm0, $0xb8;
	[tilespmem:$0x1C100] =	vst v63  }
0x40: {  	s22 =	simm.s32 $0x11100;
	v3 =	vadd.s32 v1, v3  }
0x41: {  	[tilespmem:s22], [sflag:$0x9] =	stream.indirect_vreg.gather [hbm4b:s8+s1], $0x80, v4, vm0, $0xb8;
	[tilespmem:$0x1C100] =	vst v63  }
0x42: {  	s23 =	simm.s32 $0x11900  }
0x43: {  	[tilespmem:s23], [sflag:$0x9] =	stream.indirect_vreg.gather [hbm4b:s9+s1], $0x80, v4, vm0, $0xb8;
	[tilespmem:$0x1C100] =	vst v63  }
0x44: {  	_ = 	snop  }
0x45: {  	[tilespmem:s17], [sflag:$0x9] =	stream.indirect_vreg.gather [hbm4b:s31+s1], $0x80, v3, vm0, $0xb8;
	[tilespmem:$0x1C100] =	vst v63  }
0x46: {  	_ = 	snop  }
0x47: {  	[tilespmem:s18], [sflag:$0x9] =	stream.indirect_vreg.gather [hbm4b:s7+s1], $0x80, v3, vm0, $0xb8;
	[tilespmem:$0x1C100] =	vst v63  }
0x48: {  	_ = 	snop  }
0x49: {  	[tilespmem:s19], [sflag:$0x9] =	stream.indirect_vreg.gather [hbm4b:s8+s1], $0x80, v3, vm0, $0xb8;
	[tilespmem:$0x1C100] =	vst v63  }
0x4a: {  	_ = 	snop  }
0x4b: {  	[tilespmem:s20], [sflag:$0x9] =	stream.indirect_vreg.gather [hbm4b:s9+s1], $0x80, v3, vm0, $0xb8;
	[tilespmem:$0x1C100] =	vst v63  }
0x4c: {  	v3 =	vld [tilespmem:$0x10];
	_ =	sdelay $0x4  }
0x4d: {  	v4 =	vshll.u32 v3, $0x3  }
0x4e: {  	v3 =	vand.u32 $0x7, v3;
	v4 =	vand.u32 $0xFFFFFFC0, v4  }
0x4f: {  	v3 =	vor.u32 v3, v4  }
0x50: {  	v4 =	vperm.xlane v3, v0;
	_ =	sdelay $0x1  }
0x51: {  	v4 =	vadd.s32 v1, v4;
	_ =	sdelay $0x3  }
0x52: {  	s14 =	simm.s32 $0x14100  }
0x53: {  	[tilespmem:s14], [sflag:$0xA] =	stream.indirect_vreg.gather [hbm4b:s31+s1], $0x80, v4, vm0, $0xb8;
	[tilespmem:$0x1C100] =	vst v63  }
0x54: {  	s15 =	simm.s32 $0x14900;
	v3 =	vperm.xlane v3, v2  }
0x55: {  	[tilespmem:s15], [sflag:$0xA] =	stream.indirect_vreg.gather [hbm4b:s7+s1], $0x80, v4, vm0, $0xb8;
	[tilespmem:$0x1C100] =	vst v63  }
0x56: {  	s16 =	simm.s32 $0x15100;
	v3 =	vadd.s32 v1, v3  }
0x57: {  	[tilespmem:s16], [sflag:$0xA] =	stream.indirect_vreg.gather [hbm4b:s8+s1], $0x80, v4, vm0, $0xb8;
	[tilespmem:$0x1C100] =	vst v63  }
0x58: {  	s22 =	simm.s32 $0x15900  }
0x59: {  	[tilespmem:s22], [sflag:$0xA] =	stream.indirect_vreg.gather [hbm4b:s9+s1], $0x80, v4, vm0, $0xb8;
	[tilespmem:$0x1C100] =	vst v63  }
0x5a: {  	s23 =	simm.s32 $0x16100  }
0x5b: {  	[tilespmem:s23], [sflag:$0xA] =	stream.indirect_vreg.gather [hbm4b:s31+s1], $0x80, v3, vm0, $0xb8;
	[tilespmem:$0x1C100] =	vst v63  }
0x5c: {  	s14 =	simm.s32 $0x16900  }
0x5d: {  	[tilespmem:s14], [sflag:$0xA] =	stream.indirect_vreg.gather [hbm4b:s7+s1], $0x80, v3, vm0, $0xb8;
	[tilespmem:$0x1C100] =	vst v63  }
0x5e: {  	s15 =	simm.s32 $0x17100  }
0x5f: {  	[tilespmem:s15], [sflag:$0xA] =	stream.indirect_vreg.gather [hbm4b:s8+s1], $0x80, v3, vm0, $0xb8;
	[tilespmem:$0x1C100] =	vst v63  }
0x60: {  	s16 =	simm.s32 $0x17900  }
0x61: {  	[tilespmem:s16], [sflag:$0xA] =	stream.indirect_vreg.gather [hbm4b:s9+s1], $0x80, v3, vm0, $0xb8;
	[tilespmem:$0x1C100] =	vst v63  }
0x62: {  	_ =	swait.ge [sflag:s30], $0x4000  }
0x63: {  	s22 =	simm.s32 $0x0;
	[sflag:s30] =	ssyncset.done $0x0  }
0x64: {  	s13 =	sand.u32 $0x2000, s22;
	[sflag:s30] =	ssyncadd.s32 $0xFFFFC000  }
0x65: {  	s22 =	sand.u32 $0x1C00, s1;
	s23 =	simm.s32 $0x0;
	_ =	swait.ge [sflag:s0], $0x4000  }
0x66: {  	s13 =	sor.u32 s22, s13;
	s23 =	sand.u32 $0x380, s23;
	[sflag:s0] =	ssyncset.done $0x0  }
0x67: {  	s22 =	sor.u32 s23, s13;
	[sflag:s0] =	ssyncadd.s32 $0xFFFFC000  }
0x68: {  	v3 =	vld [tilespmem:s22+$0x10170]  }
0x69: {  	v8 =	vld [tilespmem:s22+$0x10100]  }
0x6a: {  	v9 =	vld [tilespmem:s22+$0x10110]  }
0x6b: {  	v7 =	vld [tilespmem:s22+$0x10120]  }
0x6c: {  	v6 =	vld [tilespmem:s22+$0x10130]  }
0x6d: {  	v5 =	vld [tilespmem:s22+$0x10140]  }
0x6e: {  	v4 =	vld [tilespmem:s22+$0x10160]  }
0x6f: {  	[tilespmem:s22+$0x170] =	vst.add.f32.msk $0xffff, v3  }
0x70: {  	v3 =	vld [tilespmem:s22+$0x10150]  }
0x71: {  	[tilespmem:s22+$0x100] =	vst.add.f32.msk $0xffff, v8  }
0x72: {  	s23 =	simm.s32 $0x0;
	s13 =	simm.s32 $0x0;
	[tilespmem:s22+$0x110] =	vst.add.f32.msk $0xffff, v9  }
.LBB2_2:
0x73: {  	s23 =	sadd.s32 $0x8, s23;
	[tilespmem:s22+$0x120] =	vst.add.f32.msk $0xffff, v7  }
0x74: {  	s13 =	sadd.s32 $0x400, s13;
	s14 =	sshll.u32 s23, $0x4;
	p0 =	slt.u32 s23, $0x3F8;
	[tilespmem:s22+$0x130] =	vst.add.f32.msk $0xffff, v6  }
0x75: {  	s15 =	sand.u32 $0x1C00, s13;
	s16 =	sshll.u32 s23, $0x1;
	s14 =	sand.u32 $0x2000, s14;
	[tilespmem:s22+$0x140] =	vst.add.f32.msk $0xffff, v5  }
0x76: {  	s14 =	sor.u32 s15, s14;
	s15 =	sand.u32 $0x380, s16;
	[tilespmem:s22+$0x150] =	vst.add.f32.msk $0xffff, v3  }
0x77: {  	[tilespmem:s22+$0x160] =	vst.add.f32.msk $0xffff, v4;
	s22 =	sor.u32 s15, s14  }
0x78: {  	v3 =	vld [tilespmem:s22+$0x10170]  }
0x79: {  	v8 =	vld [tilespmem:s22+$0x10100]  }
0x7a: {  	v9 =	vld [tilespmem:s22+$0x10110]  }
0x7b: {  	v7 =	vld [tilespmem:s22+$0x10120]  }
0x7c: {  	v6 =	vld [tilespmem:s22+$0x10130]  }
0x7d: {  	[tilespmem:s22+$0x170] =	vst.add.f32.msk $0xffff, v3  }
.Ltmp0:
0x7e: {  	v5 =	vld [tilespmem:s22+$0x10140];
	(pc) =	sbr.rel @p0 .LBB2_2-.Ltmp0, $4  }
0x7f: {  	v3 =	vld [tilespmem:s22+$0x10150]  }
0x80: {  	v4 =	vld [tilespmem:s22+$0x10160]  }
0x81: {  	[tilespmem:s22+$0x100] =	vst.add.f32.msk $0xffff, v8  }
0x82: {  	[tilespmem:s22+$0x110] =	vst.add.f32.msk $0xffff, v9  }
0x83: {  	[tilespmem:s22+$0x120] =	vst.add.f32.msk $0xffff, v7  }
0x84: {  	[tilespmem:s22+$0x130] =	vst.add.f32.msk $0xffff, v6  }
0x85: {  	[tilespmem:s22+$0x140] =	vst.add.f32.msk $0xffff, v5  }
0x86: {  	[tilespmem:s22+$0x150] =	vst.add.f32.msk $0xffff, v3  }
0x87: {  	[tilespmem:s22+$0x160] =	vst.add.f32.msk $0xffff, v4  }
0x88: {  	s13 =	sld [smem:$0x7F7];
	_ =	sdelay $0x1  }
0x89: {  	s22 =	simm.s32 $0x0  }
0x8a: {  	[hbm4b:s13+s22] =	stream.linear.scatter [tilespmem:s10], [sflag:$0x5], $0x4000, $0x38;
	[tilespmem:$0x1C100] =	vst v63  }
0x8b: {  	s15 =	rddreg [dreg:$0x6]  }
0x8c: {  	[tilespmem:s2], [sflag:$0x3] =	stream.linear.gather [hbm4b:s15+s22], $0x4000, $0x38;
	[tilespmem:$0x1C100] =	vst v63  }
0x8d: {  	v3 =	vld [tilespmem:$0x20];
	_ =	sdelay $0x4  }
0x8e: {  	v4 =	vshll.u32 v3, $0x3  }
0x8f: {  	v3 =	vand.u32 $0x7, v3;
	v4 =	vand.u32 $0xFFFFFFC0, v4  }
0x90: {  	v3 =	vor.u32 v3, v4  }
0x91: {  	v4 =	vperm.xlane v3, v0;
	_ =	sdelay $0x1  }
0x92: {  	v4 =	vadd.s32 v1, v4;
	_ =	sdelay $0x3  }
0x93: {  	s16 =	simm.s32 $0x18100  }
0x94: {  	[tilespmem:s16], [sflag:$0xB] =	stream.indirect_vreg.gather [hbm4b:s31+s22], $0x80, v4, vm0, $0xb8;
	[tilespmem:$0x1C100] =	vst v63  }
0x95: {  	s23 =	simm.s32 $0x18900;
	v3 =	vperm.xlane v3, v2  }
0x96: {  	[tilespmem:s23], [sflag:$0xB] =	stream.indirect_vreg.gather [hbm4b:s7+s22], $0x80, v4, vm0, $0xb8;
	[tilespmem:$0x1C100] =	vst v63  }
0x97: {  	s14 =	simm.s32 $0x19100;
	v3 =	vadd.s32 v1, v3  }
0x98: {  	[tilespmem:s14], [sflag:$0xB] =	stream.indirect_vreg.gather [hbm4b:s8+s22], $0x80, v4, vm0, $0xb8;
	[tilespmem:$0x1C100] =	vst v63  }
0x99: {  	s15 =	simm.s32 $0x19900  }
0x9a: {  	[tilespmem:s15], [sflag:$0xB] =	stream.indirect_vreg.gather [hbm4b:s9+s22], $0x80, v4, vm0, $0xb8;
	[tilespmem:$0x1C100] =	vst v63  }
0x9b: {  	s16 =	simm.s32 $0x1A100  }
0x9c: {  	[tilespmem:s16], [sflag:$0xB] =	stream.indirect_vreg.gather [hbm4b:s31+s22], $0x80, v3, vm0, $0xb8;
	[tilespmem:$0x1C100] =	vst v63  }
0x9d: {  	s23 =	simm.s32 $0x1A900  }
0x9e: {  	[tilespmem:s23], [sflag:$0xB] =	stream.indirect_vreg.gather [hbm4b:s7+s22], $0x80, v3, vm0, $0xb8;
	[tilespmem:$0x1C100] =	vst v63  }
0x9f: {  	s14 =	simm.s32 $0x1B100  }
0xa0: {  	[tilespmem:s14], [sflag:$0xB] =	stream.indirect_vreg.gather [hbm4b:s8+s22], $0x80, v3, vm0, $0xb8;
	[tilespmem:$0x1C100] =	vst v63  }
0xa1: {  	s15 =	simm.s32 $0x1B900  }
0xa2: {  	[tilespmem:s15], [sflag:$0xB] =	stream.indirect_vreg.gather [hbm4b:s9+s22], $0x80, v3, vm0, $0xb8;
	[tilespmem:$0x1C100] =	vst v63  }
0xa3: {  	_ =	swait.ge [sflag:s24], $0x4000  }
0xa4: {  	s16 =	simm.s32 $0x0;
	[sflag:s24] =	ssyncset.done $0x0  }
0xa5: {  	s13 =	sand.u32 $0x2000, s16;
	[sflag:s24] =	ssyncadd.s32 $0xFFFFC000  }
0xa6: {  	s14 =	sand.u32 $0x1C00, s22;
	s15 =	simm.s32 $0x0;
	_ =	swait.ge [sflag:s25], $0x4000  }
0xa7: {  	s13 =	sor.u32 s14, s13;
	s23 =	sand.u32 $0x380, s15;
	[sflag:s25] =	ssyncset.done $0x0  }
0xa8: {  	s23 =	sor.u32 s23, s13;
	[sflag:s25] =	ssyncadd.s32 $0xFFFFC000  }
0xa9: {  	v3 =	vld [tilespmem:s23+$0x14170]  }
0xaa: {  	v8 =	vld [tilespmem:s23+$0x14100]  }
0xab: {  	v9 =	vld [tilespmem:s23+$0x14110]  }
0xac: {  	v7 =	vld [tilespmem:s23+$0x14120]  }
0xad: {  	v6 =	vld [tilespmem:s23+$0x14130]  }
0xae: {  	v5 =	vld [tilespmem:s23+$0x14140]  }
0xaf: {  	v4 =	vld [tilespmem:s23+$0x14160]  }
0xb0: {  	[tilespmem:s23+$0x4170] =	vst.add.f32.msk $0xffff, v3  }
0xb1: {  	v3 =	vld [tilespmem:s23+$0x14150]  }
0xb2: {  	[tilespmem:s23+$0x4100] =	vst.add.f32.msk $0xffff, v8  }
0xb3: {  	s13 =	simm.s32 $0x0;
	[tilespmem:s23+$0x4110] =	vst.add.f32.msk $0xffff, v9  }
.LBB2_4:
0xb4: {  	s13 =	sadd.s32 $0x8, s13;
	[tilespmem:s23+$0x4120] =	vst.add.f32.msk $0xffff, v7  }
0xb5: {  	s22 =	sadd.s32 $0x400, s22;
	s14 =	sshll.u32 s13, $0x4;
	p0 =	slt.u32 s13, $0x3F8;
	[tilespmem:s23+$0x4130] =	vst.add.f32.msk $0xffff, v6  }
0xb6: {  	s15 =	sand.u32 $0x1C00, s22;
	s16 =	sshll.u32 s13, $0x1;
	s14 =	sand.u32 $0x2000, s14;
	[tilespmem:s23+$0x4140] =	vst.add.f32.msk $0xffff, v5  }
0xb7: {  	s14 =	sor.u32 s15, s14;
	s15 =	sand.u32 $0x380, s16;
	[tilespmem:s23+$0x4150] =	vst.add.f32.msk $0xffff, v3  }
0xb8: {  	[tilespmem:s23+$0x4160] =	vst.add.f32.msk $0xffff, v4;
	s23 =	sor.u32 s15, s14  }
0xb9: {  	v3 =	vld [tilespmem:s23+$0x14170]  }
0xba: {  	v8 =	vld [tilespmem:s23+$0x14100]  }
0xbb: {  	v9 =	vld [tilespmem:s23+$0x14110]  }
0xbc: {  	v7 =	vld [tilespmem:s23+$0x14120]  }
0xbd: {  	v6 =	vld [tilespmem:s23+$0x14130]  }
0xbe: {  	[tilespmem:s23+$0x4170] =	vst.add.f32.msk $0xffff, v3  }
.Ltmp1:
0xbf: {  	v5 =	vld [tilespmem:s23+$0x14140];
	(pc) =	sbr.rel @p0 .LBB2_4-.Ltmp1, $4  }
0xc0: {  	v3 =	vld [tilespmem:s23+$0x14150]  }
0xc1: {  	v4 =	vld [tilespmem:s23+$0x14160]  }
0xc2: {  	[tilespmem:s23+$0x4100] =	vst.add.f32.msk $0xffff, v8  }
0xc3: {  	[tilespmem:s23+$0x4110] =	vst.add.f32.msk $0xffff, v9  }
0xc4: {  	[tilespmem:s23+$0x4120] =	vst.add.f32.msk $0xffff, v7  }
0xc5: {  	[tilespmem:s23+$0x4130] =	vst.add.f32.msk $0xffff, v6  }
0xc6: {  	[tilespmem:s23+$0x4140] =	vst.add.f32.msk $0xffff, v5  }
0xc7: {  	[tilespmem:s23+$0x4150] =	vst.add.f32.msk $0xffff, v3  }
0xc8: {  	[tilespmem:s23+$0x4160] =	vst.add.f32.msk $0xffff, v4  }
0xc9: {  	s22 =	simm.s32 $0x0;
	s13 =	rddreg [dreg:$0x7]  }
0xca: {  	[hbm4b:s13+s22] =	stream.linear.scatter [tilespmem:s11], [sflag:$0x6], $0x4000, $0x38;
	[tilespmem:$0x1C100] =	vst v63  }
0xcb: {  	s15 =	rddreg [dreg:$0x8]  }
0xcc: {  	[tilespmem:s26], [sflag:$0x4] =	stream.linear.gather [hbm4b:s15+s22], $0x4000, $0x38;
	[tilespmem:$0x1C100] =	vst v63  }
0xcd: {  	v3 =	vld [tilespmem:$0x30];
	_ =	sdelay $0x4  }
0xce: {  	v4 =	vshll.u32 v3, $0x3  }
0xcf: {  	v3 =	vand.u32 $0x7, v3;
	v4 =	vand.u32 $0xFFFFFFC0, v4  }
0xd0: {  	v3 =	vor.u32 v3, v4  }
0xd1: {  	v4 =	vperm.xlane v3, v0;
	_ =	sdelay $0x1  }
0xd2: {  	v4 =	vadd.s32 v1, v4;
	_ =	sdelay $0x3  }
0xd3: {  	s16 =	simm.s32 $0x10100  }
0xd4: {  	[tilespmem:s16], [sflag:$0x9] =	stream.indirect_vreg.gather [hbm4b:s31+s22], $0x80, v4, vm0, $0xb8;
	[tilespmem:$0x1C100] =	vst v63  }
0xd5: {  	s23 =	simm.s32 $0x10900;
	v3 =	vperm.xlane v3, v2  }
0xd6: {  	[tilespmem:s23], [sflag:$0x9] =	stream.indirect_vreg.gather [hbm4b:s7+s22], $0x80, v4, vm0, $0xb8;
	[tilespmem:$0x1C100] =	vst v63  }
0xd7: {  	s14 =	simm.s32 $0x11100;
	v3 =	vadd.s32 v1, v3  }
0xd8: {  	[tilespmem:s14], [sflag:$0x9] =	stream.indirect_vreg.gather [hbm4b:s8+s22], $0x80, v4, vm0, $0xb8;
	[tilespmem:$0x1C100] =	vst v63  }
0xd9: {  	s15 =	simm.s32 $0x11900  }
0xda: {  	[tilespmem:s15], [sflag:$0x9] =	stream.indirect_vreg.gather [hbm4b:s9+s22], $0x80, v4, vm0, $0xb8;
	[tilespmem:$0x1C100] =	vst v63  }
0xdb: {  	_ = 	snop  }
0xdc: {  	[tilespmem:s17], [sflag:$0x9] =	stream.indirect_vreg.gather [hbm4b:s31+s22], $0x80, v3, vm0, $0xb8;
	[tilespmem:$0x1C100] =	vst v63  }
0xdd: {  	_ = 	snop  }
0xde: {  	[tilespmem:s18], [sflag:$0x9] =	stream.indirect_vreg.gather [hbm4b:s7+s22], $0x80, v3, vm0, $0xb8;
	[tilespmem:$0x1C100] =	vst v63  }
0xdf: {  	_ = 	snop  }
0xe0: {  	[tilespmem:s19], [sflag:$0x9] =	stream.indirect_vreg.gather [hbm4b:s8+s22], $0x80, v3, vm0, $0xb8;
	[tilespmem:$0x1C100] =	vst v63  }
0xe1: {  	_ = 	snop  }
0xe2: {  	[tilespmem:s20], [sflag:$0x9] =	stream.indirect_vreg.gather [hbm4b:s9+s22], $0x80, v3, vm0, $0xb8;
	[tilespmem:$0x1C100] =	vst v63  }
0xe3: {  	_ =	swait.ge [sflag:s28], $0x4000  }
0xe4: {  	s16 =	simm.s32 $0x0;
	[sflag:s28] =	ssyncset.done $0x0  }
0xe5: {  	s13 =	sand.u32 $0x2000, s16;
	[sflag:s28] =	ssyncadd.s32 $0xFFFFC000  }
0xe6: {  	s14 =	sand.u32 $0x1C00, s22;
	s15 =	simm.s32 $0x0;
	_ =	swait.ge [sflag:s29], $0x4000  }
0xe7: {  	s13 =	sor.u32 s14, s13;
	s23 =	sand.u32 $0x380, s15;
	[sflag:s29] =	ssyncset.done $0x0  }
0xe8: {  	s23 =	sor.u32 s23, s13;
	[sflag:s29] =	ssyncadd.s32 $0xFFFFC000  }
0xe9: {  	v3 =	vld [tilespmem:s23+$0x18170]  }
0xea: {  	v8 =	vld [tilespmem:s23+$0x18100]  }
0xeb: {  	v9 =	vld [tilespmem:s23+$0x18110]  }
0xec: {  	v7 =	vld [tilespmem:s23+$0x18120]  }
0xed: {  	v6 =	vld [tilespmem:s23+$0x18130]  }
0xee: {  	v5 =	vld [tilespmem:s23+$0x18140]  }
0xef: {  	v4 =	vld [tilespmem:s23+$0x18160]  }
0xf0: {  	[tilespmem:s23+$0x8170] =	vst.add.f32.msk $0xffff, v3  }
0xf1: {  	v3 =	vld [tilespmem:s23+$0x18150]  }
0xf2: {  	[tilespmem:s23+$0x8100] =	vst.add.f32.msk $0xffff, v8  }
0xf3: {  	s13 =	simm.s32 $0x0;
	[tilespmem:s23+$0x8110] =	vst.add.f32.msk $0xffff, v9  }
.LBB2_6:
0xf4: {  	s13 =	sadd.s32 $0x8, s13;
	[tilespmem:s23+$0x8120] =	vst.add.f32.msk $0xffff, v7  }
0xf5: {  	s22 =	sadd.s32 $0x400, s22;
	s14 =	sshll.u32 s13, $0x4;
	p0 =	slt.u32 s13, $0x3F8;
	[tilespmem:s23+$0x8130] =	vst.add.f32.msk $0xffff, v6  }
0xf6: {  	s15 =	sand.u32 $0x1C00, s22;
	s16 =	sshll.u32 s13, $0x1;
	s14 =	sand.u32 $0x2000, s14;
	[tilespmem:s23+$0x8140] =	vst.add.f32.msk $0xffff, v5  }
0xf7: {  	s14 =	sor.u32 s15, s14;
	s15 =	sand.u32 $0x380, s16;
	[tilespmem:s23+$0x8150] =	vst.add.f32.msk $0xffff, v3  }
0xf8: {  	[tilespmem:s23+$0x8160] =	vst.add.f32.msk $0xffff, v4;
	s23 =	sor.u32 s15, s14  }
0xf9: {  	v3 =	vld [tilespmem:s23+$0x18170]  }
0xfa: {  	v8 =	vld [tilespmem:s23+$0x18100]  }
0xfb: {  	v9 =	vld [tilespmem:s23+$0x18110]  }
0xfc: {  	v7 =	vld [tilespmem:s23+$0x18120]  }
0xfd: {  	v6 =	vld [tilespmem:s23+$0x18130]  }
0xfe: {  	[tilespmem:s23+$0x8170] =	vst.add.f32.msk $0xffff, v3  }
.Ltmp2:
0xff: {  	v5 =	vld [tilespmem:s23+$0x18140];
	(pc) =	sbr.rel @p0 .LBB2_6-.Ltmp2, $4  }
0x100: {  	v3 =	vld [tilespmem:s23+$0x18150]  }
0x101: {  	v4 =	vld [tilespmem:s23+$0x18160]  }
0x102: {  	[tilespmem:s23+$0x8100] =	vst.add.f32.msk $0xffff, v8  }
0x103: {  	[tilespmem:s23+$0x8110] =	vst.add.f32.msk $0xffff, v9  }
0x104: {  	[tilespmem:s23+$0x8120] =	vst.add.f32.msk $0xffff, v7  }
0x105: {  	[tilespmem:s23+$0x8130] =	vst.add.f32.msk $0xffff, v6  }
0x106: {  	[tilespmem:s23+$0x8140] =	vst.add.f32.msk $0xffff, v5  }
0x107: {  	[tilespmem:s23+$0x8150] =	vst.add.f32.msk $0xffff, v3  }
0x108: {  	[tilespmem:s23+$0x8160] =	vst.add.f32.msk $0xffff, v4  }
0x109: {  	s22 =	simm.s32 $0x0;
	s13 =	rddreg [dreg:$0x9]  }
0x10a: {  	[hbm4b:s13+s22] =	stream.linear.scatter [tilespmem:s2], [sflag:$0x7], $0x4000, $0x38;
	[tilespmem:$0x1C100] =	vst v63  }
0x10b: {  	_ =	swait.ge [sflag:s3], $0x4000  }
0x10c: {  	[sflag:s3] =	ssyncset.done $0x0  }
0x10d: {  	s15 =	rddreg [dreg:$0xa];
	[sflag:s3] =	ssyncadd.s32 $0xFFFFC000  }
0x10e: {  	[tilespmem:s10], [sflag:$0x1] =	stream.linear.gather [hbm4b:s15+s22], $0x4000, $0x38;
	[tilespmem:$0x1C100] =	vst v63  }
0x10f: {  	v3 =	vld [tilespmem:$0x40];
	_ =	sdelay $0x4  }
0x110: {  	v4 =	vshll.u32 v3, $0x3  }
0x111: {  	v3 =	vand.u32 $0x7, v3;
	v4 =	vand.u32 $0xFFFFFFC0, v4  }
0x112: {  	v3 =	vor.u32 v3, v4  }
0x113: {  	v4 =	vperm.xlane v3, v0;
	_ =	sdelay $0x1  }
0x114: {  	v4 =	vadd.s32 v1, v4;
	_ =	sdelay $0x3  }
0x115: {  	s16 =	simm.s32 $0x14100  }
0x116: {  	[tilespmem:s16], [sflag:$0xA] =	stream.indirect_vreg.gather [hbm4b:s31+s22], $0x80, v4, vm0, $0xb8;
	[tilespmem:$0x1C100] =	vst v63  }
0x117: {  	s23 =	simm.s32 $0x14900;
	v3 =	vperm.xlane v3, v2  }
0x118: {  	[tilespmem:s23], [sflag:$0xA] =	stream.indirect_vreg.gather [hbm4b:s7+s22], $0x80, v4, vm0, $0xb8;
	[tilespmem:$0x1C100] =	vst v63  }
0x119: {  	s14 =	simm.s32 $0x15100;
	v3 =	vadd.s32 v1, v3  }
0x11a: {  	[tilespmem:s14], [sflag:$0xA] =	stream.indirect_vreg.gather [hbm4b:s8+s22], $0x80, v4, vm0, $0xb8;
	[tilespmem:$0x1C100] =	vst v63  }
0x11b: {  	s15 =	simm.s32 $0x15900  }
0x11c: {  	[tilespmem:s15], [sflag:$0xA] =	stream.indirect_vreg.gather [hbm4b:s9+s22], $0x80, v4, vm0, $0xb8;
	[tilespmem:$0x1C100] =	vst v63  }
0x11d: {  	s16 =	simm.s32 $0x16100  }
0x11e: {  	[tilespmem:s16], [sflag:$0xA] =	stream.indirect_vreg.gather [hbm4b:s31+s22], $0x80, v3, vm0, $0xb8;
	[tilespmem:$0x1C100] =	vst v63  }
0x11f: {  	s23 =	simm.s32 $0x16900  }
0x120: {  	[tilespmem:s23], [sflag:$0xA] =	stream.indirect_vreg.gather [hbm4b:s7+s22], $0x80, v3, vm0, $0xb8;
	[tilespmem:$0x1C100] =	vst v63  }
0x121: {  	s14 =	simm.s32 $0x17100  }
0x122: {  	[tilespmem:s14], [sflag:$0xA] =	stream.indirect_vreg.gather [hbm4b:s8+s22], $0x80, v3, vm0, $0xb8;
	[tilespmem:$0x1C100] =	vst v63  }
0x123: {  	s15 =	simm.s32 $0x17900  }
0x124: {  	[tilespmem:s15], [sflag:$0xA] =	stream.indirect_vreg.gather [hbm4b:s9+s22], $0x80, v3, vm0, $0xb8;
	[tilespmem:$0x1C100] =	vst v63  }
0x125: {  	_ =	swait.ge [sflag:s4], $0x4000  }
0x126: {  	s16 =	simm.s32 $0x0;
	[sflag:s4] =	ssyncset.done $0x0  }
0x127: {  	s13 =	sand.u32 $0x2000, s16;
	[sflag:s4] =	ssyncadd.s32 $0xFFFFC000  }
0x128: {  	s14 =	sand.u32 $0x1C00, s22;
	s15 =	simm.s32 $0x0;
	_ =	swait.ge [sflag:s0], $0x4000  }
0x129: {  	s13 =	sor.u32 s14, s13;
	s23 =	sand.u32 $0x380, s15;
	[sflag:s0] =	ssyncset.done $0x0  }
0x12a: {  	s23 =	sor.u32 s23, s13;
	[sflag:s0] =	ssyncadd.s32 $0xFFFFC000  }
0x12b: {  	v3 =	vld [tilespmem:s23+$0x10170]  }
0x12c: {  	v8 =	vld [tilespmem:s23+$0x10100]  }
0x12d: {  	v9 =	vld [tilespmem:s23+$0x10110]  }
0x12e: {  	v7 =	vld [tilespmem:s23+$0x10120]  }
0x12f: {  	v6 =	vld [tilespmem:s23+$0x10130]  }
0x130: {  	v5 =	vld [tilespmem:s23+$0x10140]  }
0x131: {  	v4 =	vld [tilespmem:s23+$0x10160]  }
0x132: {  	[tilespmem:s23+$0xC170] =	vst.add.f32.msk $0xffff, v3  }
0x133: {  	v3 =	vld [tilespmem:s23+$0x10150]  }
0x134: {  	[tilespmem:s23+$0xC100] =	vst.add.f32.msk $0xffff, v8  }
0x135: {  	s13 =	simm.s32 $0x0;
	[tilespmem:s23+$0xC110] =	vst.add.f32.msk $0xffff, v9  }
.LBB2_8:
0x136: {  	s13 =	sadd.s32 $0x8, s13;
	[tilespmem:s23+$0xC120] =	vst.add.f32.msk $0xffff, v7  }
0x137: {  	s22 =	sadd.s32 $0x400, s22;
	s14 =	sshll.u32 s13, $0x4;
	p0 =	slt.u32 s13, $0x3F8;
	[tilespmem:s23+$0xC130] =	vst.add.f32.msk $0xffff, v6  }
0x138: {  	s15 =	sand.u32 $0x1C00, s22;
	s16 =	sshll.u32 s13, $0x1;
	s14 =	sand.u32 $0x2000, s14;
	[tilespmem:s23+$0xC140] =	vst.add.f32.msk $0xffff, v5  }
0x139: {  	s14 =	sor.u32 s15, s14;
	s15 =	sand.u32 $0x380, s16;
	[tilespmem:s23+$0xC150] =	vst.add.f32.msk $0xffff, v3  }
0x13a: {  	[tilespmem:s23+$0xC160] =	vst.add.f32.msk $0xffff, v4;
	s23 =	sor.u32 s15, s14  }
0x13b: {  	v3 =	vld [tilespmem:s23+$0x10170]  }
0x13c: {  	v8 =	vld [tilespmem:s23+$0x10100]  }
0x13d: {  	v9 =	vld [tilespmem:s23+$0x10110]  }
0x13e: {  	v7 =	vld [tilespmem:s23+$0x10120]  }
0x13f: {  	v6 =	vld [tilespmem:s23+$0x10130]  }
0x140: {  	[tilespmem:s23+$0xC170] =	vst.add.f32.msk $0xffff, v3  }
.Ltmp3:
0x141: {  	v5 =	vld [tilespmem:s23+$0x10140];
	(pc) =	sbr.rel @p0 .LBB2_8-.Ltmp3, $4  }
0x142: {  	v3 =	vld [tilespmem:s23+$0x10150]  }
0x143: {  	v4 =	vld [tilespmem:s23+$0x10160]  }
0x144: {  	[tilespmem:s23+$0xC100] =	vst.add.f32.msk $0xffff, v8  }
0x145: {  	[tilespmem:s23+$0xC110] =	vst.add.f32.msk $0xffff, v9  }
0x146: {  	[tilespmem:s23+$0xC120] =	vst.add.f32.msk $0xffff, v7  }
0x147: {  	[tilespmem:s23+$0xC130] =	vst.add.f32.msk $0xffff, v6  }
0x148: {  	[tilespmem:s23+$0xC140] =	vst.add.f32.msk $0xffff, v5  }
0x149: {  	[tilespmem:s23+$0xC150] =	vst.add.f32.msk $0xffff, v3  }
0x14a: {  	[tilespmem:s23+$0xC160] =	vst.add.f32.msk $0xffff, v4  }
0x14b: {  	s22 =	simm.s32 $0x0;
	s13 =	rddreg [dreg:$0xb]  }
0x14c: {  	[hbm4b:s13+s22] =	stream.linear.scatter [tilespmem:s26], [sflag:$0x8], $0x4000, $0x38;
	[tilespmem:$0x1C100] =	vst v63  }
0x14d: {  	_ =	swait.ge [sflag:s5], $0x4000  }
0x14e: {  	[sflag:s5] =	ssyncset.done $0x0  }
0x14f: {  	s15 =	rddreg [dreg:$0xc];
	[sflag:s5] =	ssyncadd.s32 $0xFFFFC000  }
0x150: {  	[tilespmem:s11], [sflag:$0x2] =	stream.linear.gather [hbm4b:s15+s22], $0x4000, $0x38;
	[tilespmem:$0x1C100] =	vst v63  }
0x151: {  	v3 =	vld [tilespmem:$0x50];
	_ =	sdelay $0x4  }
0x152: {  	v4 =	vshll.u32 v3, $0x3  }
0x153: {  	v3 =	vand.u32 $0x7, v3;
	v4 =	vand.u32 $0xFFFFFFC0, v4  }
0x154: {  	v3 =	vor.u32 v3, v4  }
0x155: {  	v4 =	vperm.xlane v3, v0;
	_ =	sdelay $0x1  }
0x156: {  	v4 =	vadd.s32 v1, v4;
	_ =	sdelay $0x3  }
0x157: {  	s16 =	simm.s32 $0x18100  }
0x158: {  	[tilespmem:s16], [sflag:$0xB] =	stream.indirect_vreg.gather [hbm4b:s31+s22], $0x80, v4, vm0, $0xb8;
	[tilespmem:$0x1C100] =	vst v63  }
0x159: {  	s23 =	simm.s32 $0x18900;
	v3 =	vperm.xlane v3, v2  }
0x15a: {  	[tilespmem:s23], [sflag:$0xB] =	stream.indirect_vreg.gather [hbm4b:s7+s22], $0x80, v4, vm0, $0xb8;
	[tilespmem:$0x1C100] =	vst v63  }
0x15b: {  	s14 =	simm.s32 $0x19100;
	v3 =	vadd.s32 v1, v3  }
0x15c: {  	[tilespmem:s14], [sflag:$0xB] =	stream.indirect_vreg.gather [hbm4b:s8+s22], $0x80, v4, vm0, $0xb8;
	[tilespmem:$0x1C100] =	vst v63  }
0x15d: {  	s15 =	simm.s32 $0x19900  }
0x15e: {  	[tilespmem:s15], [sflag:$0xB] =	stream.indirect_vreg.gather [hbm4b:s9+s22], $0x80, v4, vm0, $0xb8;
	[tilespmem:$0x1C100] =	vst v63  }
0x15f: {  	s16 =	simm.s32 $0x1A100  }
0x160: {  	[tilespmem:s16], [sflag:$0xB] =	stream.indirect_vreg.gather [hbm4b:s31+s22], $0x80, v3, vm0, $0xb8;
	[tilespmem:$0x1C100] =	vst v63  }
0x161: {  	s23 =	simm.s32 $0x1A900  }
0x162: {  	[tilespmem:s23], [sflag:$0xB] =	stream.indirect_vreg.gather [hbm4b:s7+s22], $0x80, v3, vm0, $0xb8;
	[tilespmem:$0x1C100] =	vst v63  }
0x163: {  	s14 =	simm.s32 $0x1B100  }
0x164: {  	[tilespmem:s14], [sflag:$0xB] =	stream.indirect_vreg.gather [hbm4b:s8+s22], $0x80, v3, vm0, $0xb8;
	[tilespmem:$0x1C100] =	vst v63  }
0x165: {  	s15 =	simm.s32 $0x1B900  }
0x166: {  	[tilespmem:s15], [sflag:$0xB] =	stream.indirect_vreg.gather [hbm4b:s9+s22], $0x80, v3, vm0, $0xb8;
	[tilespmem:$0x1C100] =	vst v63  }
0x167: {  	_ =	swait.ge [sflag:s30], $0x4000  }
0x168: {  	s16 =	simm.s32 $0x0;
	[sflag:s30] =	ssyncset.done $0x0  }
0x169: {  	s13 =	sand.u32 $0x2000, s16;
	[sflag:s30] =	ssyncadd.s32 $0xFFFFC000  }
0x16a: {  	s14 =	sand.u32 $0x1C00, s22;
	s15 =	simm.s32 $0x0;
	_ =	swait.ge [sflag:s25], $0x4000  }
0x16b: {  	s13 =	sor.u32 s14, s13;
	s23 =	sand.u32 $0x380, s15;
	[sflag:s25] =	ssyncset.done $0x0  }
0x16c: {  	s23 =	sor.u32 s23, s13;
	[sflag:s25] =	ssyncadd.s32 $0xFFFFC000  }
0x16d: {  	v3 =	vld [tilespmem:s23+$0x14170]  }
0x16e: {  	v8 =	vld [tilespmem:s23+$0x14100]  }
0x16f: {  	v9 =	vld [tilespmem:s23+$0x14110]  }
0x170: {  	v7 =	vld [tilespmem:s23+$0x14120]  }
0x171: {  	v6 =	vld [tilespmem:s23+$0x14130]  }
0x172: {  	v5 =	vld [tilespmem:s23+$0x14140]  }
0x173: {  	v4 =	vld [tilespmem:s23+$0x14160]  }
0x174: {  	[tilespmem:s23+$0x170] =	vst.add.f32.msk $0xffff, v3  }
0x175: {  	v3 =	vld [tilespmem:s23+$0x14150]  }
0x176: {  	[tilespmem:s23+$0x100] =	vst.add.f32.msk $0xffff, v8  }
0x177: {  	s13 =	simm.s32 $0x0;
	[tilespmem:s23+$0x110] =	vst.add.f32.msk $0xffff, v9  }
.LBB2_10:
0x178: {  	s13 =	sadd.s32 $0x8, s13;
	[tilespmem:s23+$0x120] =	vst.add.f32.msk $0xffff, v7  }
0x179: {  	s22 =	sadd.s32 $0x400, s22;
	s14 =	sshll.u32 s13, $0x4;
	p0 =	slt.u32 s13, $0x3F8;
	[tilespmem:s23+$0x130] =	vst.add.f32.msk $0xffff, v6  }
0x17a: {  	s15 =	sand.u32 $0x1C00, s22;
	s16 =	sshll.u32 s13, $0x1;
	s14 =	sand.u32 $0x2000, s14;
	[tilespmem:s23+$0x140] =	vst.add.f32.msk $0xffff, v5  }
0x17b: {  	s14 =	sor.u32 s15, s14;
	s15 =	sand.u32 $0x380, s16;
	[tilespmem:s23+$0x150] =	vst.add.f32.msk $0xffff, v3  }
0x17c: {  	[tilespmem:s23+$0x160] =	vst.add.f32.msk $0xffff, v4;
	s23 =	sor.u32 s15, s14  }
0x17d: {  	v3 =	vld [tilespmem:s23+$0x14170]  }
0x17e: {  	v8 =	vld [tilespmem:s23+$0x14100]  }
0x17f: {  	v9 =	vld [tilespmem:s23+$0x14110]  }
0x180: {  	v7 =	vld [tilespmem:s23+$0x14120]  }
0x181: {  	v6 =	vld [tilespmem:s23+$0x14130]  }
0x182: {  	[tilespmem:s23+$0x170] =	vst.add.f32.msk $0xffff, v3  }
.Ltmp4:
0x183: {  	v5 =	vld [tilespmem:s23+$0x14140];
	(pc) =	sbr.rel @p0 .LBB2_10-.Ltmp4, $4  }
0x184: {  	v3 =	vld [tilespmem:s23+$0x14150]  }
0x185: {  	v4 =	vld [tilespmem:s23+$0x14160]  }
0x186: {  	[tilespmem:s23+$0x100] =	vst.add.f32.msk $0xffff, v8  }
0x187: {  	[tilespmem:s23+$0x110] =	vst.add.f32.msk $0xffff, v9  }
0x188: {  	[tilespmem:s23+$0x120] =	vst.add.f32.msk $0xffff, v7  }
0x189: {  	[tilespmem:s23+$0x130] =	vst.add.f32.msk $0xffff, v6  }
0x18a: {  	[tilespmem:s23+$0x140] =	vst.add.f32.msk $0xffff, v5  }
0x18b: {  	[tilespmem:s23+$0x150] =	vst.add.f32.msk $0xffff, v3  }
0x18c: {  	[tilespmem:s23+$0x160] =	vst.add.f32.msk $0xffff, v4  }
0x18d: {  	s22 =	simm.s32 $0x0;
	s13 =	rddreg [dreg:$0xd]  }
0x18e: {  	[hbm4b:s13+s22] =	stream.linear.scatter [tilespmem:s10], [sflag:$0x5], $0x4000, $0x38;
	[tilespmem:$0x1C100] =	vst v63  }
0x18f: {  	_ =	swait.ge [sflag:s6], $0x4000  }
0x190: {  	[sflag:s6] =	ssyncset.done $0x0  }
0x191: {  	s15 =	rddreg [dreg:$0xe];
	[sflag:s6] =	ssyncadd.s32 $0xFFFFC000  }
0x192: {  	[tilespmem:s2], [sflag:$0x3] =	stream.linear.gather [hbm4b:s15+s22], $0x4000, $0x38;
	[tilespmem:$0x1C100] =	vst v63  }
0x193: {  	v3 =	vld [tilespmem:$0x60];
	_ =	sdelay $0x4  }
0x194: {  	v4 =	vshll.u32 v3, $0x3  }
0x195: {  	v3 =	vand.u32 $0x7, v3;
	v4 =	vand.u32 $0xFFFFFFC0, v4  }
0x196: {  	v3 =	vor.u32 v3, v4  }
0x197: {  	v4 =	vperm.xlane v3, v0;
	_ =	sdelay $0x1  }
0x198: {  	v4 =	vadd.s32 v1, v4;
	_ =	sdelay $0x3  }
0x199: {  	s16 =	simm.s32 $0x10100  }
0x19a: {  	[tilespmem:s16], [sflag:$0x9] =	stream.indirect_vreg.gather [hbm4b:s31+s22], $0x80, v4, vm0, $0xb8;
	[tilespmem:$0x1C100] =	vst v63  }
0x19b: {  	s23 =	simm.s32 $0x10900;
	v3 =	vperm.xlane v3, v2  }
0x19c: {  	[tilespmem:s23], [sflag:$0x9] =	stream.indirect_vreg.gather [hbm4b:s7+s22], $0x80, v4, vm0, $0xb8;
	[tilespmem:$0x1C100] =	vst v63  }
0x19d: {  	s14 =	simm.s32 $0x11100;
	v3 =	vadd.s32 v1, v3  }
0x19e: {  	[tilespmem:s14], [sflag:$0x9] =	stream.indirect_vreg.gather [hbm4b:s8+s22], $0x80, v4, vm0, $0xb8;
	[tilespmem:$0x1C100] =	vst v63  }
0x19f: {  	s15 =	simm.s32 $0x11900  }
0x1a0: {  	[tilespmem:s15], [sflag:$0x9] =	stream.indirect_vreg.gather [hbm4b:s9+s22], $0x80, v4, vm0, $0xb8;
	[tilespmem:$0x1C100] =	vst v63  }
0x1a1: {  	_ = 	snop  }
0x1a2: {  	[tilespmem:s17], [sflag:$0x9] =	stream.indirect_vreg.gather [hbm4b:s31+s22], $0x80, v3, vm0, $0xb8;
	[tilespmem:$0x1C100] =	vst v63  }
0x1a3: {  	_ = 	snop  }
0x1a4: {  	[tilespmem:s18], [sflag:$0x9] =	stream.indirect_vreg.gather [hbm4b:s7+s22], $0x80, v3, vm0, $0xb8;
	[tilespmem:$0x1C100] =	vst v63  }
0x1a5: {  	_ = 	snop  }
0x1a6: {  	[tilespmem:s19], [sflag:$0x9] =	stream.indirect_vreg.gather [hbm4b:s8+s22], $0x80, v3, vm0, $0xb8;
	[tilespmem:$0x1C100] =	vst v63  }
0x1a7: {  	_ = 	snop  }
0x1a8: {  	[tilespmem:s20], [sflag:$0x9] =	stream.indirect_vreg.gather [hbm4b:s9+s22], $0x80, v3, vm0, $0xb8;
	[tilespmem:$0x1C100] =	vst v63  }
0x1a9: {  	_ =	swait.ge [sflag:s24], $0x4000  }
0x1aa: {  	s16 =	simm.s32 $0x0;
	[sflag:s24] =	ssyncset.done $0x0  }
0x1ab: {  	s13 =	sand.u32 $0x2000, s16;
	[sflag:s24] =	ssyncadd.s32 $0xFFFFC000  }
0x1ac: {  	s14 =	sand.u32 $0x1C00, s22;
	s15 =	simm.s32 $0x0;
	_ =	swait.ge [sflag:s29], $0x4000  }
0x1ad: {  	s13 =	sor.u32 s14, s13;
	s23 =	sand.u32 $0x380, s15;
	[sflag:s29] =	ssyncset.done $0x0  }
0x1ae: {  	s23 =	sor.u32 s23, s13;
	[sflag:s29] =	ssyncadd.s32 $0xFFFFC000  }
0x1af: {  	v3 =	vld [tilespmem:s23+$0x18170]  }
0x1b0: {  	v8 =	vld [tilespmem:s23+$0x18100]  }
0x1b1: {  	v9 =	vld [tilespmem:s23+$0x18110]  }
0x1b2: {  	v7 =	vld [tilespmem:s23+$0x18120]  }
0x1b3: {  	v6 =	vld [tilespmem:s23+$0x18130]  }
0x1b4: {  	v5 =	vld [tilespmem:s23+$0x18140]  }
0x1b5: {  	v4 =	vld [tilespmem:s23+$0x18160]  }
0x1b6: {  	[tilespmem:s23+$0x4170] =	vst.add.f32.msk $0xffff, v3  }
0x1b7: {  	v3 =	vld [tilespmem:s23+$0x18150]  }
0x1b8: {  	[tilespmem:s23+$0x4100] =	vst.add.f32.msk $0xffff, v8  }
0x1b9: {  	s13 =	simm.s32 $0x0;
	[tilespmem:s23+$0x4110] =	vst.add.f32.msk $0xffff, v9  }
.LBB2_12:
0x1ba: {  	s13 =	sadd.s32 $0x8, s13;
	[tilespmem:s23+$0x4120] =	vst.add.f32.msk $0xffff, v7  }
0x1bb: {  	s22 =	sadd.s32 $0x400, s22;
	s14 =	sshll.u32 s13, $0x4;
	p0 =	slt.u32 s13, $0x3F8;
	[tilespmem:s23+$0x4130] =	vst.add.f32.msk $0xffff, v6  }
0x1bc: {  	s15 =	sand.u32 $0x1C00, s22;
	s16 =	sshll.u32 s13, $0x1;
	s14 =	sand.u32 $0x2000, s14;
	[tilespmem:s23+$0x4140] =	vst.add.f32.msk $0xffff, v5  }
0x1bd: {  	s14 =	sor.u32 s15, s14;
	s15 =	sand.u32 $0x380, s16;
	[tilespmem:s23+$0x4150] =	vst.add.f32.msk $0xffff, v3  }
0x1be: {  	[tilespmem:s23+$0x4160] =	vst.add.f32.msk $0xffff, v4;
	s23 =	sor.u32 s15, s14  }
0x1bf: {  	v3 =	vld [tilespmem:s23+$0x18170]  }
0x1c0: {  	v8 =	vld [tilespmem:s23+$0x18100]  }
0x1c1: {  	v9 =	vld [tilespmem:s23+$0x18110]  }
0x1c2: {  	v7 =	vld [tilespmem:s23+$0x18120]  }
0x1c3: {  	v6 =	vld [tilespmem:s23+$0x18130]  }
0x1c4: {  	[tilespmem:s23+$0x4170] =	vst.add.f32.msk $0xffff, v3  }
.Ltmp5:
0x1c5: {  	v5 =	vld [tilespmem:s23+$0x18140];
	(pc) =	sbr.rel @p0 .LBB2_12-.Ltmp5, $4  }
0x1c6: {  	v3 =	vld [tilespmem:s23+$0x18150]  }
0x1c7: {  	v4 =	vld [tilespmem:s23+$0x18160]  }
0x1c8: {  	[tilespmem:s23+$0x4100] =	vst.add.f32.msk $0xffff, v8  }
0x1c9: {  	[tilespmem:s23+$0x4110] =	vst.add.f32.msk $0xffff, v9  }
0x1ca: {  	[tilespmem:s23+$0x4120] =	vst.add.f32.msk $0xffff, v7  }
0x1cb: {  	[tilespmem:s23+$0x4130] =	vst.add.f32.msk $0xffff, v6  }
0x1cc: {  	[tilespmem:s23+$0x4140] =	vst.add.f32.msk $0xffff, v5  }
0x1cd: {  	[tilespmem:s23+$0x4150] =	vst.add.f32.msk $0xffff, v3  }
0x1ce: {  	[tilespmem:s23+$0x4160] =	vst.add.f32.msk $0xffff, v4  }
0x1cf: {  	s22 =	simm.s32 $0x0;
	s13 =	rddreg [dreg:$0xf]  }
0x1d0: {  	[hbm4b:s13+s22] =	stream.linear.scatter [tilespmem:s11], [sflag:$0x6], $0x4000, $0x38;
	[tilespmem:$0x1C100] =	vst v63  }
0x1d1: {  	_ =	swait.ge [sflag:s12], $0x4000  }
0x1d2: {  	[sflag:s12] =	ssyncset.done $0x0  }
0x1d3: {  	s15 =	rddreg [dreg:$0x10];
	[sflag:s12] =	ssyncadd.s32 $0xFFFFC000  }
0x1d4: {  	[tilespmem:s26], [sflag:$0x4] =	stream.linear.gather [hbm4b:s15+s22], $0x4000, $0x38;
	[tilespmem:$0x1C100] =	vst v63  }
0x1d5: {  	v3 =	vld [tilespmem:$0x70];
	_ =	sdelay $0x4  }
0x1d6: {  	v4 =	vshll.u32 v3, $0x3  }
0x1d7: {  	v3 =	vand.u32 $0x7, v3;
	v4 =	vand.u32 $0xFFFFFFC0, v4  }
0x1d8: {  	v3 =	vor.u32 v3, v4  }
0x1d9: {  	v4 =	vperm.xlane v3, v0;
	_ =	sdelay $0x1  }
0x1da: {  	v4 =	vadd.s32 v1, v4;
	_ =	sdelay $0x3  }
0x1db: {  	s16 =	simm.s32 $0x14100  }
0x1dc: {  	[tilespmem:s16], [sflag:$0xA] =	stream.indirect_vreg.gather [hbm4b:s31+s22], $0x80, v4, vm0, $0xb8;
	[tilespmem:$0x1C100] =	vst v63  }
0x1dd: {  	s23 =	simm.s32 $0x14900;
	v3 =	vperm.xlane v3, v2  }
0x1de: {  	[tilespmem:s23], [sflag:$0xA] =	stream.indirect_vreg.gather [hbm4b:s7+s22], $0x80, v4, vm0, $0xb8;
	[tilespmem:$0x1C100] =	vst v63  }
0x1df: {  	s14 =	simm.s32 $0x15100;
	v3 =	vadd.s32 v1, v3  }
0x1e0: {  	[tilespmem:s14], [sflag:$0xA] =	stream.indirect_vreg.gather [hbm4b:s8+s22], $0x80, v4, vm0, $0xb8;
	[tilespmem:$0x1C100] =	vst v63  }
0x1e1: {  	s15 =	simm.s32 $0x15900  }
0x1e2: {  	[tilespmem:s15], [sflag:$0xA] =	stream.indirect_vreg.gather [hbm4b:s9+s22], $0x80, v4, vm0, $0xb8;
	[tilespmem:$0x1C100] =	vst v63  }
0x1e3: {  	s16 =	simm.s32 $0x16100  }
0x1e4: {  	[tilespmem:s16], [sflag:$0xA] =	stream.indirect_vreg.gather [hbm4b:s31+s22], $0x80, v3, vm0, $0xb8;
	[tilespmem:$0x1C100] =	vst v63  }
0x1e5: {  	s23 =	simm.s32 $0x16900  }
0x1e6: {  	[tilespmem:s23], [sflag:$0xA] =	stream.indirect_vreg.gather [hbm4b:s7+s22], $0x80, v3, vm0, $0xb8;
	[tilespmem:$0x1C100] =	vst v63  }
0x1e7: {  	s14 =	simm.s32 $0x17100  }
0x1e8: {  	[tilespmem:s14], [sflag:$0xA] =	stream.indirect_vreg.gather [hbm4b:s8+s22], $0x80, v3, vm0, $0xb8;
	[tilespmem:$0x1C100] =	vst v63  }
0x1e9: {  	s15 =	simm.s32 $0x17900  }
0x1ea: {  	[tilespmem:s15], [sflag:$0xA] =	stream.indirect_vreg.gather [hbm4b:s9+s22], $0x80, v3, vm0, $0xb8;
	[tilespmem:$0x1C100] =	vst v63  }
0x1eb: {  	_ =	swait.ge [sflag:s28], $0x4000  }
0x1ec: {  	s16 =	simm.s32 $0x0;
	[sflag:s28] =	ssyncset.done $0x0  }
0x1ed: {  	s13 =	sand.u32 $0x2000, s16;
	[sflag:s28] =	ssyncadd.s32 $0xFFFFC000  }
0x1ee: {  	s14 =	sand.u32 $0x1C00, s22;
	s15 =	simm.s32 $0x0;
	_ =	swait.ge [sflag:s0], $0x4000  }
0x1ef: {  	s13 =	sor.u32 s14, s13;
	s23 =	sand.u32 $0x380, s15;
	[sflag:s0] =	ssyncset.done $0x0  }
0x1f0: {  	s23 =	sor.u32 s23, s13;
	[sflag:s0] =	ssyncadd.s32 $0xFFFFC000  }
0x1f1: {  	v3 =	vld [tilespmem:s23+$0x10170]  }
0x1f2: {  	v8 =	vld [tilespmem:s23+$0x10100]  }
0x1f3: {  	v9 =	vld [tilespmem:s23+$0x10110]  }
0x1f4: {  	v7 =	vld [tilespmem:s23+$0x10120]  }
0x1f5: {  	v6 =	vld [tilespmem:s23+$0x10130]  }
0x1f6: {  	v5 =	vld [tilespmem:s23+$0x10140]  }
0x1f7: {  	v4 =	vld [tilespmem:s23+$0x10160]  }
0x1f8: {  	[tilespmem:s23+$0x8170] =	vst.add.f32.msk $0xffff, v3  }
0x1f9: {  	v3 =	vld [tilespmem:s23+$0x10150]  }
0x1fa: {  	[tilespmem:s23+$0x8100] =	vst.add.f32.msk $0xffff, v8  }
0x1fb: {  	s13 =	simm.s32 $0x0;
	[tilespmem:s23+$0x8110] =	vst.add.f32.msk $0xffff, v9  }
.LBB2_14:
0x1fc: {  	s13 =	sadd.s32 $0x8, s13;
	[tilespmem:s23+$0x8120] =	vst.add.f32.msk $0xffff, v7  }
0x1fd: {  	s22 =	sadd.s32 $0x400, s22;
	s14 =	sshll.u32 s13, $0x4;
	p0 =	slt.u32 s13, $0x3F8;
	[tilespmem:s23+$0x8130] =	vst.add.f32.msk $0xffff, v6  }
0x1fe: {  	s15 =	sand.u32 $0x1C00, s22;
	s16 =	sshll.u32 s13, $0x1;
	s14 =	sand.u32 $0x2000, s14;
	[tilespmem:s23+$0x8140] =	vst.add.f32.msk $0xffff, v5  }
0x1ff: {  	s14 =	sor.u32 s15, s14;
	s15 =	sand.u32 $0x380, s16;
	[tilespmem:s23+$0x8150] =	vst.add.f32.msk $0xffff, v3  }
0x200: {  	[tilespmem:s23+$0x8160] =	vst.add.f32.msk $0xffff, v4;
	s23 =	sor.u32 s15, s14  }
0x201: {  	v3 =	vld [tilespmem:s23+$0x10170]  }
0x202: {  	v8 =	vld [tilespmem:s23+$0x10100]  }
0x203: {  	v9 =	vld [tilespmem:s23+$0x10110]  }
0x204: {  	v7 =	vld [tilespmem:s23+$0x10120]  }
0x205: {  	v6 =	vld [tilespmem:s23+$0x10130]  }
0x206: {  	[tilespmem:s23+$0x8170] =	vst.add.f32.msk $0xffff, v3  }
.Ltmp6:
0x207: {  	v5 =	vld [tilespmem:s23+$0x10140];
	(pc) =	sbr.rel @p0 .LBB2_14-.Ltmp6, $4  }
0x208: {  	v3 =	vld [tilespmem:s23+$0x10150]  }
0x209: {  	v4 =	vld [tilespmem:s23+$0x10160]  }
0x20a: {  	[tilespmem:s23+$0x8100] =	vst.add.f32.msk $0xffff, v8  }
0x20b: {  	[tilespmem:s23+$0x8110] =	vst.add.f32.msk $0xffff, v9  }
0x20c: {  	[tilespmem:s23+$0x8120] =	vst.add.f32.msk $0xffff, v7  }
0x20d: {  	[tilespmem:s23+$0x8130] =	vst.add.f32.msk $0xffff, v6  }
0x20e: {  	[tilespmem:s23+$0x8140] =	vst.add.f32.msk $0xffff, v5  }
0x20f: {  	[tilespmem:s23+$0x8150] =	vst.add.f32.msk $0xffff, v3  }
0x210: {  	[tilespmem:s23+$0x8160] =	vst.add.f32.msk $0xffff, v4  }
0x211: {  	s22 =	simm.s32 $0x0;
	s13 =	rddreg [dreg:$0x11]  }
0x212: {  	[hbm4b:s13+s22] =	stream.linear.scatter [tilespmem:s2], [sflag:$0x7], $0x4000, $0x38;
	[tilespmem:$0x1C100] =	vst v63  }
0x213: {  	_ =	swait.ge [sflag:s3], $0x4000  }
0x214: {  	[sflag:s3] =	ssyncset.done $0x0  }
0x215: {  	s15 =	rddreg [dreg:$0x12];
	[sflag:s3] =	ssyncadd.s32 $0xFFFFC000  }
0x216: {  	[tilespmem:s10], [sflag:$0x1] =	stream.linear.gather [hbm4b:s15+s22], $0x4000, $0x38;
	[tilespmem:$0x1C100] =	vst v63  }
0x217: {  	v3 =	vld [tilespmem:$0x80];
	_ =	sdelay $0x4  }
0x218: {  	v4 =	vshll.u32 v3, $0x3  }
0x219: {  	v3 =	vand.u32 $0x7, v3;
	v4 =	vand.u32 $0xFFFFFFC0, v4  }
0x21a: {  	v3 =	vor.u32 v3, v4  }
0x21b: {  	v4 =	vperm.xlane v3, v0;
	_ =	sdelay $0x1  }
0x21c: {  	v4 =	vadd.s32 v1, v4;
	_ =	sdelay $0x3  }
0x21d: {  	s16 =	simm.s32 $0x18100  }
0x21e: {  	[tilespmem:s16], [sflag:$0xB] =	stream.indirect_vreg.gather [hbm4b:s31+s22], $0x80, v4, vm0, $0xb8;
	[tilespmem:$0x1C100] =	vst v63  }
0x21f: {  	s23 =	simm.s32 $0x18900;
	v3 =	vperm.xlane v3, v2  }
0x220: {  	[tilespmem:s23], [sflag:$0xB] =	stream.indirect_vreg.gather [hbm4b:s7+s22], $0x80, v4, vm0, $0xb8;
	[tilespmem:$0x1C100] =	vst v63  }
0x221: {  	s14 =	simm.s32 $0x19100;
	v3 =	vadd.s32 v1, v3  }
0x222: {  	[tilespmem:s14], [sflag:$0xB] =	stream.indirect_vreg.gather [hbm4b:s8+s22], $0x80, v4, vm0, $0xb8;
	[tilespmem:$0x1C100] =	vst v63  }
0x223: {  	s15 =	simm.s32 $0x19900  }
0x224: {  	[tilespmem:s15], [sflag:$0xB] =	stream.indirect_vreg.gather [hbm4b:s9+s22], $0x80, v4, vm0, $0xb8;
	[tilespmem:$0x1C100] =	vst v63  }
0x225: {  	s16 =	simm.s32 $0x1A100  }
0x226: {  	[tilespmem:s16], [sflag:$0xB] =	stream.indirect_vreg.gather [hbm4b:s31+s22], $0x80, v3, vm0, $0xb8;
	[tilespmem:$0x1C100] =	vst v63  }
0x227: {  	s23 =	simm.s32 $0x1A900  }
0x228: {  	[tilespmem:s23], [sflag:$0xB] =	stream.indirect_vreg.gather [hbm4b:s7+s22], $0x80, v3, vm0, $0xb8;
	[tilespmem:$0x1C100] =	vst v63  }
0x229: {  	s14 =	simm.s32 $0x1B100  }
0x22a: {  	[tilespmem:s14], [sflag:$0xB] =	stream.indirect_vreg.gather [hbm4b:s8+s22], $0x80, v3, vm0, $0xb8;
	[tilespmem:$0x1C100] =	vst v63  }
0x22b: {  	s15 =	simm.s32 $0x1B900  }
0x22c: {  	[tilespmem:s15], [sflag:$0xB] =	stream.indirect_vreg.gather [hbm4b:s9+s22], $0x80, v3, vm0, $0xb8;
	[tilespmem:$0x1C100] =	vst v63  }
0x22d: {  	_ =	swait.ge [sflag:s4], $0x4000  }
0x22e: {  	s16 =	simm.s32 $0x0;
	[sflag:s4] =	ssyncset.done $0x0  }
0x22f: {  	s13 =	sand.u32 $0x2000, s16;
	[sflag:s4] =	ssyncadd.s32 $0xFFFFC000  }
0x230: {  	s14 =	sand.u32 $0x1C00, s22;
	s15 =	simm.s32 $0x0;
	_ =	swait.ge [sflag:s25], $0x4000  }
0x231: {  	s13 =	sor.u32 s14, s13;
	s23 =	sand.u32 $0x380, s15;
	[sflag:s25] =	ssyncset.done $0x0  }
0x232: {  	s23 =	sor.u32 s23, s13;
	[sflag:s25] =	ssyncadd.s32 $0xFFFFC000  }
0x233: {  	v3 =	vld [tilespmem:s23+$0x14170]  }
0x234: {  	v8 =	vld [tilespmem:s23+$0x14100]  }
0x235: {  	v9 =	vld [tilespmem:s23+$0x14110]  }
0x236: {  	v7 =	vld [tilespmem:s23+$0x14120]  }
0x237: {  	v6 =	vld [tilespmem:s23+$0x14130]  }
0x238: {  	v5 =	vld [tilespmem:s23+$0x14140]  }
0x239: {  	v4 =	vld [tilespmem:s23+$0x14160]  }
0x23a: {  	[tilespmem:s23+$0xC170] =	vst.add.f32.msk $0xffff, v3  }
0x23b: {  	v3 =	vld [tilespmem:s23+$0x14150]  }
0x23c: {  	[tilespmem:s23+$0xC100] =	vst.add.f32.msk $0xffff, v8  }
0x23d: {  	s13 =	simm.s32 $0x0;
	[tilespmem:s23+$0xC110] =	vst.add.f32.msk $0xffff, v9  }
.LBB2_16:
0x23e: {  	s13 =	sadd.s32 $0x8, s13;
	[tilespmem:s23+$0xC120] =	vst.add.f32.msk $0xffff, v7  }
0x23f: {  	s22 =	sadd.s32 $0x400, s22;
	s14 =	sshll.u32 s13, $0x4;
	p0 =	slt.u32 s13, $0x3F8;
	[tilespmem:s23+$0xC130] =	vst.add.f32.msk $0xffff, v6  }
0x240: {  	s15 =	sand.u32 $0x1C00, s22;
	s16 =	sshll.u32 s13, $0x1;
	s14 =	sand.u32 $0x2000, s14;
	[tilespmem:s23+$0xC140] =	vst.add.f32.msk $0xffff, v5  }
0x241: {  	s14 =	sor.u32 s15, s14;
	s15 =	sand.u32 $0x380, s16;
	[tilespmem:s23+$0xC150] =	vst.add.f32.msk $0xffff, v3  }
0x242: {  	[tilespmem:s23+$0xC160] =	vst.add.f32.msk $0xffff, v4;
	s23 =	sor.u32 s15, s14  }
0x243: {  	v3 =	vld [tilespmem:s23+$0x14170]  }
0x244: {  	v8 =	vld [tilespmem:s23+$0x14100]  }
0x245: {  	v9 =	vld [tilespmem:s23+$0x14110]  }
0x246: {  	v7 =	vld [tilespmem:s23+$0x14120]  }
0x247: {  	v6 =	vld [tilespmem:s23+$0x14130]  }
0x248: {  	[tilespmem:s23+$0xC170] =	vst.add.f32.msk $0xffff, v3  }
.Ltmp7:
0x249: {  	v5 =	vld [tilespmem:s23+$0x14140];
	(pc) =	sbr.rel @p0 .LBB2_16-.Ltmp7, $4  }
0x24a: {  	v3 =	vld [tilespmem:s23+$0x14150]  }
0x24b: {  	v4 =	vld [tilespmem:s23+$0x14160]  }
0x24c: {  	[tilespmem:s23+$0xC100] =	vst.add.f32.msk $0xffff, v8  }
0x24d: {  	[tilespmem:s23+$0xC110] =	vst.add.f32.msk $0xffff, v9  }
0x24e: {  	[tilespmem:s23+$0xC120] =	vst.add.f32.msk $0xffff, v7  }
0x24f: {  	[tilespmem:s23+$0xC130] =	vst.add.f32.msk $0xffff, v6  }
0x250: {  	[tilespmem:s23+$0xC140] =	vst.add.f32.msk $0xffff, v5  }
0x251: {  	[tilespmem:s23+$0xC150] =	vst.add.f32.msk $0xffff, v3  }
0x252: {  	[tilespmem:s23+$0xC160] =	vst.add.f32.msk $0xffff, v4  }
0x253: {  	s22 =	simm.s32 $0x0;
	s13 =	rddreg [dreg:$0x13]  }
0x254: {  	[hbm4b:s13+s22] =	stream.linear.scatter [tilespmem:s26], [sflag:$0x8], $0x4000, $0x38;
	[tilespmem:$0x1C100] =	vst v63  }
0x255: {  	_ =	swait.ge [sflag:s5], $0x4000  }
0x256: {  	[sflag:s5] =	ssyncset.done $0x0  }
0x257: {  	s15 =	rddreg [dreg:$0x14];
	[sflag:s5] =	ssyncadd.s32 $0xFFFFC000  }
0x258: {  	[tilespmem:s11], [sflag:$0x2] =	stream.linear.gather [hbm4b:s15+s22], $0x4000, $0x38;
	[tilespmem:$0x1C100] =	vst v63  }
0x259: {  	v3 =	vld [tilespmem:$0x90];
	_ =	sdelay $0x4  }
0x25a: {  	v4 =	vshll.u32 v3, $0x3  }
0x25b: {  	v3 =	vand.u32 $0x7, v3;
	v4 =	vand.u32 $0xFFFFFFC0, v4  }
0x25c: {  	v3 =	vor.u32 v3, v4  }
0x25d: {  	v4 =	vperm.xlane v3, v0;
	_ =	sdelay $0x1  }
0x25e: {  	v4 =	vadd.s32 v1, v4;
	_ =	sdelay $0x3  }
0x25f: {  	s16 =	simm.s32 $0x10100  }
0x260: {  	[tilespmem:s16], [sflag:$0x9] =	stream.indirect_vreg.gather [hbm4b:s31+s22], $0x80, v4, vm0, $0xb8;
	[tilespmem:$0x1C100] =	vst v63  }
0x261: {  	s23 =	simm.s32 $0x10900;
	v3 =	vperm.xlane v3, v2  }
0x262: {  	[tilespmem:s23], [sflag:$0x9] =	stream.indirect_vreg.gather [hbm4b:s7+s22], $0x80, v4, vm0, $0xb8;
	[tilespmem:$0x1C100] =	vst v63  }
0x263: {  	s14 =	simm.s32 $0x11100;
	v3 =	vadd.s32 v1, v3  }
0x264: {  	[tilespmem:s14], [sflag:$0x9] =	stream.indirect_vreg.gather [hbm4b:s8+s22], $0x80, v4, vm0, $0xb8;
	[tilespmem:$0x1C100] =	vst v63  }
0x265: {  	s15 =	simm.s32 $0x11900  }
0x266: {  	[tilespmem:s15], [sflag:$0x9] =	stream.indirect_vreg.gather [hbm4b:s9+s22], $0x80, v4, vm0, $0xb8;
	[tilespmem:$0x1C100] =	vst v63  }
0x267: {  	_ = 	snop  }
0x268: {  	[tilespmem:s17], [sflag:$0x9] =	stream.indirect_vreg.gather [hbm4b:s31+s22], $0x80, v3, vm0, $0xb8;
	[tilespmem:$0x1C100] =	vst v63  }
0x269: {  	_ = 	snop  }
0x26a: {  	[tilespmem:s18], [sflag:$0x9] =	stream.indirect_vreg.gather [hbm4b:s7+s22], $0x80, v3, vm0, $0xb8;
	[tilespmem:$0x1C100] =	vst v63  }
0x26b: {  	_ = 	snop  }
0x26c: {  	[tilespmem:s19], [sflag:$0x9] =	stream.indirect_vreg.gather [hbm4b:s8+s22], $0x80, v3, vm0, $0xb8;
	[tilespmem:$0x1C100] =	vst v63  }
0x26d: {  	_ = 	snop  }
0x26e: {  	[tilespmem:s20], [sflag:$0x9] =	stream.indirect_vreg.gather [hbm4b:s9+s22], $0x80, v3, vm0, $0xb8;
	[tilespmem:$0x1C100] =	vst v63  }
0x26f: {  	_ =	swait.ge [sflag:s30], $0x4000  }
0x270: {  	s16 =	simm.s32 $0x0;
	[sflag:s30] =	ssyncset.done $0x0  }
0x271: {  	s13 =	sand.u32 $0x2000, s16;
	[sflag:s30] =	ssyncadd.s32 $0xFFFFC000  }
0x272: {  	s14 =	sand.u32 $0x1C00, s22;
	s15 =	simm.s32 $0x0;
	_ =	swait.ge [sflag:s29], $0x4000  }
0x273: {  	s13 =	sor.u32 s14, s13;
	s23 =	sand.u32 $0x380, s15;
	[sflag:s29] =	ssyncset.done $0x0  }
0x274: {  	s23 =	sor.u32 s23, s13;
	[sflag:s29] =	ssyncadd.s32 $0xFFFFC000  }
0x275: {  	v3 =	vld [tilespmem:s23+$0x18170]  }
0x276: {  	v8 =	vld [tilespmem:s23+$0x18100]  }
0x277: {  	v9 =	vld [tilespmem:s23+$0x18110]  }
0x278: {  	v7 =	vld [tilespmem:s23+$0x18120]  }
0x279: {  	v6 =	vld [tilespmem:s23+$0x18130]  }
0x27a: {  	v5 =	vld [tilespmem:s23+$0x18140]  }
0x27b: {  	v4 =	vld [tilespmem:s23+$0x18160]  }
0x27c: {  	[tilespmem:s23+$0x170] =	vst.add.f32.msk $0xffff, v3  }
0x27d: {  	v3 =	vld [tilespmem:s23+$0x18150]  }
0x27e: {  	[tilespmem:s23+$0x100] =	vst.add.f32.msk $0xffff, v8  }
0x27f: {  	s13 =	simm.s32 $0x0;
	[tilespmem:s23+$0x110] =	vst.add.f32.msk $0xffff, v9  }
.LBB2_18:
0x280: {  	s13 =	sadd.s32 $0x8, s13;
	[tilespmem:s23+$0x120] =	vst.add.f32.msk $0xffff, v7  }
0x281: {  	s22 =	sadd.s32 $0x400, s22;
	s14 =	sshll.u32 s13, $0x4;
	p0 =	slt.u32 s13, $0x3F8;
	[tilespmem:s23+$0x130] =	vst.add.f32.msk $0xffff, v6  }
0x282: {  	s15 =	sand.u32 $0x1C00, s22;
	s16 =	sshll.u32 s13, $0x1;
	s14 =	sand.u32 $0x2000, s14;
	[tilespmem:s23+$0x140] =	vst.add.f32.msk $0xffff, v5  }
0x283: {  	s14 =	sor.u32 s15, s14;
	s15 =	sand.u32 $0x380, s16;
	[tilespmem:s23+$0x150] =	vst.add.f32.msk $0xffff, v3  }
0x284: {  	[tilespmem:s23+$0x160] =	vst.add.f32.msk $0xffff, v4;
	s23 =	sor.u32 s15, s14  }
0x285: {  	v3 =	vld [tilespmem:s23+$0x18170]  }
0x286: {  	v8 =	vld [tilespmem:s23+$0x18100]  }
0x287: {  	v9 =	vld [tilespmem:s23+$0x18110]  }
0x288: {  	v7 =	vld [tilespmem:s23+$0x18120]  }
0x289: {  	v6 =	vld [tilespmem:s23+$0x18130]  }
0x28a: {  	[tilespmem:s23+$0x170] =	vst.add.f32.msk $0xffff, v3  }
.Ltmp8:
0x28b: {  	v5 =	vld [tilespmem:s23+$0x18140];
	(pc) =	sbr.rel @p0 .LBB2_18-.Ltmp8, $4  }
0x28c: {  	v3 =	vld [tilespmem:s23+$0x18150]  }
0x28d: {  	v4 =	vld [tilespmem:s23+$0x18160]  }
0x28e: {  	[tilespmem:s23+$0x100] =	vst.add.f32.msk $0xffff, v8  }
0x28f: {  	[tilespmem:s23+$0x110] =	vst.add.f32.msk $0xffff, v9  }
0x290: {  	[tilespmem:s23+$0x120] =	vst.add.f32.msk $0xffff, v7  }
0x291: {  	[tilespmem:s23+$0x130] =	vst.add.f32.msk $0xffff, v6  }
0x292: {  	[tilespmem:s23+$0x140] =	vst.add.f32.msk $0xffff, v5  }
0x293: {  	[tilespmem:s23+$0x150] =	vst.add.f32.msk $0xffff, v3  }
0x294: {  	[tilespmem:s23+$0x160] =	vst.add.f32.msk $0xffff, v4  }
0x295: {  	s22 =	simm.s32 $0x0;
	s13 =	rddreg [dreg:$0x15]  }
0x296: {  	[hbm4b:s13+s22] =	stream.linear.scatter [tilespmem:s10], [sflag:$0x5], $0x4000, $0x38;
	[tilespmem:$0x1C100] =	vst v63  }
0x297: {  	_ =	swait.ge [sflag:s6], $0x4000  }
0x298: {  	[sflag:s6] =	ssyncset.done $0x0  }
0x299: {  	s15 =	rddreg [dreg:$0x17];
	[sflag:s6] =	ssyncadd.s32 $0xFFFFC000  }
0x29a: {  	[tilespmem:s2], [sflag:$0x3] =	stream.linear.gather [hbm4b:s15+s22], $0x4000, $0x38;
	[tilespmem:$0x1C100] =	vst v63  }
0x29b: {  	v3 =	vld [tilespmem:$0xA0];
	_ =	sdelay $0x4  }
0x29c: {  	v4 =	vshll.u32 v3, $0x3  }
0x29d: {  	v3 =	vand.u32 $0x7, v3;
	v4 =	vand.u32 $0xFFFFFFC0, v4  }
0x29e: {  	v3 =	vor.u32 v3, v4  }
0x29f: {  	v4 =	vperm.xlane v3, v0;
	_ =	sdelay $0x1  }
0x2a0: {  	v4 =	vadd.s32 v1, v4;
	_ =	sdelay $0x3  }
0x2a1: {  	s16 =	simm.s32 $0x14100  }
0x2a2: {  	[tilespmem:s16], [sflag:$0xA] =	stream.indirect_vreg.gather [hbm4b:s31+s22], $0x80, v4, vm0, $0xb8;
	[tilespmem:$0x1C100] =	vst v63  }
0x2a3: {  	s23 =	simm.s32 $0x14900;
	v3 =	vperm.xlane v3, v2  }
0x2a4: {  	[tilespmem:s23], [sflag:$0xA] =	stream.indirect_vreg.gather [hbm4b:s7+s22], $0x80, v4, vm0, $0xb8;
	[tilespmem:$0x1C100] =	vst v63  }
0x2a5: {  	s14 =	simm.s32 $0x15100;
	v3 =	vadd.s32 v1, v3  }
0x2a6: {  	[tilespmem:s14], [sflag:$0xA] =	stream.indirect_vreg.gather [hbm4b:s8+s22], $0x80, v4, vm0, $0xb8;
	[tilespmem:$0x1C100] =	vst v63  }
0x2a7: {  	s15 =	simm.s32 $0x15900  }
0x2a8: {  	[tilespmem:s15], [sflag:$0xA] =	stream.indirect_vreg.gather [hbm4b:s9+s22], $0x80, v4, vm0, $0xb8;
	[tilespmem:$0x1C100] =	vst v63  }
0x2a9: {  	s16 =	simm.s32 $0x16100  }
0x2aa: {  	[tilespmem:s16], [sflag:$0xA] =	stream.indirect_vreg.gather [hbm4b:s31+s22], $0x80, v3, vm0, $0xb8;
	[tilespmem:$0x1C100] =	vst v63  }
0x2ab: {  	s23 =	simm.s32 $0x16900  }
0x2ac: {  	[tilespmem:s23], [sflag:$0xA] =	stream.indirect_vreg.gather [hbm4b:s7+s22], $0x80, v3, vm0, $0xb8;
	[tilespmem:$0x1C100] =	vst v63  }
0x2ad: {  	s14 =	simm.s32 $0x17100  }
0x2ae: {  	[tilespmem:s14], [sflag:$0xA] =	stream.indirect_vreg.gather [hbm4b:s8+s22], $0x80, v3, vm0, $0xb8;
	[tilespmem:$0x1C100] =	vst v63  }
0x2af: {  	s15 =	simm.s32 $0x17900  }
0x2b0: {  	[tilespmem:s15], [sflag:$0xA] =	stream.indirect_vreg.gather [hbm4b:s9+s22], $0x80, v3, vm0, $0xb8;
	[tilespmem:$0x1C100] =	vst v63  }
0x2b1: {  	_ =	swait.ge [sflag:s24], $0x4000  }
0x2b2: {  	s16 =	simm.s32 $0x0;
	[sflag:s24] =	ssyncset.done $0x0  }
0x2b3: {  	s13 =	sand.u32 $0x2000, s16;
	[sflag:s24] =	ssyncadd.s32 $0xFFFFC000  }
0x2b4: {  	s14 =	sand.u32 $0x1C00, s22;
	s15 =	simm.s32 $0x0;
	_ =	swait.ge [sflag:s0], $0x4000  }
0x2b5: {  	s13 =	sor.u32 s14, s13;
	s23 =	sand.u32 $0x380, s15;
	[sflag:s0] =	ssyncset.done $0x0  }
0x2b6: {  	s23 =	sor.u32 s23, s13;
	[sflag:s0] =	ssyncadd.s32 $0xFFFFC000  }
0x2b7: {  	v3 =	vld [tilespmem:s23+$0x10170]  }
0x2b8: {  	v8 =	vld [tilespmem:s23+$0x10100]  }
0x2b9: {  	v9 =	vld [tilespmem:s23+$0x10110]  }
0x2ba: {  	v7 =	vld [tilespmem:s23+$0x10120]  }
0x2bb: {  	v6 =	vld [tilespmem:s23+$0x10130]  }
0x2bc: {  	v5 =	vld [tilespmem:s23+$0x10140]  }
0x2bd: {  	v4 =	vld [tilespmem:s23+$0x10160]  }
0x2be: {  	[tilespmem:s23+$0x4170] =	vst.add.f32.msk $0xffff, v3  }
0x2bf: {  	v3 =	vld [tilespmem:s23+$0x10150]  }
0x2c0: {  	[tilespmem:s23+$0x4100] =	vst.add.f32.msk $0xffff, v8  }
0x2c1: {  	s13 =	simm.s32 $0x0;
	[tilespmem:s23+$0x4110] =	vst.add.f32.msk $0xffff, v9  }
.LBB2_20:
0x2c2: {  	s13 =	sadd.s32 $0x8, s13;
	[tilespmem:s23+$0x4120] =	vst.add.f32.msk $0xffff, v7  }
0x2c3: {  	s22 =	sadd.s32 $0x400, s22;
	s14 =	sshll.u32 s13, $0x4;
	p0 =	slt.u32 s13, $0x3F8;
	[tilespmem:s23+$0x4130] =	vst.add.f32.msk $0xffff, v6  }
0x2c4: {  	s15 =	sand.u32 $0x1C00, s22;
	s16 =	sshll.u32 s13, $0x1;
	s14 =	sand.u32 $0x2000, s14;
	[tilespmem:s23+$0x4140] =	vst.add.f32.msk $0xffff, v5  }
0x2c5: {  	s14 =	sor.u32 s15, s14;
	s15 =	sand.u32 $0x380, s16;
	[tilespmem:s23+$0x4150] =	vst.add.f32.msk $0xffff, v3  }
0x2c6: {  	[tilespmem:s23+$0x4160] =	vst.add.f32.msk $0xffff, v4;
	s23 =	sor.u32 s15, s14  }
0x2c7: {  	v3 =	vld [tilespmem:s23+$0x10170]  }
0x2c8: {  	v8 =	vld [tilespmem:s23+$0x10100]  }
0x2c9: {  	v9 =	vld [tilespmem:s23+$0x10110]  }
0x2ca: {  	v7 =	vld [tilespmem:s23+$0x10120]  }
0x2cb: {  	v6 =	vld [tilespmem:s23+$0x10130]  }
0x2cc: {  	[tilespmem:s23+$0x4170] =	vst.add.f32.msk $0xffff, v3  }
.Ltmp9:
0x2cd: {  	v5 =	vld [tilespmem:s23+$0x10140];
	(pc) =	sbr.rel @p0 .LBB2_20-.Ltmp9, $4  }
0x2ce: {  	v3 =	vld [tilespmem:s23+$0x10150]  }
0x2cf: {  	v4 =	vld [tilespmem:s23+$0x10160]  }
0x2d0: {  	[tilespmem:s23+$0x4100] =	vst.add.f32.msk $0xffff, v8  }
0x2d1: {  	[tilespmem:s23+$0x4110] =	vst.add.f32.msk $0xffff, v9  }
0x2d2: {  	[tilespmem:s23+$0x4120] =	vst.add.f32.msk $0xffff, v7  }
0x2d3: {  	[tilespmem:s23+$0x4130] =	vst.add.f32.msk $0xffff, v6  }
0x2d4: {  	[tilespmem:s23+$0x4140] =	vst.add.f32.msk $0xffff, v5  }
0x2d5: {  	[tilespmem:s23+$0x4150] =	vst.add.f32.msk $0xffff, v3  }
0x2d6: {  	[tilespmem:s23+$0x4160] =	vst.add.f32.msk $0xffff, v4  }
0x2d7: {  	s22 =	simm.s32 $0x0;
	s13 =	rddreg [dreg:$0x16]  }
0x2d8: {  	[hbm4b:s13+s22] =	stream.linear.scatter [tilespmem:s11], [sflag:$0x6], $0x4000, $0x38;
	[tilespmem:$0x1C100] =	vst v63  }
0x2d9: {  	_ =	swait.ge [sflag:s12], $0x4000  }
0x2da: {  	[sflag:s12] =	ssyncset.done $0x0  }
0x2db: {  	s15 =	rddreg [dreg:$0x19];
	[sflag:s12] =	ssyncadd.s32 $0xFFFFC000  }
0x2dc: {  	[tilespmem:s26], [sflag:$0x4] =	stream.linear.gather [hbm4b:s15+s22], $0x4000, $0x38;
	[tilespmem:$0x1C100] =	vst v63  }
0x2dd: {  	v3 =	vld [tilespmem:$0xB0];
	_ =	sdelay $0x4  }
0x2de: {  	v4 =	vshll.u32 v3, $0x3  }
0x2df: {  	v3 =	vand.u32 $0x7, v3;
	v4 =	vand.u32 $0xFFFFFFC0, v4  }
0x2e0: {  	v3 =	vor.u32 v3, v4  }
0x2e1: {  	v4 =	vperm.xlane v3, v0;
	_ =	sdelay $0x1  }
0x2e2: {  	v4 =	vadd.s32 v1, v4;
	_ =	sdelay $0x3  }
0x2e3: {  	s16 =	simm.s32 $0x18100  }
0x2e4: {  	[tilespmem:s16], [sflag:$0xB] =	stream.indirect_vreg.gather [hbm4b:s31+s22], $0x80, v4, vm0, $0xb8;
	[tilespmem:$0x1C100] =	vst v63  }
0x2e5: {  	s23 =	simm.s32 $0x18900;
	v3 =	vperm.xlane v3, v2  }
0x2e6: {  	[tilespmem:s23], [sflag:$0xB] =	stream.indirect_vreg.gather [hbm4b:s7+s22], $0x80, v4, vm0, $0xb8;
	[tilespmem:$0x1C100] =	vst v63  }
0x2e7: {  	s14 =	simm.s32 $0x19100;
	v3 =	vadd.s32 v1, v3  }
0x2e8: {  	[tilespmem:s14], [sflag:$0xB] =	stream.indirect_vreg.gather [hbm4b:s8+s22], $0x80, v4, vm0, $0xb8;
	[tilespmem:$0x1C100] =	vst v63  }
0x2e9: {  	s15 =	simm.s32 $0x19900  }
0x2ea: {  	[tilespmem:s15], [sflag:$0xB] =	stream.indirect_vreg.gather [hbm4b:s9+s22], $0x80, v4, vm0, $0xb8;
	[tilespmem:$0x1C100] =	vst v63  }
0x2eb: {  	s16 =	simm.s32 $0x1A100  }
0x2ec: {  	[tilespmem:s16], [sflag:$0xB] =	stream.indirect_vreg.gather [hbm4b:s31+s22], $0x80, v3, vm0, $0xb8;
	[tilespmem:$0x1C100] =	vst v63  }
0x2ed: {  	s23 =	simm.s32 $0x1A900  }
0x2ee: {  	[tilespmem:s23], [sflag:$0xB] =	stream.indirect_vreg.gather [hbm4b:s7+s22], $0x80, v3, vm0, $0xb8;
	[tilespmem:$0x1C100] =	vst v63  }
0x2ef: {  	s14 =	simm.s32 $0x1B100  }
0x2f0: {  	[tilespmem:s14], [sflag:$0xB] =	stream.indirect_vreg.gather [hbm4b:s8+s22], $0x80, v3, vm0, $0xb8;
	[tilespmem:$0x1C100] =	vst v63  }
0x2f1: {  	s15 =	simm.s32 $0x1B900  }
0x2f2: {  	[tilespmem:s15], [sflag:$0xB] =	stream.indirect_vreg.gather [hbm4b:s9+s22], $0x80, v3, vm0, $0xb8;
	[tilespmem:$0x1C100] =	vst v63  }
0x2f3: {  	_ =	swait.ge [sflag:s28], $0x4000  }
0x2f4: {  	s16 =	simm.s32 $0x0;
	[sflag:s28] =	ssyncset.done $0x0  }
0x2f5: {  	s13 =	sand.u32 $0x2000, s16;
	[sflag:s28] =	ssyncadd.s32 $0xFFFFC000  }
0x2f6: {  	s14 =	sand.u32 $0x1C00, s22;
	s15 =	simm.s32 $0x0;
	_ =	swait.ge [sflag:s25], $0x4000  }
0x2f7: {  	s13 =	sor.u32 s14, s13;
	s23 =	sand.u32 $0x380, s15;
	[sflag:s25] =	ssyncset.done $0x0  }
0x2f8: {  	s23 =	sor.u32 s23, s13;
	[sflag:s25] =	ssyncadd.s32 $0xFFFFC000  }
0x2f9: {  	v3 =	vld [tilespmem:s23+$0x14170]  }
0x2fa: {  	v8 =	vld [tilespmem:s23+$0x14100]  }
0x2fb: {  	v9 =	vld [tilespmem:s23+$0x14110]  }
0x2fc: {  	v7 =	vld [tilespmem:s23+$0x14120]  }
0x2fd: {  	v6 =	vld [tilespmem:s23+$0x14130]  }
0x2fe: {  	v5 =	vld [tilespmem:s23+$0x14140]  }
0x2ff: {  	v4 =	vld [tilespmem:s23+$0x14160]  }
0x300: {  	[tilespmem:s23+$0x8170] =	vst.add.f32.msk $0xffff, v3  }
0x301: {  	v3 =	vld [tilespmem:s23+$0x14150]  }
0x302: {  	[tilespmem:s23+$0x8100] =	vst.add.f32.msk $0xffff, v8  }
0x303: {  	s13 =	simm.s32 $0x0;
	[tilespmem:s23+$0x8110] =	vst.add.f32.msk $0xffff, v9  }
.LBB2_22:
0x304: {  	s13 =	sadd.s32 $0x8, s13;
	[tilespmem:s23+$0x8120] =	vst.add.f32.msk $0xffff, v7  }
0x305: {  	s22 =	sadd.s32 $0x400, s22;
	s14 =	sshll.u32 s13, $0x4;
	p0 =	slt.u32 s13, $0x3F8;
	[tilespmem:s23+$0x8130] =	vst.add.f32.msk $0xffff, v6  }
0x306: {  	s15 =	sand.u32 $0x1C00, s22;
	s16 =	sshll.u32 s13, $0x1;
	s14 =	sand.u32 $0x2000, s14;
	[tilespmem:s23+$0x8140] =	vst.add.f32.msk $0xffff, v5  }
0x307: {  	s14 =	sor.u32 s15, s14;
	s15 =	sand.u32 $0x380, s16;
	[tilespmem:s23+$0x8150] =	vst.add.f32.msk $0xffff, v3  }
0x308: {  	[tilespmem:s23+$0x8160] =	vst.add.f32.msk $0xffff, v4;
	s23 =	sor.u32 s15, s14  }
0x309: {  	v3 =	vld [tilespmem:s23+$0x14170]  }
0x30a: {  	v8 =	vld [tilespmem:s23+$0x14100]  }
0x30b: {  	v9 =	vld [tilespmem:s23+$0x14110]  }
0x30c: {  	v7 =	vld [tilespmem:s23+$0x14120]  }
0x30d: {  	v6 =	vld [tilespmem:s23+$0x14130]  }
0x30e: {  	[tilespmem:s23+$0x8170] =	vst.add.f32.msk $0xffff, v3  }
.Ltmp10:
0x30f: {  	v5 =	vld [tilespmem:s23+$0x14140];
	(pc) =	sbr.rel @p0 .LBB2_22-.Ltmp10, $4  }
0x310: {  	v3 =	vld [tilespmem:s23+$0x14150]  }
0x311: {  	v4 =	vld [tilespmem:s23+$0x14160]  }
0x312: {  	[tilespmem:s23+$0x8100] =	vst.add.f32.msk $0xffff, v8  }
0x313: {  	[tilespmem:s23+$0x8110] =	vst.add.f32.msk $0xffff, v9  }
0x314: {  	[tilespmem:s23+$0x8120] =	vst.add.f32.msk $0xffff, v7  }
0x315: {  	[tilespmem:s23+$0x8130] =	vst.add.f32.msk $0xffff, v6  }
0x316: {  	[tilespmem:s23+$0x8140] =	vst.add.f32.msk $0xffff, v5  }
0x317: {  	[tilespmem:s23+$0x8150] =	vst.add.f32.msk $0xffff, v3  }
0x318: {  	[tilespmem:s23+$0x8160] =	vst.add.f32.msk $0xffff, v4  }
0x319: {  	s22 =	simm.s32 $0x0;
	s13 =	rddreg [dreg:$0x18]  }
0x31a: {  	[hbm4b:s13+s22] =	stream.linear.scatter [tilespmem:s2], [sflag:$0x7], $0x4000, $0x38;
	[tilespmem:$0x1C100] =	vst v63  }
0x31b: {  	_ =	swait.ge [sflag:s3], $0x4000  }
0x31c: {  	[sflag:s3] =	ssyncset.done $0x0  }
0x31d: {  	s15 =	rddreg [dreg:$0x1b];
	[sflag:s3] =	ssyncadd.s32 $0xFFFFC000  }
0x31e: {  	[tilespmem:s10], [sflag:$0x1] =	stream.linear.gather [hbm4b:s15+s22], $0x4000, $0x38;
	[tilespmem:$0x1C100] =	vst v63  }
0x31f: {  	v3 =	vld [tilespmem:$0xC0];
	_ =	sdelay $0x4  }
0x320: {  	v4 =	vshll.u32 v3, $0x3  }
0x321: {  	v3 =	vand.u32 $0x7, v3;
	v4 =	vand.u32 $0xFFFFFFC0, v4  }
0x322: {  	v3 =	vor.u32 v3, v4  }
0x323: {  	v4 =	vperm.xlane v3, v0;
	_ =	sdelay $0x1  }
0x324: {  	v4 =	vadd.s32 v1, v4;
	_ =	sdelay $0x3  }
0x325: {  	s16 =	simm.s32 $0x10100  }
0x326: {  	[tilespmem:s16], [sflag:$0x9] =	stream.indirect_vreg.gather [hbm4b:s31+s22], $0x80, v4, vm0, $0xb8;
	[tilespmem:$0x1C100] =	vst v63  }
0x327: {  	s23 =	simm.s32 $0x10900;
	v3 =	vperm.xlane v3, v2  }
0x328: {  	[tilespmem:s23], [sflag:$0x9] =	stream.indirect_vreg.gather [hbm4b:s7+s22], $0x80, v4, vm0, $0xb8;
	[tilespmem:$0x1C100] =	vst v63  }
0x329: {  	s14 =	simm.s32 $0x11100;
	v3 =	vadd.s32 v1, v3  }
0x32a: {  	[tilespmem:s14], [sflag:$0x9] =	stream.indirect_vreg.gather [hbm4b:s8+s22], $0x80, v4, vm0, $0xb8;
	[tilespmem:$0x1C100] =	vst v63  }
0x32b: {  	s15 =	simm.s32 $0x11900  }
0x32c: {  	[tilespmem:s15], [sflag:$0x9] =	stream.indirect_vreg.gather [hbm4b:s9+s22], $0x80, v4, vm0, $0xb8;
	[tilespmem:$0x1C100] =	vst v63  }
0x32d: {  	_ = 	snop  }
0x32e: {  	[tilespmem:s17], [sflag:$0x9] =	stream.indirect_vreg.gather [hbm4b:s31+s22], $0x80, v3, vm0, $0xb8;
	[tilespmem:$0x1C100] =	vst v63  }
0x32f: {  	_ = 	snop  }
0x330: {  	[tilespmem:s18], [sflag:$0x9] =	stream.indirect_vreg.gather [hbm4b:s7+s22], $0x80, v3, vm0, $0xb8;
	[tilespmem:$0x1C100] =	vst v63  }
0x331: {  	_ = 	snop  }
0x332: {  	[tilespmem:s19], [sflag:$0x9] =	stream.indirect_vreg.gather [hbm4b:s8+s22], $0x80, v3, vm0, $0xb8;
	[tilespmem:$0x1C100] =	vst v63  }
0x333: {  	_ = 	snop  }
0x334: {  	[tilespmem:s20], [sflag:$0x9] =	stream.indirect_vreg.gather [hbm4b:s9+s22], $0x80, v3, vm0, $0xb8;
	[tilespmem:$0x1C100] =	vst v63  }
0x335: {  	_ =	swait.ge [sflag:s4], $0x4000  }
0x336: {  	s16 =	simm.s32 $0x0;
	[sflag:s4] =	ssyncset.done $0x0  }
0x337: {  	s13 =	sand.u32 $0x2000, s16;
	[sflag:s4] =	ssyncadd.s32 $0xFFFFC000  }
0x338: {  	s14 =	sand.u32 $0x1C00, s22;
	s15 =	simm.s32 $0x0;
	_ =	swait.ge [sflag:s29], $0x4000  }
0x339: {  	s13 =	sor.u32 s14, s13;
	s23 =	sand.u32 $0x380, s15;
	[sflag:s29] =	ssyncset.done $0x0  }
0x33a: {  	s23 =	sor.u32 s23, s13;
	[sflag:s29] =	ssyncadd.s32 $0xFFFFC000  }
0x33b: {  	v3 =	vld [tilespmem:s23+$0x18170]  }
0x33c: {  	v8 =	vld [tilespmem:s23+$0x18100]  }
0x33d: {  	v9 =	vld [tilespmem:s23+$0x18110]  }
0x33e: {  	v7 =	vld [tilespmem:s23+$0x18120]  }
0x33f: {  	v6 =	vld [tilespmem:s23+$0x18130]  }
0x340: {  	v5 =	vld [tilespmem:s23+$0x18140]  }
0x341: {  	v4 =	vld [tilespmem:s23+$0x18160]  }
0x342: {  	[tilespmem:s23+$0xC170] =	vst.add.f32.msk $0xffff, v3  }
0x343: {  	v3 =	vld [tilespmem:s23+$0x18150]  }
0x344: {  	[tilespmem:s23+$0xC100] =	vst.add.f32.msk $0xffff, v8  }
0x345: {  	s13 =	simm.s32 $0x0;
	[tilespmem:s23+$0xC110] =	vst.add.f32.msk $0xffff, v9  }
.LBB2_24:
0x346: {  	s13 =	sadd.s32 $0x8, s13;
	[tilespmem:s23+$0xC120] =	vst.add.f32.msk $0xffff, v7  }
0x347: {  	s22 =	sadd.s32 $0x400, s22;
	s14 =	sshll.u32 s13, $0x4;
	p0 =	slt.u32 s13, $0x3F8;
	[tilespmem:s23+$0xC130] =	vst.add.f32.msk $0xffff, v6  }
0x348: {  	s15 =	sand.u32 $0x1C00, s22;
	s16 =	sshll.u32 s13, $0x1;
	s14 =	sand.u32 $0x2000, s14;
	[tilespmem:s23+$0xC140] =	vst.add.f32.msk $0xffff, v5  }
0x349: {  	s14 =	sor.u32 s15, s14;
	s15 =	sand.u32 $0x380, s16;
	[tilespmem:s23+$0xC150] =	vst.add.f32.msk $0xffff, v3  }
0x34a: {  	[tilespmem:s23+$0xC160] =	vst.add.f32.msk $0xffff, v4;
	s23 =	sor.u32 s15, s14  }
0x34b: {  	v3 =	vld [tilespmem:s23+$0x18170]  }
0x34c: {  	v8 =	vld [tilespmem:s23+$0x18100]  }
0x34d: {  	v9 =	vld [tilespmem:s23+$0x18110]  }
0x34e: {  	v7 =	vld [tilespmem:s23+$0x18120]  }
0x34f: {  	v6 =	vld [tilespmem:s23+$0x18130]  }
0x350: {  	[tilespmem:s23+$0xC170] =	vst.add.f32.msk $0xffff, v3  }
.Ltmp11:
0x351: {  	v5 =	vld [tilespmem:s23+$0x18140];
	(pc) =	sbr.rel @p0 .LBB2_24-.Ltmp11, $4  }
0x352: {  	v3 =	vld [tilespmem:s23+$0x18150]  }
0x353: {  	v4 =	vld [tilespmem:s23+$0x18160]  }
0x354: {  	[tilespmem:s23+$0xC100] =	vst.add.f32.msk $0xffff, v8  }
0x355: {  	[tilespmem:s23+$0xC110] =	vst.add.f32.msk $0xffff, v9  }
0x356: {  	[tilespmem:s23+$0xC120] =	vst.add.f32.msk $0xffff, v7  }
0x357: {  	[tilespmem:s23+$0xC130] =	vst.add.f32.msk $0xffff, v6  }
0x358: {  	[tilespmem:s23+$0xC140] =	vst.add.f32.msk $0xffff, v5  }
0x359: {  	[tilespmem:s23+$0xC150] =	vst.add.f32.msk $0xffff, v3  }
0x35a: {  	[tilespmem:s23+$0xC160] =	vst.add.f32.msk $0xffff, v4  }
0x35b: {  	s22 =	simm.s32 $0x0;
	s13 =	rddreg [dreg:$0x1a]  }
0x35c: {  	[hbm4b:s13+s22] =	stream.linear.scatter [tilespmem:s26], [sflag:$0x8], $0x4000, $0x38;
	[tilespmem:$0x1C100] =	vst v63  }
0x35d: {  	_ =	swait.ge [sflag:s5], $0x4000  }
0x35e: {  	[sflag:s5] =	ssyncset.done $0x0  }
0x35f: {  	s15 =	rddreg [dreg:$0x1d];
	[sflag:s5] =	ssyncadd.s32 $0xFFFFC000  }
0x360: {  	[tilespmem:s11], [sflag:$0x2] =	stream.linear.gather [hbm4b:s15+s22], $0x4000, $0x38;
	[tilespmem:$0x1C100] =	vst v63  }
0x361: {  	v3 =	vld [tilespmem:$0xD0];
	_ =	sdelay $0x4  }
0x362: {  	v4 =	vshll.u32 v3, $0x3  }
0x363: {  	v3 =	vand.u32 $0x7, v3;
	v4 =	vand.u32 $0xFFFFFFC0, v4  }
0x364: {  	v3 =	vor.u32 v3, v4  }
0x365: {  	v4 =	vperm.xlane v3, v0;
	_ =	sdelay $0x1  }
0x366: {  	v4 =	vadd.s32 v1, v4;
	_ =	sdelay $0x3  }
0x367: {  	s16 =	simm.s32 $0x14100  }
0x368: {  	[tilespmem:s16], [sflag:$0xA] =	stream.indirect_vreg.gather [hbm4b:s31+s22], $0x80, v4, vm0, $0xb8;
	[tilespmem:$0x1C100] =	vst v63  }
0x369: {  	s23 =	simm.s32 $0x14900;
	v3 =	vperm.xlane v3, v2  }
0x36a: {  	[tilespmem:s23], [sflag:$0xA] =	stream.indirect_vreg.gather [hbm4b:s7+s22], $0x80, v4, vm0, $0xb8;
	[tilespmem:$0x1C100] =	vst v63  }
0x36b: {  	s14 =	simm.s32 $0x15100;
	v3 =	vadd.s32 v1, v3  }
0x36c: {  	[tilespmem:s14], [sflag:$0xA] =	stream.indirect_vreg.gather [hbm4b:s8+s22], $0x80, v4, vm0, $0xb8;
	[tilespmem:$0x1C100] =	vst v63  }
0x36d: {  	s15 =	simm.s32 $0x15900  }
0x36e: {  	[tilespmem:s15], [sflag:$0xA] =	stream.indirect_vreg.gather [hbm4b:s9+s22], $0x80, v4, vm0, $0xb8;
	[tilespmem:$0x1C100] =	vst v63  }
0x36f: {  	s16 =	simm.s32 $0x16100  }
0x370: {  	[tilespmem:s16], [sflag:$0xA] =	stream.indirect_vreg.gather [hbm4b:s31+s22], $0x80, v3, vm0, $0xb8;
	[tilespmem:$0x1C100] =	vst v63  }
0x371: {  	s23 =	simm.s32 $0x16900  }
0x372: {  	[tilespmem:s23], [sflag:$0xA] =	stream.indirect_vreg.gather [hbm4b:s7+s22], $0x80, v3, vm0, $0xb8;
	[tilespmem:$0x1C100] =	vst v63  }
0x373: {  	s14 =	simm.s32 $0x17100  }
0x374: {  	[tilespmem:s14], [sflag:$0xA] =	stream.indirect_vreg.gather [hbm4b:s8+s22], $0x80, v3, vm0, $0xb8;
	[tilespmem:$0x1C100] =	vst v63  }
0x375: {  	s15 =	simm.s32 $0x17900  }
0x376: {  	[tilespmem:s15], [sflag:$0xA] =	stream.indirect_vreg.gather [hbm4b:s9+s22], $0x80, v3, vm0, $0xb8;
	[tilespmem:$0x1C100] =	vst v63  }
0x377: {  	_ =	swait.ge [sflag:s30], $0x4000  }
0x378: {  	s16 =	simm.s32 $0x0;
	[sflag:s30] =	ssyncset.done $0x0  }
0x379: {  	s13 =	sand.u32 $0x2000, s16;
	[sflag:s30] =	ssyncadd.s32 $0xFFFFC000  }
0x37a: {  	s14 =	sand.u32 $0x1C00, s22;
	s15 =	simm.s32 $0x0;
	_ =	swait.ge [sflag:s0], $0x4000  }
0x37b: {  	s13 =	sor.u32 s14, s13;
	s23 =	sand.u32 $0x380, s15;
	[sflag:s0] =	ssyncset.done $0x0  }
0x37c: {  	s23 =	sor.u32 s23, s13;
	[sflag:s0] =	ssyncadd.s32 $0xFFFFC000  }
0x37d: {  	v3 =	vld [tilespmem:s23+$0x10170]  }
0x37e: {  	v8 =	vld [tilespmem:s23+$0x10100]  }
0x37f: {  	v9 =	vld [tilespmem:s23+$0x10110]  }
0x380: {  	v7 =	vld [tilespmem:s23+$0x10120]  }
0x381: {  	v6 =	vld [tilespmem:s23+$0x10130]  }
0x382: {  	v5 =	vld [tilespmem:s23+$0x10140]  }
0x383: {  	v4 =	vld [tilespmem:s23+$0x10160]  }
0x384: {  	[tilespmem:s23+$0x170] =	vst.add.f32.msk $0xffff, v3  }
0x385: {  	v3 =	vld [tilespmem:s23+$0x10150]  }
0x386: {  	[tilespmem:s23+$0x100] =	vst.add.f32.msk $0xffff, v8  }
0x387: {  	s13 =	simm.s32 $0x0;
	[tilespmem:s23+$0x110] =	vst.add.f32.msk $0xffff, v9  }
.LBB2_26:
0x388: {  	s13 =	sadd.s32 $0x8, s13;
	[tilespmem:s23+$0x120] =	vst.add.f32.msk $0xffff, v7  }
0x389: {  	s22 =	sadd.s32 $0x400, s22;
	s14 =	sshll.u32 s13, $0x4;
	p0 =	slt.u32 s13, $0x3F8;
	[tilespmem:s23+$0x130] =	vst.add.f32.msk $0xffff, v6  }
0x38a: {  	s15 =	sand.u32 $0x1C00, s22;
	s16 =	sshll.u32 s13, $0x1;
	s14 =	sand.u32 $0x2000, s14;
	[tilespmem:s23+$0x140] =	vst.add.f32.msk $0xffff, v5  }
0x38b: {  	s14 =	sor.u32 s15, s14;
	s15 =	sand.u32 $0x380, s16;
	[tilespmem:s23+$0x150] =	vst.add.f32.msk $0xffff, v3  }
0x38c: {  	[tilespmem:s23+$0x160] =	vst.add.f32.msk $0xffff, v4;
	s23 =	sor.u32 s15, s14  }
0x38d: {  	v3 =	vld [tilespmem:s23+$0x10170]  }
0x38e: {  	v8 =	vld [tilespmem:s23+$0x10100]  }
0x38f: {  	v9 =	vld [tilespmem:s23+$0x10110]  }
0x390: {  	v7 =	vld [tilespmem:s23+$0x10120]  }
0x391: {  	v6 =	vld [tilespmem:s23+$0x10130]  }
0x392: {  	[tilespmem:s23+$0x170] =	vst.add.f32.msk $0xffff, v3  }
.Ltmp12:
0x393: {  	v5 =	vld [tilespmem:s23+$0x10140];
	(pc) =	sbr.rel @p0 .LBB2_26-.Ltmp12, $4  }
0x394: {  	v3 =	vld [tilespmem:s23+$0x10150]  }
0x395: {  	v4 =	vld [tilespmem:s23+$0x10160]  }
0x396: {  	[tilespmem:s23+$0x100] =	vst.add.f32.msk $0xffff, v8  }
0x397: {  	[tilespmem:s23+$0x110] =	vst.add.f32.msk $0xffff, v9  }
0x398: {  	[tilespmem:s23+$0x120] =	vst.add.f32.msk $0xffff, v7  }
0x399: {  	[tilespmem:s23+$0x130] =	vst.add.f32.msk $0xffff, v6  }
0x39a: {  	[tilespmem:s23+$0x140] =	vst.add.f32.msk $0xffff, v5  }
0x39b: {  	[tilespmem:s23+$0x150] =	vst.add.f32.msk $0xffff, v3  }
0x39c: {  	[tilespmem:s23+$0x160] =	vst.add.f32.msk $0xffff, v4  }
0x39d: {  	s22 =	simm.s32 $0x0;
	s13 =	rddreg [dreg:$0x1c]  }
0x39e: {  	[hbm4b:s13+s22] =	stream.linear.scatter [tilespmem:s10], [sflag:$0x5], $0x4000, $0x38;
	[tilespmem:$0x1C100] =	vst v63  }
0x39f: {  	_ =	swait.ge [sflag:s6], $0x4000  }
0x3a0: {  	s15 =	sld [smem:$0x7F8]  }
0x3a1: {  	[sflag:s6] =	ssyncset.done $0x0  }
0x3a2: {  	[sflag:s6] =	ssyncadd.s32 $0xFFFFC000  }
0x3a3: {  	[tilespmem:s2], [sflag:$0x3] =	stream.linear.gather [hbm4b:s15+s22], $0x4000, $0x38;
	[tilespmem:$0x1C100] =	vst v63  }
0x3a4: {  	v3 =	vld [tilespmem:$0xE0];
	_ =	sdelay $0x4  }
0x3a5: {  	v4 =	vshll.u32 v3, $0x3  }
0x3a6: {  	v3 =	vand.u32 $0x7, v3;
	v4 =	vand.u32 $0xFFFFFFC0, v4  }
0x3a7: {  	v3 =	vor.u32 v3, v4  }
0x3a8: {  	v4 =	vperm.xlane v3, v0;
	_ =	sdelay $0x1  }
0x3a9: {  	v4 =	vadd.s32 v1, v4;
	_ =	sdelay $0x3  }
0x3aa: {  	s16 =	simm.s32 $0x18100  }
0x3ab: {  	[tilespmem:s16], [sflag:$0xB] =	stream.indirect_vreg.gather [hbm4b:s31+s22], $0x80, v4, vm0, $0xb8;
	[tilespmem:$0x1C100] =	vst v63  }
0x3ac: {  	s23 =	simm.s32 $0x18900;
	v3 =	vperm.xlane v3, v2  }
0x3ad: {  	[tilespmem:s23], [sflag:$0xB] =	stream.indirect_vreg.gather [hbm4b:s7+s22], $0x80, v4, vm0, $0xb8;
	[tilespmem:$0x1C100] =	vst v63  }
0x3ae: {  	s14 =	simm.s32 $0x19100;
	v3 =	vadd.s32 v1, v3  }
0x3af: {  	[tilespmem:s14], [sflag:$0xB] =	stream.indirect_vreg.gather [hbm4b:s8+s22], $0x80, v4, vm0, $0xb8;
	[tilespmem:$0x1C100] =	vst v63  }
0x3b0: {  	s15 =	simm.s32 $0x19900  }
0x3b1: {  	[tilespmem:s15], [sflag:$0xB] =	stream.indirect_vreg.gather [hbm4b:s9+s22], $0x80, v4, vm0, $0xb8;
	[tilespmem:$0x1C100] =	vst v63  }
0x3b2: {  	s16 =	simm.s32 $0x1A100  }
0x3b3: {  	[tilespmem:s16], [sflag:$0xB] =	stream.indirect_vreg.gather [hbm4b:s31+s22], $0x80, v3, vm0, $0xb8;
	[tilespmem:$0x1C100] =	vst v63  }
0x3b4: {  	s23 =	simm.s32 $0x1A900  }
0x3b5: {  	[tilespmem:s23], [sflag:$0xB] =	stream.indirect_vreg.gather [hbm4b:s7+s22], $0x80, v3, vm0, $0xb8;
	[tilespmem:$0x1C100] =	vst v63  }
0x3b6: {  	s14 =	simm.s32 $0x1B100  }
0x3b7: {  	[tilespmem:s14], [sflag:$0xB] =	stream.indirect_vreg.gather [hbm4b:s8+s22], $0x80, v3, vm0, $0xb8;
	[tilespmem:$0x1C100] =	vst v63  }
0x3b8: {  	s15 =	simm.s32 $0x1B900  }
0x3b9: {  	[tilespmem:s15], [sflag:$0xB] =	stream.indirect_vreg.gather [hbm4b:s9+s22], $0x80, v3, vm0, $0xb8;
	[tilespmem:$0x1C100] =	vst v63  }
0x3ba: {  	_ =	swait.ge [sflag:s24], $0x4000  }
0x3bb: {  	s16 =	simm.s32 $0x0;
	[sflag:s24] =	ssyncset.done $0x0  }
0x3bc: {  	s13 =	sand.u32 $0x2000, s16;
	[sflag:s24] =	ssyncadd.s32 $0xFFFFC000  }
0x3bd: {  	s14 =	sand.u32 $0x1C00, s22;
	s15 =	simm.s32 $0x0;
	_ =	swait.ge [sflag:s25], $0x4000  }
0x3be: {  	s13 =	sor.u32 s14, s13;
	s23 =	sand.u32 $0x380, s15;
	[sflag:s25] =	ssyncset.done $0x0  }
0x3bf: {  	s23 =	sor.u32 s23, s13;
	[sflag:s25] =	ssyncadd.s32 $0xFFFFC000  }
0x3c0: {  	v3 =	vld [tilespmem:s23+$0x14170]  }
0x3c1: {  	v8 =	vld [tilespmem:s23+$0x14100]  }
0x3c2: {  	v9 =	vld [tilespmem:s23+$0x14110]  }
0x3c3: {  	v7 =	vld [tilespmem:s23+$0x14120]  }
0x3c4: {  	v6 =	vld [tilespmem:s23+$0x14130]  }
0x3c5: {  	v5 =	vld [tilespmem:s23+$0x14140]  }
0x3c6: {  	v4 =	vld [tilespmem:s23+$0x14160]  }
0x3c7: {  	[tilespmem:s23+$0x4170] =	vst.add.f32.msk $0xffff, v3  }
0x3c8: {  	v3 =	vld [tilespmem:s23+$0x14150]  }
0x3c9: {  	[tilespmem:s23+$0x4100] =	vst.add.f32.msk $0xffff, v8  }
0x3ca: {  	s13 =	simm.s32 $0x0;
	[tilespmem:s23+$0x4110] =	vst.add.f32.msk $0xffff, v9  }
.LBB2_28:
0x3cb: {  	s13 =	sadd.s32 $0x8, s13;
	[tilespmem:s23+$0x4120] =	vst.add.f32.msk $0xffff, v7  }
0x3cc: {  	s22 =	sadd.s32 $0x400, s22;
	s14 =	sshll.u32 s13, $0x4;
	p0 =	slt.u32 s13, $0x3F8;
	[tilespmem:s23+$0x4130] =	vst.add.f32.msk $0xffff, v6  }
0x3cd: {  	s15 =	sand.u32 $0x1C00, s22;
	s16 =	sshll.u32 s13, $0x1;
	s14 =	sand.u32 $0x2000, s14;
	[tilespmem:s23+$0x4140] =	vst.add.f32.msk $0xffff, v5  }
0x3ce: {  	s14 =	sor.u32 s15, s14;
	s15 =	sand.u32 $0x380, s16;
	[tilespmem:s23+$0x4150] =	vst.add.f32.msk $0xffff, v3  }
0x3cf: {  	[tilespmem:s23+$0x4160] =	vst.add.f32.msk $0xffff, v4;
	s23 =	sor.u32 s15, s14  }
0x3d0: {  	v3 =	vld [tilespmem:s23+$0x14170]  }
0x3d1: {  	v8 =	vld [tilespmem:s23+$0x14100]  }
0x3d2: {  	v9 =	vld [tilespmem:s23+$0x14110]  }
0x3d3: {  	v7 =	vld [tilespmem:s23+$0x14120]  }
0x3d4: {  	v6 =	vld [tilespmem:s23+$0x14130]  }
0x3d5: {  	[tilespmem:s23+$0x4170] =	vst.add.f32.msk $0xffff, v3  }
.Ltmp13:
0x3d6: {  	v5 =	vld [tilespmem:s23+$0x14140];
	(pc) =	sbr.rel @p0 .LBB2_28-.Ltmp13, $4  }
0x3d7: {  	v3 =	vld [tilespmem:s23+$0x14150]  }
0x3d8: {  	v4 =	vld [tilespmem:s23+$0x14160]  }
0x3d9: {  	[tilespmem:s23+$0x4100] =	vst.add.f32.msk $0xffff, v8  }
0x3da: {  	[tilespmem:s23+$0x4110] =	vst.add.f32.msk $0xffff, v9  }
0x3db: {  	[tilespmem:s23+$0x4120] =	vst.add.f32.msk $0xffff, v7  }
0x3dc: {  	[tilespmem:s23+$0x4130] =	vst.add.f32.msk $0xffff, v6  }
0x3dd: {  	[tilespmem:s23+$0x4140] =	vst.add.f32.msk $0xffff, v5  }
0x3de: {  	[tilespmem:s23+$0x4150] =	vst.add.f32.msk $0xffff, v3  }
0x3df: {  	[tilespmem:s23+$0x4160] =	vst.add.f32.msk $0xffff, v4  }
0x3e0: {  	s22 =	simm.s32 $0x0;
	s13 =	rddreg [dreg:$0x1e]  }
0x3e1: {  	[hbm4b:s13+s22] =	stream.linear.scatter [tilespmem:s11], [sflag:$0x6], $0x4000, $0x38;
	[tilespmem:$0x1C100] =	vst v63  }
0x3e2: {  	_ =	swait.ge [sflag:s12], $0x4000  }
0x3e3: {  	s15 =	sld [smem:$0x7F9]  }
0x3e4: {  	[sflag:s12] =	ssyncset.done $0x0  }
0x3e5: {  	[sflag:s12] =	ssyncadd.s32 $0xFFFFC000  }
0x3e6: {  	[tilespmem:s26], [sflag:$0x4] =	stream.linear.gather [hbm4b:s15+s22], $0x4000, $0x38;
	[tilespmem:$0x1C100] =	vst v63  }
0x3e7: {  	v3 =	vld [tilespmem:$0xF0];
	_ =	sdelay $0x4  }
0x3e8: {  	v4 =	vshll.u32 v3, $0x3  }
0x3e9: {  	v3 =	vand.u32 $0x7, v3;
	v4 =	vand.u32 $0xFFFFFFC0, v4  }
0x3ea: {  	v3 =	vor.u32 v3, v4  }
0x3eb: {  	v4 =	vperm.xlane v3, v0;
	_ =	sdelay $0x1  }
0x3ec: {  	v4 =	vadd.s32 v1, v4;
	_ =	sdelay $0x3  }
0x3ed: {  	s16 =	simm.s32 $0x10100  }
0x3ee: {  	[tilespmem:s16], [sflag:$0x9] =	stream.indirect_vreg.gather [hbm4b:s31+s22], $0x80, v4, vm0, $0xb8;
	[tilespmem:$0x1C100] =	vst v63  }
0x3ef: {  	s23 =	simm.s32 $0x10900;
	v3 =	vperm.xlane v3, v2  }
0x3f0: {  	[tilespmem:s23], [sflag:$0x9] =	stream.indirect_vreg.gather [hbm4b:s7+s22], $0x80, v4, vm0, $0xb8;
	[tilespmem:$0x1C100] =	vst v63  }
0x3f1: {  	s14 =	simm.s32 $0x11100;
	v3 =	vadd.s32 v1, v3  }
0x3f2: {  	[tilespmem:s14], [sflag:$0x9] =	stream.indirect_vreg.gather [hbm4b:s8+s22], $0x80, v4, vm0, $0xb8;
	[tilespmem:$0x1C100] =	vst v63  }
0x3f3: {  	s15 =	simm.s32 $0x11900  }
0x3f4: {  	[tilespmem:s15], [sflag:$0x9] =	stream.indirect_vreg.gather [hbm4b:s9+s22], $0x80, v4, vm0, $0xb8;
	[tilespmem:$0x1C100] =	vst v63  }
0x3f5: {  	_ = 	snop  }
0x3f6: {  	[tilespmem:s17], [sflag:$0x9] =	stream.indirect_vreg.gather [hbm4b:s31+s22], $0x80, v3, vm0, $0xb8;
	[tilespmem:$0x1C100] =	vst v63  }
0x3f7: {  	_ = 	snop  }
0x3f8: {  	[tilespmem:s18], [sflag:$0x9] =	stream.indirect_vreg.gather [hbm4b:s7+s22], $0x80, v3, vm0, $0xb8;
	[tilespmem:$0x1C100] =	vst v63  }
0x3f9: {  	_ = 	snop  }
0x3fa: {  	[tilespmem:s19], [sflag:$0x9] =	stream.indirect_vreg.gather [hbm4b:s8+s22], $0x80, v3, vm0, $0xb8;
	[tilespmem:$0x1C100] =	vst v63  }
0x3fb: {  	_ = 	snop  }
0x3fc: {  	[tilespmem:s20], [sflag:$0x9] =	stream.indirect_vreg.gather [hbm4b:s9+s22], $0x80, v3, vm0, $0xb8;
	[tilespmem:$0x1C100] =	vst v63  }
0x3fd: {  	_ =	swait.ge [sflag:s28], $0x4000  }
0x3fe: {  	s16 =	simm.s32 $0x0;
	[sflag:s28] =	ssyncset.done $0x0  }
0x3ff: {  	s13 =	sand.u32 $0x2000, s16;
	[sflag:s28] =	ssyncadd.s32 $0xFFFFC000  }
0x400: {  	s14 =	sand.u32 $0x1C00, s22;
	s15 =	simm.s32 $0x0;
	_ =	swait.ge [sflag:s29], $0x4000  }
0x401: {  	s13 =	sor.u32 s14, s13;
	s23 =	sand.u32 $0x380, s15;
	[sflag:s29] =	ssyncset.done $0x0  }
0x402: {  	s23 =	sor.u32 s23, s13;
	[sflag:s29] =	ssyncadd.s32 $0xFFFFC000  }
0x403: {  	v3 =	vld [tilespmem:s23+$0x18170]  }
0x404: {  	v8 =	vld [tilespmem:s23+$0x18100]  }
0x405: {  	v9 =	vld [tilespmem:s23+$0x18110]  }
0x406: {  	v7 =	vld [tilespmem:s23+$0x18120]  }
0x407: {  	v6 =	vld [tilespmem:s23+$0x18130]  }
0x408: {  	v5 =	vld [tilespmem:s23+$0x18140]  }
0x409: {  	v4 =	vld [tilespmem:s23+$0x18160]  }
0x40a: {  	[tilespmem:s23+$0x8170] =	vst.add.f32.msk $0xffff, v3  }
0x40b: {  	v3 =	vld [tilespmem:s23+$0x18150]  }
0x40c: {  	[tilespmem:s23+$0x8100] =	vst.add.f32.msk $0xffff, v8  }
0x40d: {  	s13 =	simm.s32 $0x0;
	[tilespmem:s23+$0x8110] =	vst.add.f32.msk $0xffff, v9  }
.LBB2_30:
0x40e: {  	s13 =	sadd.s32 $0x8, s13;
	[tilespmem:s23+$0x8120] =	vst.add.f32.msk $0xffff, v7  }
0x40f: {  	s22 =	sadd.s32 $0x400, s22;
	s14 =	sshll.u32 s13, $0x4;
	p0 =	slt.u32 s13, $0x3F8;
	[tilespmem:s23+$0x8130] =	vst.add.f32.msk $0xffff, v6  }
0x410: {  	s15 =	sand.u32 $0x1C00, s22;
	s16 =	sshll.u32 s13, $0x1;
	s14 =	sand.u32 $0x2000, s14;
	[tilespmem:s23+$0x8140] =	vst.add.f32.msk $0xffff, v5  }
0x411: {  	s14 =	sor.u32 s15, s14;
	s15 =	sand.u32 $0x380, s16;
	[tilespmem:s23+$0x8150] =	vst.add.f32.msk $0xffff, v3  }
0x412: {  	[tilespmem:s23+$0x8160] =	vst.add.f32.msk $0xffff, v4;
	s23 =	sor.u32 s15, s14  }
0x413: {  	v3 =	vld [tilespmem:s23+$0x18170]  }
0x414: {  	v8 =	vld [tilespmem:s23+$0x18100]  }
0x415: {  	v9 =	vld [tilespmem:s23+$0x18110]  }
0x416: {  	v7 =	vld [tilespmem:s23+$0x18120]  }
0x417: {  	v6 =	vld [tilespmem:s23+$0x18130]  }
0x418: {  	[tilespmem:s23+$0x8170] =	vst.add.f32.msk $0xffff, v3  }
.Ltmp14:
0x419: {  	v5 =	vld [tilespmem:s23+$0x18140];
	(pc) =	sbr.rel @p0 .LBB2_30-.Ltmp14, $4  }
0x41a: {  	v3 =	vld [tilespmem:s23+$0x18150]  }
0x41b: {  	v4 =	vld [tilespmem:s23+$0x18160]  }
0x41c: {  	[tilespmem:s23+$0x8100] =	vst.add.f32.msk $0xffff, v8  }
0x41d: {  	[tilespmem:s23+$0x8110] =	vst.add.f32.msk $0xffff, v9  }
0x41e: {  	[tilespmem:s23+$0x8120] =	vst.add.f32.msk $0xffff, v7  }
0x41f: {  	[tilespmem:s23+$0x8130] =	vst.add.f32.msk $0xffff, v6  }
0x420: {  	[tilespmem:s23+$0x8140] =	vst.add.f32.msk $0xffff, v5  }
0x421: {  	[tilespmem:s23+$0x8150] =	vst.add.f32.msk $0xffff, v3  }
0x422: {  	[tilespmem:s23+$0x8160] =	vst.add.f32.msk $0xffff, v4  }
0x423: {  	s13 =	sld [smem:$0x7FA];
	_ =	sdelay $0x1  }
0x424: {  	s22 =	simm.s32 $0x0  }
0x425: {  	[hbm4b:s13+s22] =	stream.linear.scatter [tilespmem:s2], [sflag:$0x7], $0x4000, $0x38;
	[tilespmem:$0x1C100] =	vst v63  }
0x426: {  	_ =	swait.ge [sflag:s4], $0x4000  }
0x427: {  	[sflag:s4] =	ssyncset.done $0x0  }
0x428: {  	s16 =	simm.s32 $0x0;
	s15 =	simm.s32 $0x0;
	[sflag:s4] =	ssyncadd.s32 $0xFFFFC000  }
0x429: {  	s14 =	sand.u32 $0x1C00, s22;
	s13 =	sand.u32 $0x2000, s16;
	_ =	swait.ge [sflag:s0], $0x4000  }
0x42a: {  	s23 =	sand.u32 $0x380, s15;
	s13 =	sor.u32 s14, s13;
	[sflag:s0] =	ssyncset.done $0x0  }
0x42b: {  	s23 =	sor.u32 s23, s13;
	[sflag:s0] =	ssyncadd.s32 $0xFFFFC000  }
0x42c: {  	v3 =	vld [tilespmem:s23+$0x10170]  }
0x42d: {  	v8 =	vld [tilespmem:s23+$0x10100]  }
0x42e: {  	v9 =	vld [tilespmem:s23+$0x10110]  }
0x42f: {  	v7 =	vld [tilespmem:s23+$0x10120]  }
0x430: {  	v6 =	vld [tilespmem:s23+$0x10130]  }
0x431: {  	v5 =	vld [tilespmem:s23+$0x10140]  }
0x432: {  	v4 =	vld [tilespmem:s23+$0x10160]  }
0x433: {  	[tilespmem:s23+$0xC170] =	vst.add.f32.msk $0xffff, v3  }
0x434: {  	v3 =	vld [tilespmem:s23+$0x10150]  }
0x435: {  	[tilespmem:s23+$0xC100] =	vst.add.f32.msk $0xffff, v8  }
0x436: {  	s13 =	simm.s32 $0x0;
	[tilespmem:s23+$0xC110] =	vst.add.f32.msk $0xffff, v9  }
.LBB2_32:
0x437: {  	s13 =	sadd.s32 $0x8, s13;
	[tilespmem:s23+$0xC120] =	vst.add.f32.msk $0xffff, v7  }
0x438: {  	s22 =	sadd.s32 $0x400, s22;
	s14 =	sshll.u32 s13, $0x4;
	p0 =	slt.u32 s13, $0x3F8;
	[tilespmem:s23+$0xC130] =	vst.add.f32.msk $0xffff, v6  }
0x439: {  	s15 =	sand.u32 $0x1C00, s22;
	s16 =	sshll.u32 s13, $0x1;
	s14 =	sand.u32 $0x2000, s14;
	[tilespmem:s23+$0xC140] =	vst.add.f32.msk $0xffff, v5  }
0x43a: {  	s14 =	sor.u32 s15, s14;
	s15 =	sand.u32 $0x380, s16;
	[tilespmem:s23+$0xC150] =	vst.add.f32.msk $0xffff, v3  }
0x43b: {  	[tilespmem:s23+$0xC160] =	vst.add.f32.msk $0xffff, v4;
	s23 =	sor.u32 s15, s14  }
0x43c: {  	v3 =	vld [tilespmem:s23+$0x10170]  }
0x43d: {  	v8 =	vld [tilespmem:s23+$0x10100]  }
0x43e: {  	v9 =	vld [tilespmem:s23+$0x10110]  }
0x43f: {  	v7 =	vld [tilespmem:s23+$0x10120]  }
0x440: {  	v6 =	vld [tilespmem:s23+$0x10130]  }
0x441: {  	[tilespmem:s23+$0xC170] =	vst.add.f32.msk $0xffff, v3  }
.Ltmp15:
0x442: {  	v5 =	vld [tilespmem:s23+$0x10140];
	(pc) =	sbr.rel @p0 .LBB2_32-.Ltmp15, $4  }
0x443: {  	v3 =	vld [tilespmem:s23+$0x10150]  }
0x444: {  	v4 =	vld [tilespmem:s23+$0x10160]  }
0x445: {  	[tilespmem:s23+$0xC100] =	vst.add.f32.msk $0xffff, v8  }
0x446: {  	[tilespmem:s23+$0xC110] =	vst.add.f32.msk $0xffff, v9  }
0x447: {  	[tilespmem:s23+$0xC120] =	vst.add.f32.msk $0xffff, v7  }
0x448: {  	[tilespmem:s23+$0xC130] =	vst.add.f32.msk $0xffff, v6  }
0x449: {  	[tilespmem:s23+$0xC140] =	vst.add.f32.msk $0xffff, v5  }
0x44a: {  	[tilespmem:s23+$0xC150] =	vst.add.f32.msk $0xffff, v3  }
0x44b: {  	[tilespmem:s23+$0xC160] =	vst.add.f32.msk $0xffff, v4  }
0x44c: {  	s13 =	sld [smem:$0x7FB];
	_ =	sdelay $0x2  }
0x44d: {  	[hbm4b:s13+s1] =	stream.linear.scatter [tilespmem:s26], [sflag:$0x8], $0x4000, $0x38;
	[tilespmem:$0x1C100] =	vst v63  }
0x44e: {  	_ =	swait.ge [sflag:s3], $0x4000  }
0x44f: {  	[sflag:s3] =	ssyncset.done $0x0  }
0x450: {  	[sflag:s3] =	ssyncadd.s32 $0xFFFFC000  }
0x451: {  	_ =	swait.ge [sflag:s5], $0x4000  }
0x452: {  	[sflag:s5] =	ssyncset.done $0x0  }
0x453: {  	[sflag:s5] =	ssyncadd.s32 $0xFFFFC000  }
0x454: {  	_ =	swait.ge [sflag:s6], $0x4000  }
0x455: {  	[sflag:s6] =	ssyncset.done $0x0  }
0x456: {  	[sflag:s6] =	ssyncadd.s32 $0xFFFFC000  }
0x457: {  	_ =	swait.ge [sflag:s12], $0x4000  }
0x458: {  	s23 =	sld [smem:$0x7FD];
	_ =	sdelay $0x1  }
0x459: {  	s21 =	sadd.s32 $0x1, s21  }
0x45a: {  	p0 =	sne.s32 s21, s23  }
.Ltmp16:
0x45b: {  	_ = 	snop;
	(pc) =	sbr.rel @p0 .LBB2_1-.Ltmp16, $3  }
0x45c: {  	_ =	sdelay $0x1  }
0x45d: {  	[sflag:s12] =	ssyncset.done $0x0  }
0x45e: {  	[sflag:s12] =	ssyncadd.s32 $0xFFFFC000  }
0x45f: {  	_ =	sfence.sel $0x180000  }
0x460: {  	[bflag:$0x0] =	sbarrier.arrive $0xFFFF  }
0x461: {  	_ =	strace $0x90000047  }
0x462: {  	s0 =	stileid.u32;
	[bflag:$0x2] =	sbarrier.arrive $0xFFFF  }
0x463: {  	p0 =	sne.s32 s0, $0x0;
	s0 =	rddreg [dreg:$0x4]  }
0x464: {  	s0 =	sadd.s32 @!p0 $0x100000, s0  }
0x465: {  	[sflag:s0] =	ssyncadd.tile.s32 @!p0 $0x1;
	_ =	shalt  }
.Lfunc_end2:
_tile_overlayer_lowered:
.L_overlay_start_2:
0x466: {  	(tag) =	ssettag $0x2  }
0x467: {  	s0 =	rddreg [dreg:$0x0];
	s2 =	stileid.u32  }
0x468: {  	s1 =	rddreg [dreg:$0x1];
	p0 =	sne.s32 s2, $0x0  }
0x469: {  	s3 =	rddreg [dreg:$0x2];
	[bflag:$0x3] =	sbarrier.arrive $0xFFFF;
	s2 =	simm.s32 @!p0 $0x1C0C  }
0x46a: {  	[timem:s3], [sflag:s2] =	dma.local @!p0 [hbm:s0], s1  }
0x46b: {  	s0 =	simm.s32 @!p0 $0xC  }
0x46c: {  	_ =	swait.ge @!p0 [sflag:s0], s1  }
0x46d: {  	s1 =	ssub.s32 @!p0 $0x0, s1;
	[sflag:s0] =	ssyncset.done @!p0 $0x0  }
0x46e: {  	[sflag:s0] =	ssyncadd.s32 @!p0 s1  }
0x46f: {  	[bflag:$0x3] =	sbarrier.arrive $0xFFFF  }
0x470: {  	_ =	shalt  }

</sc_bundles>
